<compile_context>
chip_gen: v7x
topology: tpu7x:2x2x1
jax: 0.10.2.dev20260603
libtpu: 0.0.44.dev20260713+nightly
codegen_flags: <defaults>
</compile_context>

<pallas_src>
import functools

import jax
import jax.numpy as jnp
from jax import lax
from jax.experimental import pallas as pl
from jax.experimental.pallas import tpu as pltpu
from jax.experimental.pallas import tpu_sc as plsc

_B = 4096
_L = 200
_EMB = 64
_OUT = 128

_NW = 32
_CH = 128
_NBUF = 5
_NPIPE = 4
_BP = _B // _NPIPE
_CHUNKS = (_BP * _L) // (_NW * _CH)
_NGROUP = _CHUNKS // _NBUF

_BB = 64
_LH = _L // 2
_SENT = -1e35


def _sc_gather(tok2, table):
    mesh = plsc.VectorSubcoreMesh(core_axis_name="c", subcore_axis_name="s")

    @functools.partial(
        pl.kernel,
        mesh=mesh,
        out_type=jax.ShapeDtypeStruct((_BP * _L, _EMB), jnp.float32),
        scratch_types=(
            [pltpu.VMEM((_CHUNKS, _CH), jnp.int32),
             pltpu.VMEM((_NBUF, _CH, _EMB), jnp.float32)]
            + [pltpu.SemaphoreType.DMA] * _NBUF
        ),
        compiler_params=pltpu.CompilerParams(use_tc_tiling_on_sc=False),
    )
    def k(tok_hbm, table_hbm, out_hbm, idx_v, rows_v, *sems):
        wid = lax.axis_index("s") * 2 + lax.axis_index("c")
        pltpu.sync_copy(tok_hbm.at[pl.ds(wid * _CHUNKS, _CHUNKS)], idx_v)
        for t in range(_NBUF):
            pltpu.async_copy(table_hbm.at[idx_v.at[t]], rows_v.at[t], sems[t])

        def body(g, carry):
            for t in range(_NBUF):
                j = g * _NBUF + t
                pltpu.make_async_copy(
                    table_hbm.at[idx_v.at[j]], rows_v.at[t], sems[t]
                ).wait()
                pltpu.sync_copy(
                    rows_v.at[t],
                    out_hbm.at[pl.ds((wid * _CHUNKS + j) * _CH, _CH)],
                )

                @pl.when(g < _NGROUP - 1)
                def _():
                    pltpu.async_copy(
                        table_hbm.at[idx_v.at[j + _NBUF]], rows_v.at[t], sems[t]
                    )

            return carry

        lax.fori_loop(0, _NGROUP, body, 0)

    return k(tok2, table)


def _tc_body(x_ref, wt_ref, b_ref, o_ref):
    x0 = x_ref[...]
    sent = jnp.float32(_SENT)

    def dup(op, a128):
        return op(a128, jnp.roll(a128, _EMB, axis=-1))

    def round_(_, carry):
        t, c, v20, v21 = carry
        v20 = jnp.where(c < 20.0, t, v20)
        v21 = jnp.where(c < 21.0, t, v21)
        masked = jnp.where(x0 < t[:, None, :], x0, sent)
        m = dup(jnp.maximum, jnp.max(masked, axis=1))
        s = dup(jnp.add, jnp.sum(masked, axis=1))
        cnt = jnp.round(s * jnp.float32(-1e-35))
        return m, cnt, v20, v21

    zeros = jnp.zeros((_BB, 2 * _EMB), jnp.float32)
    m0 = dup(jnp.maximum, jnp.max(x0, axis=1))
    _, _, v20, v21 = lax.fori_loop(
        0, 21, round_, (m0, zeros, zeros, zeros)
    )
    qs = v21 + jnp.float32(0.1) * (v20 - v21)
    s128 = jnp.sum(jnp.where(x0 >= qs[:, None, :], x0, 0.0), axis=1)
    pooled = dup(jnp.add, s128)[:, :_EMB] * jnp.float32(1.0 / _L)
    o_ref[...] = (
        jnp.dot(pooled, wt_ref[...], preferred_element_type=jnp.float32)
        + b_ref[...]
    )


def _tc_call(gathered3, wt, b2):
    grid = _BP // _BB
    return pl.pallas_call(
        _tc_body,
        grid=(grid,),
        in_specs=[
            pl.BlockSpec((_BB, _LH, 2 * _EMB), lambda i: (i, 0, 0)),
            pl.BlockSpec((_EMB, _OUT), lambda i: (0, 0)),
            pl.BlockSpec((1, _OUT), lambda i: (0, 0)),
        ],
        out_specs=pl.BlockSpec((_BB, _OUT), lambda i: (i, 0)),
        out_shape=jax.ShapeDtypeStruct((_BP, _OUT), jnp.float32),
    )(gathered3, wt, b2)


def kernel(tokens, table, W, b):
    tok2 = tokens.astype(jnp.int32).reshape(-1, _CH)
    wt = W.T
    b2 = b.reshape(1, _OUT)
    rows_per_slice = (_BP * _L) // _CH
    outs = []
    for p in range(_NPIPE):
        tok_p = lax.slice_in_dim(tok2, p * rows_per_slice,
                                 (p + 1) * rows_per_slice, axis=0)
        gathered = _sc_gather(tok_p, table)
        gathered3 = gathered.reshape(_BP, _LH, 2 * _EMB)
        outs.append(_tc_call(gathered3, wt, b2))
    return jnp.concatenate(outs, axis=0)

# --- scband reference (transcript-rebuilt; emitter-appended) ---
"""Pipeline reference for scband-model-90185723281594 (READ-ONLY COPY).

The authoritative reference and input builder live on the scoring server;
editing this copy changes nothing except your own understanding.
"""

import jax, jax.numpy as jnp
import numpy as np

VOCAB = 1000000
EMB = 64
OUT = 128
B = 4096
L = 200

def setup_inputs(seed: int = 0) -> dict:
    key = jax.random.key(seed)
    k1, k2, k3 = jax.random.split(key, 3)
    tokens = jax.random.randint(k1, (B, L), 0, VOCAB)
    table = jax.random.normal(k2, (VOCAB, EMB), dtype=jnp.float32)
    table = table.at[0].set(0.0)  # padding_idx=0
    W = jax.random.normal(k3, (OUT, EMB), dtype=jnp.float32) * 0.02
    b = jnp.zeros((OUT,), dtype=jnp.float32)
    return {"tokens": tokens, "table": table, "W": W, "b": b}

def reference(tokens, table, W, b):
    # embedding lookup (padding row forced to zero, matching padding_idx=0)
    t = table.at[0].set(0.0)
    out = jnp.take(t, tokens, axis=0)                     # [B, L, EMB]
    # dropout is a no-op in eval / not applied before quantile in original forward
    qs = jnp.quantile(out, 0.9, axis=1, keepdims=True)    # [B, 1, EMB], linear interpolation matches torch default
    out = jnp.where(out >= qs, out, 0.0)                  # [B, L, EMB]
    out = jnp.mean(out, axis=1)                           # [B, EMB]
    out = out @ W.T + b                                   # [B, OUT]
    return out

if __name__ == "__main__":
    import jax
    _d = setup_inputs()
    print(jax.jit(kernel)(*tuple(_d.values())))

</pallas_src>

<mosaic_0001>
#map = affine_map<(d0, d1) -> (0, 0)>
module attributes {stable_mosaic.version = 14 : i64} {
  func.func @k(%arg0: i32, %arg1: i32, %arg2: memref<1600x128xi32, #tpu.memory_space<hbm>>, %arg3: memref<1000000x64xf32, #tpu.memory_space<hbm>>, %arg4: memref<204800x64xf32, #tpu.memory_space<hbm>>, %arg5: memref<50x128xi32, #tpu.memory_space<vmem>>, %arg6: memref<5x128x64xf32, #tpu.memory_space<vmem>>, %arg7: memref<!tpu.dma_semaphore, #tpu.memory_space<semaphore_mem>>, %arg8: memref<!tpu.dma_semaphore, #tpu.memory_space<semaphore_mem>>, %arg9: memref<!tpu.dma_semaphore, #tpu.memory_space<semaphore_mem>>, %arg10: memref<!tpu.dma_semaphore, #tpu.memory_space<semaphore_mem>>, %arg11: memref<!tpu.dma_semaphore, #tpu.memory_space<semaphore_mem>>) attributes {dimension_semantics = [#tpu.dimension_semantics<core_parallel>, #tpu.dimension_semantics<subcore_parallel>], iteration_bounds = array<i64: 2, 16>, scalar_prefetch = 0 : i64, scratch_operands = 7 : i64, tpu.core_type = #tpu.core_type<sc_vector_subcore>, window_params = [{transform_indices = #map}, {transform_indices = #map}, {transform_indices = #map}]} {
    %mul3A = arith.constant 2 : i32
    %mul3A_0 = arith.muli %arg1, %mul3A : i32
    %add3A = arith.addi %mul3A_0, %arg0 : i32
    %mul3A_1 = arith.constant 50 : i32
    %mul3A_2 = arith.muli %add3A, %mul3A_1 : i32
    "tpu.region"() ({
      %run_scoped3A = tpu.sem_alloc : memref<!tpu.dma_semaphore, #tpu.memory_space<semaphore_mem>>
      %dma_start3A_67 = arith.constant 0 : i32
      %dma_start3A_68 = tpu.memref_slice %arg2[%mul3A_2, %dma_start3A_67] : memref<1600x128xi32, #tpu.memory_space<hbm>> -> memref<50x128xi32, #tpu.memory_space<hbm>>
      %dma_start3A_69 = arith.constant 0 : i32
      %dma_start3A_70 = tpu.memref_slice %arg2[%mul3A_2, %dma_start3A_69] : memref<1600x128xi32, #tpu.memory_space<hbm>> -> memref<50x128xi32, #tpu.memory_space<hbm>>
      tpu.enqueue_dma source(%dma_start3A_70 : memref<50x128xi32, #tpu.memory_space<hbm>>) target(%arg5 : memref<50x128xi32, #tpu.memory_space<vmem>>) target_semaphore(%run_scoped3A : memref<!tpu.dma_semaphore, #tpu.memory_space<semaphore_mem>>)
      %dma_wait3A = arith.constant 0 : i32
      %dma_wait3A_71 = tpu.memref_slice %arg2[%mul3A_2, %dma_wait3A] : memref<1600x128xi32, #tpu.memory_space<hbm>> -> memref<50x128xi32, #tpu.memory_space<hbm>>
      %dma_wait3A_72 = arith.constant 0 : i32
      %dma_wait3A_73 = tpu.memref_slice %arg2[%mul3A_2, %dma_wait3A_72] : memref<1600x128xi32, #tpu.memory_space<hbm>> -> memref<50x128xi32, #tpu.memory_space<hbm>>
      tpu.wait_dma2 semaphore(%run_scoped3A : memref<!tpu.dma_semaphore, #tpu.memory_space<semaphore_mem>>) src(%dma_wait3A_73 : memref<50x128xi32, #tpu.memory_space<hbm>>) dst(%arg5 : memref<50x128xi32, #tpu.memory_space<vmem>>)
      tpu.yield
    }) : () -> ()
    %dma_start3A = arith.constant 0 : i32
    %dma_start3A_3 = arith.constant 0 : i32
    %dma_start3A_4 = arith.constant 0 : i32
    %dma_start3A_5 = arith.constant 0 : i32
    %dma_start3A_6 = tpu.memref_slice %arg6[%dma_start3A_3, %dma_start3A_4, %dma_start3A_5] : memref<5x128x64xf32, #tpu.memory_space<vmem>> -> memref<1x128x64xf32, #tpu.memory_space<vmem>>
    %dma_start3A_7 = tpu.memref_squeeze %dma_start3A_6 : memref<1x128x64xf32, #tpu.memory_space<vmem>> -> memref<128x64xf32, #tpu.memory_space<vmem>>
    %dma_start3A_8 = arith.constant 0 : i32
    %dma_start3A_9 = tpu.memref_slice %arg5[%dma_start3A, %dma_start3A_8] : memref<50x128xi32, #tpu.memory_space<vmem>> -> memref<1x128xi32, #tpu.memory_space<vmem>>
    %dma_start3A_10 = tpu.memref_squeeze %dma_start3A_9 : memref<1x128xi32, #tpu.memory_space<vmem>> -> memref<128xi32, #tpu.memory_space<vmem>>
    %dma_start3A_11 = arith.constant 0 : i32
    %dma_start3A_12 = arith.constant 0 : i32
    %dma_start3A_13 = tpu.memref_slice %arg3[%dma_start3A_11, %dma_start3A_12] : memref<1000000x64xf32, #tpu.memory_space<hbm>> -> memref<1000000x64xf32, #tpu.memory_space<hbm>>
    tpu.enqueue_indirect_dma source(%dma_start3A_13 : memref<1000000x64xf32, #tpu.memory_space<hbm>>) target(%dma_start3A_7 : memref<128x64xf32, #tpu.memory_space<vmem>>) offsets(%dma_start3A_10 : memref<128xi32, #tpu.memory_space<vmem>>) semaphore(%arg7 : memref<!tpu.dma_semaphore, #tpu.memory_space<semaphore_mem>>)
    %dma_start3A_14 = arith.constant 1 : i32
    %dma_start3A_15 = arith.constant 1 : i32
    %dma_start3A_16 = arith.constant 0 : i32
    %dma_start3A_17 = arith.constant 0 : i32
    %dma_start3A_18 = tpu.memref_slice %arg6[%dma_start3A_15, %dma_start3A_16, %dma_start3A_17] : memref<5x128x64xf32, #tpu.memory_space<vmem>> -> memref<1x128x64xf32, #tpu.memory_space<vmem>>
    %dma_start3A_19 = tpu.memref_squeeze %dma_start3A_18 : memref<1x128x64xf32, #tpu.memory_space<vmem>> -> memref<128x64xf32, #tpu.memory_space<vmem>>
    %dma_start3A_20 = arith.constant 0 : i32
    %dma_start3A_21 = tpu.memref_slice %arg5[%dma_start3A_14, %dma_start3A_20] : memref<50x128xi32, #tpu.memory_space<vmem>> -> memref<1x128xi32, #tpu.memory_space<vmem>>
    %dma_start3A_22 = tpu.memref_squeeze %dma_start3A_21 : memref<1x128xi32, #tpu.memory_space<vmem>> -> memref<128xi32, #tpu.memory_space<vmem>>
    %dma_start3A_23 = arith.constant 0 : i32
    %dma_start3A_24 = arith.constant 0 : i32
    %dma_start3A_25 = tpu.memref_slice %arg3[%dma_start3A_23, %dma_start3A_24] : memref<1000000x64xf32, #tpu.memory_space<hbm>> -> memref<1000000x64xf32, #tpu.memory_space<hbm>>
    tpu.enqueue_indirect_dma source(%dma_start3A_25 : memref<1000000x64xf32, #tpu.memory_space<hbm>>) target(%dma_start3A_19 : memref<128x64xf32, #tpu.memory_space<vmem>>) offsets(%dma_start3A_22 : memref<128xi32, #tpu.memory_space<vmem>>) semaphore(%arg8 : memref<!tpu.dma_semaphore, #tpu.memory_space<semaphore_mem>>)
    %dma_start3A_26 = arith.constant 2 : i32
    %dma_start3A_27 = arith.constant 2 : i32
    %dma_start3A_28 = arith.constant 0 : i32
    %dma_start3A_29 = arith.constant 0 : i32
    %dma_start3A_30 = tpu.memref_slice %arg6[%dma_start3A_27, %dma_start3A_28, %dma_start3A_29] : memref<5x128x64xf32, #tpu.memory_space<vmem>> -> memref<1x128x64xf32, #tpu.memory_space<vmem>>
    %dma_start3A_31 = tpu.memref_squeeze %dma_start3A_30 : memref<1x128x64xf32, #tpu.memory_space<vmem>> -> memref<128x64xf32, #tpu.memory_space<vmem>>
    %dma_start3A_32 = arith.constant 0 : i32
    %dma_start3A_33 = tpu.memref_slice %arg5[%dma_start3A_26, %dma_start3A_32] : memref<50x128xi32, #tpu.memory_space<vmem>> -> memref<1x128xi32, #tpu.memory_space<vmem>>
    %dma_start3A_34 = tpu.memref_squeeze %dma_start3A_33 : memref<1x128xi32, #tpu.memory_space<vmem>> -> memref<128xi32, #tpu.memory_space<vmem>>
    %dma_start3A_35 = arith.constant 0 : i32
    %dma_start3A_36 = arith.constant 0 : i32
    %dma_start3A_37 = tpu.memref_slice %arg3[%dma_start3A_35, %dma_start3A_36] : memref<1000000x64xf32, #tpu.memory_space<hbm>> -> memref<1000000x64xf32, #tpu.memory_space<hbm>>
    tpu.enqueue_indirect_dma source(%dma_start3A_37 : memref<1000000x64xf32, #tpu.memory_space<hbm>>) target(%dma_start3A_31 : memref<128x64xf32, #tpu.memory_space<vmem>>) offsets(%dma_start3A_34 : memref<128xi32, #tpu.memory_space<vmem>>) semaphore(%arg9 : memref<!tpu.dma_semaphore, #tpu.memory_space<semaphore_mem>>)
    %dma_start3A_38 = arith.constant 3 : i32
    %dma_start3A_39 = arith.constant 3 : i32
    %dma_start3A_40 = arith.constant 0 : i32
    %dma_start3A_41 = arith.constant 0 : i32
    %dma_start3A_42 = tpu.memref_slice %arg6[%dma_start3A_39, %dma_start3A_40, %dma_start3A_41] : memref<5x128x64xf32, #tpu.memory_space<vmem>> -> memref<1x128x64xf32, #tpu.memory_space<vmem>>
    %dma_start3A_43 = tpu.memref_squeeze %dma_start3A_42 : memref<1x128x64xf32, #tpu.memory_space<vmem>> -> memref<128x64xf32, #tpu.memory_space<vmem>>
    %dma_start3A_44 = arith.constant 0 : i32
    %dma_start3A_45 = tpu.memref_slice %arg5[%dma_start3A_38, %dma_start3A_44] : memref<50x128xi32, #tpu.memory_space<vmem>> -> memref<1x128xi32, #tpu.memory_space<vmem>>
    %dma_start3A_46 = tpu.memref_squeeze %dma_start3A_45 : memref<1x128xi32, #tpu.memory_space<vmem>> -> memref<128xi32, #tpu.memory_space<vmem>>
    %dma_start3A_47 = arith.constant 0 : i32
    %dma_start3A_48 = arith.constant 0 : i32
    %dma_start3A_49 = tpu.memref_slice %arg3[%dma_start3A_47, %dma_start3A_48] : memref<1000000x64xf32, #tpu.memory_space<hbm>> -> memref<1000000x64xf32, #tpu.memory_space<hbm>>
    tpu.enqueue_indirect_dma source(%dma_start3A_49 : memref<1000000x64xf32, #tpu.memory_space<hbm>>) target(%dma_start3A_43 : memref<128x64xf32, #tpu.memory_space<vmem>>) offsets(%dma_start3A_46 : memref<128xi32, #tpu.memory_space<vmem>>) semaphore(%arg10 : memref<!tpu.dma_semaphore, #tpu.memory_space<semaphore_mem>>)
    %dma_start3A_50 = arith.constant 4 : i32
    %dma_start3A_51 = arith.constant 4 : i32
    %dma_start3A_52 = arith.constant 0 : i32
    %dma_start3A_53 = arith.constant 0 : i32
    %dma_start3A_54 = tpu.memref_slice %arg6[%dma_start3A_51, %dma_start3A_52, %dma_start3A_53] : memref<5x128x64xf32, #tpu.memory_space<vmem>> -> memref<1x128x64xf32, #tpu.memory_space<vmem>>
    %dma_start3A_55 = tpu.memref_squeeze %dma_start3A_54 : memref<1x128x64xf32, #tpu.memory_space<vmem>> -> memref<128x64xf32, #tpu.memory_space<vmem>>
    %dma_start3A_56 = arith.constant 0 : i32
    %dma_start3A_57 = tpu.memref_slice %arg5[%dma_start3A_50, %dma_start3A_56] : memref<50x128xi32, #tpu.memory_space<vmem>> -> memref<1x128xi32, #tpu.memory_space<vmem>>
    %dma_start3A_58 = tpu.memref_squeeze %dma_start3A_57 : memref<1x128xi32, #tpu.memory_space<vmem>> -> memref<128xi32, #tpu.memory_space<vmem>>
    %dma_start3A_59 = arith.constant 0 : i32
    %dma_start3A_60 = arith.constant 0 : i32
    %dma_start3A_61 = tpu.memref_slice %arg3[%dma_start3A_59, %dma_start3A_60] : memref<1000000x64xf32, #tpu.memory_space<hbm>> -> memref<1000000x64xf32, #tpu.memory_space<hbm>>
    tpu.enqueue_indirect_dma source(%dma_start3A_61 : memref<1000000x64xf32, #tpu.memory_space<hbm>>) target(%dma_start3A_55 : memref<128x64xf32, #tpu.memory_space<vmem>>) offsets(%dma_start3A_58 : memref<128xi32, #tpu.memory_space<vmem>>) semaphore(%arg11 : memref<!tpu.dma_semaphore, #tpu.memory_space<semaphore_mem>>)
    %scan3A = arith.constant 0 : i32
    %scan3A_62 = arith.constant 0 : i32
    %scan3A_63 = arith.constant 10 : i32
    %scan3A_64 = arith.addi %scan3A_62, %scan3A_63 : i32
    %scan3A_65 = arith.constant 1 : i32
    scf.for %scan3A_67 = %scan3A_62 to %scan3A_64 step %scan3A_65  : i32 {
      %mul3A_68 = arith.constant 5 : i32
      %mul3A_69 = arith.muli %scan3A_67, %mul3A_68 : i32
      %add3A_70 = arith.constant 0 : i32
      %add3A_71 = arith.addi %mul3A_69, %add3A_70 : i32
      %dma_wait3A = arith.constant 0 : i32
      %dma_wait3A_72 = arith.constant 0 : i32
      %dma_wait3A_73 = arith.constant 0 : i32
      %dma_wait3A_74 = tpu.memref_slice %arg6[%dma_wait3A, %dma_wait3A_72, %dma_wait3A_73] : memref<5x128x64xf32, #tpu.memory_space<vmem>> -> memref<1x128x64xf32, #tpu.memory_space<vmem>>
      %dma_wait3A_75 = tpu.memref_squeeze %dma_wait3A_74 : memref<1x128x64xf32, #tpu.memory_space<vmem>> -> memref<128x64xf32, #tpu.memory_space<vmem>>
      %dma_wait3A_76 = arith.constant 0 : i32
      %dma_wait3A_77 = tpu.memref_slice %arg5[%add3A_71, %dma_wait3A_76] : memref<50x128xi32, #tpu.memory_space<vmem>> -> memref<1x128xi32, #tpu.memory_space<vmem>>
      %dma_wait3A_78 = tpu.memref_squeeze %dma_wait3A_77 : memref<1x128xi32, #tpu.memory_space<vmem>> -> memref<128xi32, #tpu.memory_space<vmem>>
      %dma_wait3A_79 = arith.constant 0 : i32
      %dma_wait3A_80 = arith.constant 0 : i32
      %dma_wait3A_81 = tpu.memref_slice %arg3[%dma_wait3A_79, %dma_wait3A_80] : memref<1000000x64xf32, #tpu.memory_space<hbm>> -> memref<1000000x64xf32, #tpu.memory_space<hbm>>
      tpu.wait_indirect_dma semaphore(%arg7 : memref<!tpu.dma_semaphore, #tpu.memory_space<semaphore_mem>>) src(%dma_wait3A_81 : memref<1000000x64xf32, #tpu.memory_space<hbm>>) dst(%dma_wait3A_75 : memref<128x64xf32, #tpu.memory_space<vmem>>)
      %mul3A_82 = arith.constant 50 : i32
      %mul3A_83 = arith.muli %add3A, %mul3A_82 : i32
      %add3A_84 = arith.addi %mul3A_83, %add3A_71 : i32
      %mul3A_85 = arith.constant 128 : i32
      %mul3A_86 = arith.muli %add3A_84, %mul3A_85 : i32
      %run_scoped3A = arith.constant 0 : i32
      "tpu.region"() ({
        %run_scoped3A_193 = tpu.sem_alloc : memref<!tpu.dma_semaphore, #tpu.memory_space<semaphore_mem>>
        %dma_start3A_194 = arith.constant 0 : i32
        %dma_start3A_195 = arith.constant 0 : i32
        %dma_start3A_196 = tpu.memref_slice %arg6[%run_scoped3A, %dma_start3A_194, %dma_start3A_195] : memref<5x128x64xf32, #tpu.memory_space<vmem>> -> memref<1x128x64xf32, #tpu.memory_space<vmem>>
        %dma_start3A_197 = tpu.memref_squeeze %dma_start3A_196 : memref<1x128x64xf32, #tpu.memory_space<vmem>> -> memref<128x64xf32, #tpu.memory_space<vmem>>
        %dma_start3A_198 = arith.constant 0 : i32
        %dma_start3A_199 = tpu.memref_slice %arg4[%mul3A_86, %dma_start3A_198] : memref<204800x64xf32, #tpu.memory_space<hbm>> -> memref<128x64xf32, #tpu.memory_space<hbm>>
        %dma_start3A_200 = arith.constant 0 : i32
        %dma_start3A_201 = tpu.memref_slice %arg4[%mul3A_86, %dma_start3A_200] : memref<204800x64xf32, #tpu.memory_space<hbm>> -> memref<128x64xf32, #tpu.memory_space<hbm>>
        %dma_start3A_202 = arith.constant 0 : i32
        %dma_start3A_203 = arith.constant 0 : i32
        %dma_start3A_204 = tpu.memref_slice %arg6[%run_scoped3A, %dma_start3A_202, %dma_start3A_203] : memref<5x128x64xf32, #tpu.memory_space<vmem>> -> memref<1x128x64xf32, #tpu.memory_space<vmem>>
        %dma_start3A_205 = tpu.memref_squeeze %dma_start3A_204 : memref<1x128x64xf32, #tpu.memory_space<vmem>> -> memref<128x64xf32, #tpu.memory_space<vmem>>
        tpu.enqueue_dma source(%dma_start3A_205 : memref<128x64xf32, #tpu.memory_space<vmem>>) target(%dma_start3A_201 : memref<128x64xf32, #tpu.memory_space<hbm>>) target_semaphore(%run_scoped3A_193 : memref<!tpu.dma_semaphore, #tpu.memory_space<semaphore_mem>>)
        %dma_wait3A_206 = arith.constant 0 : i32
        %dma_wait3A_207 = arith.constant 0 : i32
        %dma_wait3A_208 = tpu.memref_slice %arg6[%run_scoped3A, %dma_wait3A_206, %dma_wait3A_207] : memref<5x128x64xf32, #tpu.memory_space<vmem>> -> memref<1x128x64xf32, #tpu.memory_space<vmem>>
        %dma_wait3A_209 = tpu.memref_squeeze %dma_wait3A_208 : memref<1x128x64xf32, #tpu.memory_space<vmem>> -> memref<128x64xf32, #tpu.memory_space<vmem>>
        %dma_wait3A_210 = arith.constant 0 : i32
        %dma_wait3A_211 = tpu.memref_slice %arg4[%mul3A_86, %dma_wait3A_210] : memref<204800x64xf32, #tpu.memory_space<hbm>> -> memref<128x64xf32, #tpu.memory_space<hbm>>
        %dma_wait3A_212 = arith.constant 0 : i32
        %dma_wait3A_213 = tpu.memref_slice %arg4[%mul3A_86, %dma_wait3A_212] : memref<204800x64xf32, #tpu.memory_space<hbm>> -> memref<128x64xf32, #tpu.memory_space<hbm>>
        %dma_wait3A_214 = arith.constant 0 : i32
        %dma_wait3A_215 = arith.constant 0 : i32
        %dma_wait3A_216 = tpu.memref_slice %arg6[%run_scoped3A, %dma_wait3A_214, %dma_wait3A_215] : memref<5x128x64xf32, #tpu.memory_space<vmem>> -> memref<1x128x64xf32, #tpu.memory_space<vmem>>
        %dma_wait3A_217 = tpu.memref_squeeze %dma_wait3A_216 : memref<1x128x64xf32, #tpu.memory_space<vmem>> -> memref<128x64xf32, #tpu.memory_space<vmem>>
        tpu.wait_dma2 semaphore(%run_scoped3A_193 : memref<!tpu.dma_semaphore, #tpu.memory_space<semaphore_mem>>) src(%dma_wait3A_217 : memref<128x64xf32, #tpu.memory_space<vmem>>) dst(%dma_wait3A_213 : memref<128x64xf32, #tpu.memory_space<hbm>>)
        tpu.yield
      }) : () -> ()
      %lt3A = arith.constant 9 : i32
      %lt3A_87 = arith.cmpi slt, %scan3A_67, %lt3A : i32
      %convert_element_type3A = arith.extui %lt3A_87 : i1 to i32
      %cond3A = arith.constant 0 : i32
      %cond3A_88 = arith.cmpi ne, %convert_element_type3A, %cond3A : i32
      scf.if %cond3A_88 {
        %add3A_193 = arith.constant 5 : i32
        %add3A_194 = arith.addi %add3A_71, %add3A_193 : i32
        %dma_start3A_195 = arith.constant 0 : i32
        %dma_start3A_196 = arith.constant 0 : i32
        %dma_start3A_197 = arith.constant 0 : i32
        %dma_start3A_198 = tpu.memref_slice %arg6[%dma_start3A_195, %dma_start3A_196, %dma_start3A_197] : memref<5x128x64xf32, #tpu.memory_space<vmem>> -> memref<1x128x64xf32, #tpu.memory_space<vmem>>
        %dma_start3A_199 = tpu.memref_squeeze %dma_start3A_198 : memref<1x128x64xf32, #tpu.memory_space<vmem>> -> memref<128x64xf32, #tpu.memory_space<vmem>>
        %dma_start3A_200 = arith.constant 0 : i32
        %dma_start3A_201 = tpu.memref_slice %arg5[%add3A_194, %dma_start3A_200] : memref<50x128xi32, #tpu.memory_space<vmem>> -> memref<1x128xi32, #tpu.memory_space<vmem>>
        %dma_start3A_202 = tpu.memref_squeeze %dma_start3A_201 : memref<1x128xi32, #tpu.memory_space<vmem>> -> memref<128xi32, #tpu.memory_space<vmem>>
        %dma_start3A_203 = arith.constant 0 : i32
        %dma_start3A_204 = arith.constant 0 : i32
        %dma_start3A_205 = tpu.memref_slice %arg3[%dma_start3A_203, %dma_start3A_204] : memref<1000000x64xf32, #tpu.memory_space<hbm>> -> memref<1000000x64xf32, #tpu.memory_space<hbm>>
        tpu.enqueue_indirect_dma source(%dma_start3A_205 : memref<1000000x64xf32, #tpu.memory_space<hbm>>) target(%dma_start3A_199 : memref<128x64xf32, #tpu.memory_space<vmem>>) offsets(%dma_start3A_202 : memref<128xi32, #tpu.memory_space<vmem>>) semaphore(%arg7 : memref<!tpu.dma_semaphore, #tpu.memory_space<semaphore_mem>>)
      } else {
      }
      %mul3A_89 = arith.constant 5 : i32
      %mul3A_90 = arith.muli %scan3A_67, %mul3A_89 : i32
      %add3A_91 = arith.constant 1 : i32
      %add3A_92 = arith.addi %mul3A_90, %add3A_91 : i32
      %dma_wait3A_93 = arith.constant 1 : i32
      %dma_wait3A_94 = arith.constant 0 : i32
      %dma_wait3A_95 = arith.constant 0 : i32
      %dma_wait3A_96 = tpu.memref_slice %arg6[%dma_wait3A_93, %dma_wait3A_94, %dma_wait3A_95] : memref<5x128x64xf32, #tpu.memory_space<vmem>> -> memref<1x128x64xf32, #tpu.memory_space<vmem>>
      %dma_wait3A_97 = tpu.memref_squeeze %dma_wait3A_96 : memref<1x128x64xf32, #tpu.memory_space<vmem>> -> memref<128x64xf32, #tpu.memory_space<vmem>>
      %dma_wait3A_98 = arith.constant 0 : i32
      %dma_wait3A_99 = tpu.memref_slice %arg5[%add3A_92, %dma_wait3A_98] : memref<50x128xi32, #tpu.memory_space<vmem>> -> memref<1x128xi32, #tpu.memory_space<vmem>>
      %dma_wait3A_100 = tpu.memref_squeeze %dma_wait3A_99 : memref<1x128xi32, #tpu.memory_space<vmem>> -> memref<128xi32, #tpu.memory_space<vmem>>
      %dma_wait3A_101 = arith.constant 0 : i32
      %dma_wait3A_102 = arith.constant 0 : i32
      %dma_wait3A_103 = tpu.memref_slice %arg3[%dma_wait3A_101, %dma_wait3A_102] : memref<1000000x64xf32, #tpu.memory_space<hbm>> -> memref<1000000x64xf32, #tpu.memory_space<hbm>>
      tpu.wait_indirect_dma semaphore(%arg8 : memref<!tpu.dma_semaphore, #tpu.memory_space<semaphore_mem>>) src(%dma_wait3A_103 : memref<1000000x64xf32, #tpu.memory_space<hbm>>) dst(%dma_wait3A_97 : memref<128x64xf32, #tpu.memory_space<vmem>>)
      %mul3A_104 = arith.constant 50 : i32
      %mul3A_105 = arith.muli %add3A, %mul3A_104 : i32
      %add3A_106 = arith.addi %mul3A_105, %add3A_92 : i32
      %mul3A_107 = arith.constant 128 : i32
      %mul3A_108 = arith.muli %add3A_106, %mul3A_107 : i32
      %run_scoped3A_109 = arith.constant 1 : i32
      "tpu.region"() ({
        %run_scoped3A_193 = tpu.sem_alloc : memref<!tpu.dma_semaphore, #tpu.memory_space<semaphore_mem>>
        %dma_start3A_194 = arith.constant 0 : i32
        %dma_start3A_195 = arith.constant 0 : i32
        %dma_start3A_196 = tpu.memref_slice %arg6[%run_scoped3A_109, %dma_start3A_194, %dma_start3A_195] : memref<5x128x64xf32, #tpu.memory_space<vmem>> -> memref<1x128x64xf32, #tpu.memory_space<vmem>>
        %dma_start3A_197 = tpu.memref_squeeze %dma_start3A_196 : memref<1x128x64xf32, #tpu.memory_space<vmem>> -> memref<128x64xf32, #tpu.memory_space<vmem>>
        %dma_start3A_198 = arith.constant 0 : i32
        %dma_start3A_199 = tpu.memref_slice %arg4[%mul3A_108, %dma_start3A_198] : memref<204800x64xf32, #tpu.memory_space<hbm>> -> memref<128x64xf32, #tpu.memory_space<hbm>>
        %dma_start3A_200 = arith.constant 0 : i32
        %dma_start3A_201 = tpu.memref_slice %arg4[%mul3A_108, %dma_start3A_200] : memref<204800x64xf32, #tpu.memory_space<hbm>> -> memref<128x64xf32, #tpu.memory_space<hbm>>
        %dma_start3A_202 = arith.constant 0 : i32
        %dma_start3A_203 = arith.constant 0 : i32
        %dma_start3A_204 = tpu.memref_slice %arg6[%run_scoped3A_109, %dma_start3A_202, %dma_start3A_203] : memref<5x128x64xf32, #tpu.memory_space<vmem>> -> memref<1x128x64xf32, #tpu.memory_space<vmem>>
        %dma_start3A_205 = tpu.memref_squeeze %dma_start3A_204 : memref<1x128x64xf32, #tpu.memory_space<vmem>> -> memref<128x64xf32, #tpu.memory_space<vmem>>
        tpu.enqueue_dma source(%dma_start3A_205 : memref<128x64xf32, #tpu.memory_space<vmem>>) target(%dma_start3A_201 : memref<128x64xf32, #tpu.memory_space<hbm>>) target_semaphore(%run_scoped3A_193 : memref<!tpu.dma_semaphore, #tpu.memory_space<semaphore_mem>>)
        %dma_wait3A_206 = arith.constant 0 : i32
        %dma_wait3A_207 = arith.constant 0 : i32
        %dma_wait3A_208 = tpu.memref_slice %arg6[%run_scoped3A_109, %dma_wait3A_206, %dma_wait3A_207] : memref<5x128x64xf32, #tpu.memory_space<vmem>> -> memref<1x128x64xf32, #tpu.memory_space<vmem>>
        %dma_wait3A_209 = tpu.memref_squeeze %dma_wait3A_208 : memref<1x128x64xf32, #tpu.memory_space<vmem>> -> memref<128x64xf32, #tpu.memory_space<vmem>>
        %dma_wait3A_210 = arith.constant 0 : i32
        %dma_wait3A_211 = tpu.memref_slice %arg4[%mul3A_108, %dma_wait3A_210] : memref<204800x64xf32, #tpu.memory_space<hbm>> -> memref<128x64xf32, #tpu.memory_space<hbm>>
        %dma_wait3A_212 = arith.constant 0 : i32
        %dma_wait3A_213 = tpu.memref_slice %arg4[%mul3A_108, %dma_wait3A_212] : memref<204800x64xf32, #tpu.memory_space<hbm>> -> memref<128x64xf32, #tpu.memory_space<hbm>>
        %dma_wait3A_214 = arith.constant 0 : i32
        %dma_wait3A_215 = arith.constant 0 : i32
        %dma_wait3A_216 = tpu.memref_slice %arg6[%run_scoped3A_109, %dma_wait3A_214, %dma_wait3A_215] : memref<5x128x64xf32, #tpu.memory_space<vmem>> -> memref<1x128x64xf32, #tpu.memory_space<vmem>>
        %dma_wait3A_217 = tpu.memref_squeeze %dma_wait3A_216 : memref<1x128x64xf32, #tpu.memory_space<vmem>> -> memref<128x64xf32, #tpu.memory_space<vmem>>
        tpu.wait_dma2 semaphore(%run_scoped3A_193 : memref<!tpu.dma_semaphore, #tpu.memory_space<semaphore_mem>>) src(%dma_wait3A_217 : memref<128x64xf32, #tpu.memory_space<vmem>>) dst(%dma_wait3A_213 : memref<128x64xf32, #tpu.memory_space<hbm>>)
        tpu.yield
      }) : () -> ()
      %lt3A_110 = arith.constant 9 : i32
      %lt3A_111 = arith.cmpi slt, %scan3A_67, %lt3A_110 : i32
      %convert_element_type3A_112 = arith.extui %lt3A_111 : i1 to i32
      %cond3A_113 = arith.constant 0 : i32
      %cond3A_114 = arith.cmpi ne, %convert_element_type3A_112, %cond3A_113 : i32
      scf.if %cond3A_114 {
        %add3A_193 = arith.constant 5 : i32
        %add3A_194 = arith.addi %add3A_92, %add3A_193 : i32
        %dma_start3A_195 = arith.constant 1 : i32
        %dma_start3A_196 = arith.constant 0 : i32
        %dma_start3A_197 = arith.constant 0 : i32
        %dma_start3A_198 = tpu.memref_slice %arg6[%dma_start3A_195, %dma_start3A_196, %dma_start3A_197] : memref<5x128x64xf32, #tpu.memory_space<vmem>> -> memref<1x128x64xf32, #tpu.memory_space<vmem>>
        %dma_start3A_199 = tpu.memref_squeeze %dma_start3A_198 : memref<1x128x64xf32, #tpu.memory_space<vmem>> -> memref<128x64xf32, #tpu.memory_space<vmem>>
        %dma_start3A_200 = arith.constant 0 : i32
        %dma_start3A_201 = tpu.memref_slice %arg5[%add3A_194, %dma_start3A_200] : memref<50x128xi32, #tpu.memory_space<vmem>> -> memref<1x128xi32, #tpu.memory_space<vmem>>
        %dma_start3A_202 = tpu.memref_squeeze %dma_start3A_201 : memref<1x128xi32, #tpu.memory_space<vmem>> -> memref<128xi32, #tpu.memory_space<vmem>>
        %dma_start3A_203 = arith.constant 0 : i32
        %dma_start3A_204 = arith.constant 0 : i32
        %dma_start3A_205 = tpu.memref_slice %arg3[%dma_start3A_203, %dma_start3A_204] : memref<1000000x64xf32, #tpu.memory_space<hbm>> -> memref<1000000x64xf32, #tpu.memory_space<hbm>>
        tpu.enqueue_indirect_dma source(%dma_start3A_205 : memref<1000000x64xf32, #tpu.memory_space<hbm>>) target(%dma_start3A_199 : memref<128x64xf32, #tpu.memory_space<vmem>>) offsets(%dma_start3A_202 : memref<128xi32, #tpu.memory_space<vmem>>) semaphore(%arg8 : memref<!tpu.dma_semaphore, #tpu.memory_space<semaphore_mem>>)
      } else {
      }
      %mul3A_115 = arith.constant 5 : i32
      %mul3A_116 = arith.muli %scan3A_67, %mul3A_115 : i32
      %add3A_117 = arith.constant 2 : i32
      %add3A_118 = arith.addi %mul3A_116, %add3A_117 : i32
      %dma_wait3A_119 = arith.constant 2 : i32
      %dma_wait3A_120 = arith.constant 0 : i32
      %dma_wait3A_121 = arith.constant 0 : i32
      %dma_wait3A_122 = tpu.memref_slice %arg6[%dma_wait3A_119, %dma_wait3A_120, %dma_wait3A_121] : memref<5x128x64xf32, #tpu.memory_space<vmem>> -> memref<1x128x64xf32, #tpu.memory_space<vmem>>
      %dma_wait3A_123 = tpu.memref_squeeze %dma_wait3A_122 : memref<1x128x64xf32, #tpu.memory_space<vmem>> -> memref<128x64xf32, #tpu.memory_space<vmem>>
      %dma_wait3A_124 = arith.constant 0 : i32
      %dma_wait3A_125 = tpu.memref_slice %arg5[%add3A_118, %dma_wait3A_124] : memref<50x128xi32, #tpu.memory_space<vmem>> -> memref<1x128xi32, #tpu.memory_space<vmem>>
      %dma_wait3A_126 = tpu.memref_squeeze %dma_wait3A_125 : memref<1x128xi32, #tpu.memory_space<vmem>> -> memref<128xi32, #tpu.memory_space<vmem>>
      %dma_wait3A_127 = arith.constant 0 : i32
      %dma_wait3A_128 = arith.constant 0 : i32
      %dma_wait3A_129 = tpu.memref_slice %arg3[%dma_wait3A_127, %dma_wait3A_128] : memref<1000000x64xf32, #tpu.memory_space<hbm>> -> memref<1000000x64xf32, #tpu.memory_space<hbm>>
      tpu.wait_indirect_dma semaphore(%arg9 : memref<!tpu.dma_semaphore, #tpu.memory_space<semaphore_mem>>) src(%dma_wait3A_129 : memref<1000000x64xf32, #tpu.memory_space<hbm>>) dst(%dma_wait3A_123 : memref<128x64xf32, #tpu.memory_space<vmem>>)
      %mul3A_130 = arith.constant 50 : i32
      %mul3A_131 = arith.muli %add3A, %mul3A_130 : i32
      %add3A_132 = arith.addi %mul3A_131, %add3A_118 : i32
      %mul3A_133 = arith.constant 128 : i32
      %mul3A_134 = arith.muli %add3A_132, %mul3A_133 : i32
      %run_scoped3A_135 = arith.constant 2 : i32
      "tpu.region"() ({
        %run_scoped3A_193 = tpu.sem_alloc : memref<!tpu.dma_semaphore, #tpu.memory_space<semaphore_mem>>
        %dma_start3A_194 = arith.constant 0 : i32
        %dma_start3A_195 = arith.constant 0 : i32
        %dma_start3A_196 = tpu.memref_slice %arg6[%run_scoped3A_135, %dma_start3A_194, %dma_start3A_195] : memref<5x128x64xf32, #tpu.memory_space<vmem>> -> memref<1x128x64xf32, #tpu.memory_space<vmem>>
        %dma_start3A_197 = tpu.memref_squeeze %dma_start3A_196 : memref<1x128x64xf32, #tpu.memory_space<vmem>> -> memref<128x64xf32, #tpu.memory_space<vmem>>
        %dma_start3A_198 = arith.constant 0 : i32
        %dma_start3A_199 = tpu.memref_slice %arg4[%mul3A_134, %dma_start3A_198] : memref<204800x64xf32, #tpu.memory_space<hbm>> -> memref<128x64xf32, #tpu.memory_space<hbm>>
        %dma_start3A_200 = arith.constant 0 : i32
        %dma_start3A_201 = tpu.memref_slice %arg4[%mul3A_134, %dma_start3A_200] : memref<204800x64xf32, #tpu.memory_space<hbm>> -> memref<128x64xf32, #tpu.memory_space<hbm>>
        %dma_start3A_202 = arith.constant 0 : i32
        %dma_start3A_203 = arith.constant 0 : i32
        %dma_start3A_204 = tpu.memref_slice %arg6[%run_scoped3A_135, %dma_start3A_202, %dma_start3A_203] : memref<5x128x64xf32, #tpu.memory_space<vmem>> -> memref<1x128x64xf32, #tpu.memory_space<vmem>>
        %dma_start3A_205 = tpu.memref_squeeze %dma_start3A_204 : memref<1x128x64xf32, #tpu.memory_space<vmem>> -> memref<128x64xf32, #tpu.memory_space<vmem>>
        tpu.enqueue_dma source(%dma_start3A_205 : memref<128x64xf32, #tpu.memory_space<vmem>>) target(%dma_start3A_201 : memref<128x64xf32, #tpu.memory_space<hbm>>) target_semaphore(%run_scoped3A_193 : memref<!tpu.dma_semaphore, #tpu.memory_space<semaphore_mem>>)
        %dma_wait3A_206 = arith.constant 0 : i32
        %dma_wait3A_207 = arith.constant 0 : i32
        %dma_wait3A_208 = tpu.memref_slice %arg6[%run_scoped3A_135, %dma_wait3A_206, %dma_wait3A_207] : memref<5x128x64xf32, #tpu.memory_space<vmem>> -> memref<1x128x64xf32, #tpu.memory_space<vmem>>
        %dma_wait3A_209 = tpu.memref_squeeze %dma_wait3A_208 : memref<1x128x64xf32, #tpu.memory_space<vmem>> -> memref<128x64xf32, #tpu.memory_space<vmem>>
        %dma_wait3A_210 = arith.constant 0 : i32
        %dma_wait3A_211 = tpu.memref_slice %arg4[%mul3A_134, %dma_wait3A_210] : memref<204800x64xf32, #tpu.memory_space<hbm>> -> memref<128x64xf32, #tpu.memory_space<hbm>>
        %dma_wait3A_212 = arith.constant 0 : i32
        %dma_wait3A_213 = tpu.memref_slice %arg4[%mul3A_134, %dma_wait3A_212] : memref<204800x64xf32, #tpu.memory_space<hbm>> -> memref<128x64xf32, #tpu.memory_space<hbm>>
        %dma_wait3A_214 = arith.constant 0 : i32
        %dma_wait3A_215 = arith.constant 0 : i32
        %dma_wait3A_216 = tpu.memref_slice %arg6[%run_scoped3A_135, %dma_wait3A_214, %dma_wait3A_215] : memref<5x128x64xf32, #tpu.memory_space<vmem>> -> memref<1x128x64xf32, #tpu.memory_space<vmem>>
        %dma_wait3A_217 = tpu.memref_squeeze %dma_wait3A_216 : memref<1x128x64xf32, #tpu.memory_space<vmem>> -> memref<128x64xf32, #tpu.memory_space<vmem>>
        tpu.wait_dma2 semaphore(%run_scoped3A_193 : memref<!tpu.dma_semaphore, #tpu.memory_space<semaphore_mem>>) src(%dma_wait3A_217 : memref<128x64xf32, #tpu.memory_space<vmem>>) dst(%dma_wait3A_213 : memref<128x64xf32, #tpu.memory_space<hbm>>)
        tpu.yield
      }) : () -> ()
      %lt3A_136 = arith.constant 9 : i32
      %lt3A_137 = arith.cmpi slt, %scan3A_67, %lt3A_136 : i32
      %convert_element_type3A_138 = arith.extui %lt3A_137 : i1 to i32
      %cond3A_139 = arith.constant 0 : i32
      %cond3A_140 = arith.cmpi ne, %convert_element_type3A_138, %cond3A_139 : i32
      scf.if %cond3A_140 {
        %add3A_193 = arith.constant 5 : i32
        %add3A_194 = arith.addi %add3A_118, %add3A_193 : i32
        %dma_start3A_195 = arith.constant 2 : i32
        %dma_start3A_196 = arith.constant 0 : i32
        %dma_start3A_197 = arith.constant 0 : i32
        %dma_start3A_198 = tpu.memref_slice %arg6[%dma_start3A_195, %dma_start3A_196, %dma_start3A_197] : memref<5x128x64xf32, #tpu.memory_space<vmem>> -> memref<1x128x64xf32, #tpu.memory_space<vmem>>
        %dma_start3A_199 = tpu.memref_squeeze %dma_start3A_198 : memref<1x128x64xf32, #tpu.memory_space<vmem>> -> memref<128x64xf32, #tpu.memory_space<vmem>>
        %dma_start3A_200 = arith.constant 0 : i32
        %dma_start3A_201 = tpu.memref_slice %arg5[%add3A_194, %dma_start3A_200] : memref<50x128xi32, #tpu.memory_space<vmem>> -> memref<1x128xi32, #tpu.memory_space<vmem>>
        %dma_start3A_202 = tpu.memref_squeeze %dma_start3A_201 : memref<1x128xi32, #tpu.memory_space<vmem>> -> memref<128xi32, #tpu.memory_space<vmem>>
        %dma_start3A_203 = arith.constant 0 : i32
        %dma_start3A_204 = arith.constant 0 : i32
        %dma_start3A_205 = tpu.memref_slice %arg3[%dma_start3A_203, %dma_start3A_204] : memref<1000000x64xf32, #tpu.memory_space<hbm>> -> memref<1000000x64xf32, #tpu.memory_space<hbm>>
        tpu.enqueue_indirect_dma source(%dma_start3A_205 : memref<1000000x64xf32, #tpu.memory_space<hbm>>) target(%dma_start3A_199 : memref<128x64xf32, #tpu.memory_space<vmem>>) offsets(%dma_start3A_202 : memref<128xi32, #tpu.memory_space<vmem>>) semaphore(%arg9 : memref<!tpu.dma_semaphore, #tpu.memory_space<semaphore_mem>>)
      } else {
      }
      %mul3A_141 = arith.constant 5 : i32
      %mul3A_142 = arith.muli %scan3A_67, %mul3A_141 : i32
      %add3A_143 = arith.constant 3 : i32
      %add3A_144 = arith.addi %mul3A_142, %add3A_143 : i32
      %dma_wait3A_145 = arith.constant 3 : i32
      %dma_wait3A_146 = arith.constant 0 : i32
      %dma_wait3A_147 = arith.constant 0 : i32
      %dma_wait3A_148 = tpu.memref_slice %arg6[%dma_wait3A_145, %dma_wait3A_146, %dma_wait3A_147] : memref<5x128x64xf32, #tpu.memory_space<vmem>> -> memref<1x128x64xf32, #tpu.memory_space<vmem>>
      %dma_wait3A_149 = tpu.memref_squeeze %dma_wait3A_148 : memref<1x128x64xf32, #tpu.memory_space<vmem>> -> memref<128x64xf32, #tpu.memory_space<vmem>>
      %dma_wait3A_150 = arith.constant 0 : i32
      %dma_wait3A_151 = tpu.memref_slice %arg5[%add3A_144, %dma_wait3A_150] : memref<50x128xi32, #tpu.memory_space<vmem>> -> memref<1x128xi32, #tpu.memory_space<vmem>>
      %dma_wait3A_152 = tpu.memref_squeeze %dma_wait3A_151 : memref<1x128xi32, #tpu.memory_space<vmem>> -> memref<128xi32, #tpu.memory_space<vmem>>
      %dma_wait3A_153 = arith.constant 0 : i32
      %dma_wait3A_154 = arith.constant 0 : i32
      %dma_wait3A_155 = tpu.memref_slice %arg3[%dma_wait3A_153, %dma_wait3A_154] : memref<1000000x64xf32, #tpu.memory_space<hbm>> -> memref<1000000x64xf32, #tpu.memory_space<hbm>>
      tpu.wait_indirect_dma semaphore(%arg10 : memref<!tpu.dma_semaphore, #tpu.memory_space<semaphore_mem>>) src(%dma_wait3A_155 : memref<1000000x64xf32, #tpu.memory_space<hbm>>) dst(%dma_wait3A_149 : memref<128x64xf32, #tpu.memory_space<vmem>>)
      %mul3A_156 = arith.constant 50 : i32
      %mul3A_157 = arith.muli %add3A, %mul3A_156 : i32
      %add3A_158 = arith.addi %mul3A_157, %add3A_144 : i32
      %mul3A_159 = arith.constant 128 : i32
      %mul3A_160 = arith.muli %add3A_158, %mul3A_159 : i32
      %run_scoped3A_161 = arith.constant 3 : i32
      "tpu.region"() ({
        %run_scoped3A_193 = tpu.sem_alloc : memref<!tpu.dma_semaphore, #tpu.memory_space<semaphore_mem>>
        %dma_start3A_194 = arith.constant 0 : i32
        %dma_start3A_195 = arith.constant 0 : i32
        %dma_start3A_196 = tpu.memref_slice %arg6[%run_scoped3A_161, %dma_start3A_194, %dma_start3A_195] : memref<5x128x64xf32, #tpu.memory_space<vmem>> -> memref<1x128x64xf32, #tpu.memory_space<vmem>>
        %dma_start3A_197 = tpu.memref_squeeze %dma_start3A_196 : memref<1x128x64xf32, #tpu.memory_space<vmem>> -> memref<128x64xf32, #tpu.memory_space<vmem>>
        %dma_start3A_198 = arith.constant 0 : i32
        %dma_start3A_199 = tpu.memref_slice %arg4[%mul3A_160, %dma_start3A_198] : memref<204800x64xf32, #tpu.memory_space<hbm>> -> memref<128x64xf32, #tpu.memory_space<hbm>>
        %dma_start3A_200 = arith.constant 0 : i32
        %dma_start3A_201 = tpu.memref_slice %arg4[%mul3A_160, %dma_start3A_200] : memref<204800x64xf32, #tpu.memory_space<hbm>> -> memref<128x64xf32, #tpu.memory_space<hbm>>
        %dma_start3A_202 = arith.constant 0 : i32
        %dma_start3A_203 = arith.constant 0 : i32
        %dma_start3A_204 = tpu.memref_slice %arg6[%run_scoped3A_161, %dma_start3A_202, %dma_start3A_203] : memref<5x128x64xf32, #tpu.memory_space<vmem>> -> memref<1x128x64xf32, #tpu.memory_space<vmem>>
        %dma_start3A_205 = tpu.memref_squeeze %dma_start3A_204 : memref<1x128x64xf32, #tpu.memory_space<vmem>> -> memref<128x64xf32, #tpu.memory_space<vmem>>
        tpu.enqueue_dma source(%dma_start3A_205 : memref<128x64xf32, #tpu.memory_space<vmem>>) target(%dma_start3A_201 : memref<128x64xf32, #tpu.memory_space<hbm>>) target_semaphore(%run_scoped3A_193 : memref<!tpu.dma_semaphore, #tpu.memory_space<semaphore_mem>>)
        %dma_wait3A_206 = arith.constant 0 : i32
        %dma_wait3A_207 = arith.constant 0 : i32
        %dma_wait3A_208 = tpu.memref_slice %arg6[%run_scoped3A_161, %dma_wait3A_206, %dma_wait3A_207] : memref<5x128x64xf32, #tpu.memory_space<vmem>> -> memref<1x128x64xf32, #tpu.memory_space<vmem>>
        %dma_wait3A_209 = tpu.memref_squeeze %dma_wait3A_208 : memref<1x128x64xf32, #tpu.memory_space<vmem>> -> memref<128x64xf32, #tpu.memory_space<vmem>>
        %dma_wait3A_210 = arith.constant 0 : i32
        %dma_wait3A_211 = tpu.memref_slice %arg4[%mul3A_160, %dma_wait3A_210] : memref<204800x64xf32, #tpu.memory_space<hbm>> -> memref<128x64xf32, #tpu.memory_space<hbm>>
        %dma_wait3A_212 = arith.constant 0 : i32
        %dma_wait3A_213 = tpu.memref_slice %arg4[%mul3A_160, %dma_wait3A_212] : memref<204800x64xf32, #tpu.memory_space<hbm>> -> memref<128x64xf32, #tpu.memory_space<hbm>>
        %dma_wait3A_214 = arith.constant 0 : i32
        %dma_wait3A_215 = arith.constant 0 : i32
        %dma_wait3A_216 = tpu.memref_slice %arg6[%run_scoped3A_161, %dma_wait3A_214, %dma_wait3A_215] : memref<5x128x64xf32, #tpu.memory_space<vmem>> -> memref<1x128x64xf32, #tpu.memory_space<vmem>>
        %dma_wait3A_217 = tpu.memref_squeeze %dma_wait3A_216 : memref<1x128x64xf32, #tpu.memory_space<vmem>> -> memref<128x64xf32, #tpu.memory_space<vmem>>
        tpu.wait_dma2 semaphore(%run_scoped3A_193 : memref<!tpu.dma_semaphore, #tpu.memory_space<semaphore_mem>>) src(%dma_wait3A_217 : memref<128x64xf32, #tpu.memory_space<vmem>>) dst(%dma_wait3A_213 : memref<128x64xf32, #tpu.memory_space<hbm>>)
        tpu.yield
      }) : () -> ()
      %lt3A_162 = arith.constant 9 : i32
      %lt3A_163 = arith.cmpi slt, %scan3A_67, %lt3A_162 : i32
      %convert_element_type3A_164 = arith.extui %lt3A_163 : i1 to i32
      %cond3A_165 = arith.constant 0 : i32
      %cond3A_166 = arith.cmpi ne, %convert_element_type3A_164, %cond3A_165 : i32
      scf.if %cond3A_166 {
        %add3A_193 = arith.constant 5 : i32
        %add3A_194 = arith.addi %add3A_144, %add3A_193 : i32
        %dma_start3A_195 = arith.constant 3 : i32
        %dma_start3A_196 = arith.constant 0 : i32
        %dma_start3A_197 = arith.constant 0 : i32
        %dma_start3A_198 = tpu.memref_slice %arg6[%dma_start3A_195, %dma_start3A_196, %dma_start3A_197] : memref<5x128x64xf32, #tpu.memory_space<vmem>> -> memref<1x128x64xf32, #tpu.memory_space<vmem>>
        %dma_start3A_199 = tpu.memref_squeeze %dma_start3A_198 : memref<1x128x64xf32, #tpu.memory_space<vmem>> -> memref<128x64xf32, #tpu.memory_space<vmem>>
        %dma_start3A_200 = arith.constant 0 : i32
        %dma_start3A_201 = tpu.memref_slice %arg5[%add3A_194, %dma_start3A_200] : memref<50x128xi32, #tpu.memory_space<vmem>> -> memref<1x128xi32, #tpu.memory_space<vmem>>
        %dma_start3A_202 = tpu.memref_squeeze %dma_start3A_201 : memref<1x128xi32, #tpu.memory_space<vmem>> -> memref<128xi32, #tpu.memory_space<vmem>>
        %dma_start3A_203 = arith.constant 0 : i32
        %dma_start3A_204 = arith.constant 0 : i32
        %dma_start3A_205 = tpu.memref_slice %arg3[%dma_start3A_203, %dma_start3A_204] : memref<1000000x64xf32, #tpu.memory_space<hbm>> -> memref<1000000x64xf32, #tpu.memory_space<hbm>>
        tpu.enqueue_indirect_dma source(%dma_start3A_205 : memref<1000000x64xf32, #tpu.memory_space<hbm>>) target(%dma_start3A_199 : memref<128x64xf32, #tpu.memory_space<vmem>>) offsets(%dma_start3A_202 : memref<128xi32, #tpu.memory_space<vmem>>) semaphore(%arg10 : memref<!tpu.dma_semaphore, #tpu.memory_space<semaphore_mem>>)
      } else {
      }
      %mul3A_167 = arith.constant 5 : i32
      %mul3A_168 = arith.muli %scan3A_67, %mul3A_167 : i32
      %add3A_169 = arith.constant 4 : i32
      %add3A_170 = arith.addi %mul3A_168, %add3A_169 : i32
      %dma_wait3A_171 = arith.constant 4 : i32
      %dma_wait3A_172 = arith.constant 0 : i32
      %dma_wait3A_173 = arith.constant 0 : i32
      %dma_wait3A_174 = tpu.memref_slice %arg6[%dma_wait3A_171, %dma_wait3A_172, %dma_wait3A_173] : memref<5x128x64xf32, #tpu.memory_space<vmem>> -> memref<1x128x64xf32, #tpu.memory_space<vmem>>
      %dma_wait3A_175 = tpu.memref_squeeze %dma_wait3A_174 : memref<1x128x64xf32, #tpu.memory_space<vmem>> -> memref<128x64xf32, #tpu.memory_space<vmem>>
      %dma_wait3A_176 = arith.constant 0 : i32
      %dma_wait3A_177 = tpu.memref_slice %arg5[%add3A_170, %dma_wait3A_176] : memref<50x128xi32, #tpu.memory_space<vmem>> -> memref<1x128xi32, #tpu.memory_space<vmem>>
      %dma_wait3A_178 = tpu.memref_squeeze %dma_wait3A_177 : memref<1x128xi32, #tpu.memory_space<vmem>> -> memref<128xi32, #tpu.memory_space<vmem>>
      %dma_wait3A_179 = arith.constant 0 : i32
      %dma_wait3A_180 = arith.constant 0 : i32
      %dma_wait3A_181 = tpu.memref_slice %arg3[%dma_wait3A_179, %dma_wait3A_180] : memref<1000000x64xf32, #tpu.memory_space<hbm>> -> memref<1000000x64xf32, #tpu.memory_space<hbm>>
      tpu.wait_indirect_dma semaphore(%arg11 : memref<!tpu.dma_semaphore, #tpu.memory_space<semaphore_mem>>) src(%dma_wait3A_181 : memref<1000000x64xf32, #tpu.memory_space<hbm>>) dst(%dma_wait3A_175 : memref<128x64xf32, #tpu.memory_space<vmem>>)
      %mul3A_182 = arith.constant 50 : i32
      %mul3A_183 = arith.muli %add3A, %mul3A_182 : i32
      %add3A_184 = arith.addi %mul3A_183, %add3A_170 : i32
      %mul3A_185 = arith.constant 128 : i32
      %mul3A_186 = arith.muli %add3A_184, %mul3A_185 : i32
      %run_scoped3A_187 = arith.constant 4 : i32
      "tpu.region"() ({
        %run_scoped3A_193 = tpu.sem_alloc : memref<!tpu.dma_semaphore, #tpu.memory_space<semaphore_mem>>
        %dma_start3A_194 = arith.constant 0 : i32
        %dma_start3A_195 = arith.constant 0 : i32
        %dma_start3A_196 = tpu.memref_slice %arg6[%run_scoped3A_187, %dma_start3A_194, %dma_start3A_195] : memref<5x128x64xf32, #tpu.memory_space<vmem>> -> memref<1x128x64xf32, #tpu.memory_space<vmem>>
        %dma_start3A_197 = tpu.memref_squeeze %dma_start3A_196 : memref<1x128x64xf32, #tpu.memory_space<vmem>> -> memref<128x64xf32, #tpu.memory_space<vmem>>
        %dma_start3A_198 = arith.constant 0 : i32
        %dma_start3A_199 = tpu.memref_slice %arg4[%mul3A_186, %dma_start3A_198] : memref<204800x64xf32, #tpu.memory_space<hbm>> -> memref<128x64xf32, #tpu.memory_space<hbm>>
        %dma_start3A_200 = arith.constant 0 : i32
        %dma_start3A_201 = tpu.memref_slice %arg4[%mul3A_186, %dma_start3A_200] : memref<204800x64xf32, #tpu.memory_space<hbm>> -> memref<128x64xf32, #tpu.memory_space<hbm>>
        %dma_start3A_202 = arith.constant 0 : i32
        %dma_start3A_203 = arith.constant 0 : i32
        %dma_start3A_204 = tpu.memref_slice %arg6[%run_scoped3A_187, %dma_start3A_202, %dma_start3A_203] : memref<5x128x64xf32, #tpu.memory_space<vmem>> -> memref<1x128x64xf32, #tpu.memory_space<vmem>>
        %dma_start3A_205 = tpu.memref_squeeze %dma_start3A_204 : memref<1x128x64xf32, #tpu.memory_space<vmem>> -> memref<128x64xf32, #tpu.memory_space<vmem>>
        tpu.enqueue_dma source(%dma_start3A_205 : memref<128x64xf32, #tpu.memory_space<vmem>>) target(%dma_start3A_201 : memref<128x64xf32, #tpu.memory_space<hbm>>) target_semaphore(%run_scoped3A_193 : memref<!tpu.dma_semaphore, #tpu.memory_space<semaphore_mem>>)
        %dma_wait3A_206 = arith.constant 0 : i32
        %dma_wait3A_207 = arith.constant 0 : i32
        %dma_wait3A_208 = tpu.memref_slice %arg6[%run_scoped3A_187, %dma_wait3A_206, %dma_wait3A_207] : memref<5x128x64xf32, #tpu.memory_space<vmem>> -> memref<1x128x64xf32, #tpu.memory_space<vmem>>
        %dma_wait3A_209 = tpu.memref_squeeze %dma_wait3A_208 : memref<1x128x64xf32, #tpu.memory_space<vmem>> -> memref<128x64xf32, #tpu.memory_space<vmem>>
        %dma_wait3A_210 = arith.constant 0 : i32
        %dma_wait3A_211 = tpu.memref_slice %arg4[%mul3A_186, %dma_wait3A_210] : memref<204800x64xf32, #tpu.memory_space<hbm>> -> memref<128x64xf32, #tpu.memory_space<hbm>>
        %dma_wait3A_212 = arith.constant 0 : i32
        %dma_wait3A_213 = tpu.memref_slice %arg4[%mul3A_186, %dma_wait3A_212] : memref<204800x64xf32, #tpu.memory_space<hbm>> -> memref<128x64xf32, #tpu.memory_space<hbm>>
        %dma_wait3A_214 = arith.constant 0 : i32
        %dma_wait3A_215 = arith.constant 0 : i32
        %dma_wait3A_216 = tpu.memref_slice %arg6[%run_scoped3A_187, %dma_wait3A_214, %dma_wait3A_215] : memref<5x128x64xf32, #tpu.memory_space<vmem>> -> memref<1x128x64xf32, #tpu.memory_space<vmem>>
        %dma_wait3A_217 = tpu.memref_squeeze %dma_wait3A_216 : memref<1x128x64xf32, #tpu.memory_space<vmem>> -> memref<128x64xf32, #tpu.memory_space<vmem>>
        tpu.wait_dma2 semaphore(%run_scoped3A_193 : memref<!tpu.dma_semaphore, #tpu.memory_space<semaphore_mem>>) src(%dma_wait3A_217 : memref<128x64xf32, #tpu.memory_space<vmem>>) dst(%dma_wait3A_213 : memref<128x64xf32, #tpu.memory_space<hbm>>)
        tpu.yield
      }) : () -> ()
      %lt3A_188 = arith.constant 9 : i32
      %lt3A_189 = arith.cmpi slt, %scan3A_67, %lt3A_188 : i32
      %convert_element_type3A_190 = arith.extui %lt3A_189 : i1 to i32
      %cond3A_191 = arith.constant 0 : i32
      %cond3A_192 = arith.cmpi ne, %convert_element_type3A_190, %cond3A_191 : i32
      scf.if %cond3A_192 {
        %add3A_193 = arith.constant 5 : i32
        %add3A_194 = arith.addi %add3A_170, %add3A_193 : i32
        %dma_start3A_195 = arith.constant 4 : i32
        %dma_start3A_196 = arith.constant 0 : i32
        %dma_start3A_197 = arith.constant 0 : i32
        %dma_start3A_198 = tpu.memref_slice %arg6[%dma_start3A_195, %dma_start3A_196, %dma_start3A_197] : memref<5x128x64xf32, #tpu.memory_space<vmem>> -> memref<1x128x64xf32, #tpu.memory_space<vmem>>
        %dma_start3A_199 = tpu.memref_squeeze %dma_start3A_198 : memref<1x128x64xf32, #tpu.memory_space<vmem>> -> memref<128x64xf32, #tpu.memory_space<vmem>>
        %dma_start3A_200 = arith.constant 0 : i32
        %dma_start3A_201 = tpu.memref_slice %arg5[%add3A_194, %dma_start3A_200] : memref<50x128xi32, #tpu.memory_space<vmem>> -> memref<1x128xi32, #tpu.memory_space<vmem>>
        %dma_start3A_202 = tpu.memref_squeeze %dma_start3A_201 : memref<1x128xi32, #tpu.memory_space<vmem>> -> memref<128xi32, #tpu.memory_space<vmem>>
        %dma_start3A_203 = arith.constant 0 : i32
        %dma_start3A_204 = arith.constant 0 : i32
        %dma_start3A_205 = tpu.memref_slice %arg3[%dma_start3A_203, %dma_start3A_204] : memref<1000000x64xf32, #tpu.memory_space<hbm>> -> memref<1000000x64xf32, #tpu.memory_space<hbm>>
        tpu.enqueue_indirect_dma source(%dma_start3A_205 : memref<1000000x64xf32, #tpu.memory_space<hbm>>) target(%dma_start3A_199 : memref<128x64xf32, #tpu.memory_space<vmem>>) offsets(%dma_start3A_202 : memref<128xi32, #tpu.memory_space<vmem>>) semaphore(%arg11 : memref<!tpu.dma_semaphore, #tpu.memory_space<semaphore_mem>>)
      } else {
      }
    }
    %scan3A_66 = arith.constant 10 : i32
    return
  }
}

#map = affine_map<(d0, d1) -> (0, 0)>
module attributes {stable_mosaic.version = 14 : i64} {
  func.func @k(%arg0: i32, %arg1: i32, %arg2: memref<1600x128xi32, #tpu.memory_space<hbm>>, %arg3: memref<1000000x64xf32, #tpu.memory_space<hbm>>, %arg4: memref<204800x64xf32, #tpu.memory_space<hbm>>, %arg5: memref<50x128xi32, #tpu.memory_space<vmem>>, %arg6: memref<5x128x64xf32, #tpu.memory_space<vmem>>, %arg7: memref<!tpu.dma_semaphore, #tpu.memory_space<semaphore_mem>>, %arg8: memref<!tpu.dma_semaphore, #tpu.memory_space<semaphore_mem>>, %arg9: memref<!tpu.dma_semaphore, #tpu.memory_space<semaphore_mem>>, %arg10: memref<!tpu.dma_semaphore, #tpu.memory_space<semaphore_mem>>, %arg11: memref<!tpu.dma_semaphore, #tpu.memory_space<semaphore_mem>>) attributes {dimension_semantics = [#tpu.dimension_semantics<core_parallel>, #tpu.dimension_semantics<subcore_parallel>], iteration_bounds = array<i64: 2, 16>, scalar_prefetch = 0 : i64, scratch_operands = 7 : i64, tpu.core_type = #tpu.core_type<sc_vector_subcore>, window_params = [{transform_indices = #map}, {transform_indices = #map}, {transform_indices = #map}]} {
    %mul3A = arith.constant 2 : i32
    %mul3A_0 = arith.muli %arg1, %mul3A : i32
    %add3A = arith.addi %mul3A_0, %arg0 : i32
    %mul3A_1 = arith.constant 50 : i32
    %mul3A_2 = arith.muli %add3A, %mul3A_1 : i32
    "tpu.region"() ({
      %run_scoped3A = tpu.sem_alloc : memref<!tpu.dma_semaphore, #tpu.memory_space<semaphore_mem>>
      %dma_start3A_67 = arith.constant 0 : i32
      %dma_start3A_68 = tpu.memref_slice %arg2[%mul3A_2, %dma_start3A_67] : memref<1600x128xi32, #tpu.memory_space<hbm>> -> memref<50x128xi32, #tpu.memory_space<hbm>>
      %dma_start3A_69 = arith.constant 0 : i32
      %dma_start3A_70 = tpu.memref_slice %arg2[%mul3A_2, %dma_start3A_69] : memref<1600x128xi32, #tpu.memory_space<hbm>> -> memref<50x128xi32, #tpu.memory_space<hbm>>
      tpu.enqueue_dma source(%dma_start3A_70 : memref<50x128xi32, #tpu.memory_space<hbm>>) target(%arg5 : memref<50x128xi32, #tpu.memory_space<vmem>>) target_semaphore(%run_scoped3A : memref<!tpu.dma_semaphore, #tpu.memory_space<semaphore_mem>>)
      %dma_wait3A = arith.constant 0 : i32
      %dma_wait3A_71 = tpu.memref_slice %arg2[%mul3A_2, %dma_wait3A] : memref<1600x128xi32, #tpu.memory_space<hbm>> -> memref<50x128xi32, #tpu.memory_space<hbm>>
      %dma_wait3A_72 = arith.constant 0 : i32
      %dma_wait3A_73 = tpu.memref_slice %arg2[%mul3A_2, %dma_wait3A_72] : memref<1600x128xi32, #tpu.memory_space<hbm>> -> memref<50x128xi32, #tpu.memory_space<hbm>>
      tpu.wait_dma2 semaphore(%run_scoped3A : memref<!tpu.dma_semaphore, #tpu.memory_space<semaphore_mem>>) src(%dma_wait3A_73 : memref<50x128xi32, #tpu.memory_space<hbm>>) dst(%arg5 : memref<50x128xi32, #tpu.memory_space<vmem>>)
      tpu.yield
    }) : () -> ()
    %dma_start3A = arith.constant 0 : i32
    %dma_start3A_3 = arith.constant 0 : i32
    %dma_start3A_4 = arith.constant 0 : i32
    %dma_start3A_5 = arith.constant 0 : i32
    %dma_start3A_6 = tpu.memref_slice %arg6[%dma_start3A_3, %dma_start3A_4, %dma_start3A_5] : memref<5x128x64xf32, #tpu.memory_space<vmem>> -> memref<1x128x64xf32, #tpu.memory_space<vmem>>
    %dma_start3A_7 = tpu.memref_squeeze %dma_start3A_6 : memref<1x128x64xf32, #tpu.memory_space<vmem>> -> memref<128x64xf32, #tpu.memory_space<vmem>>
    %dma_start3A_8 = arith.constant 0 : i32
    %dma_start3A_9 = tpu.memref_slice %arg5[%dma_start3A, %dma_start3A_8] : memref<50x128xi32, #tpu.memory_space<vmem>> -> memref<1x128xi32, #tpu.memory_space<vmem>>
    %dma_start3A_10 = tpu.memref_squeeze %dma_start3A_9 : memref<1x128xi32, #tpu.memory_space<vmem>> -> memref<128xi32, #tpu.memory_space<vmem>>
    %dma_start3A_11 = arith.constant 0 : i32
    %dma_start3A_12 = arith.constant 0 : i32
    %dma_start3A_13 = tpu.memref_slice %arg3[%dma_start3A_11, %dma_start3A_12] : memref<1000000x64xf32, #tpu.memory_space<hbm>> -> memref<1000000x64xf32, #tpu.memory_space<hbm>>
    tpu.enqueue_indirect_dma source(%dma_start3A_13 : memref<1000000x64xf32, #tpu.memory_space<hbm>>) target(%dma_start3A_7 : memref<128x64xf32, #tpu.memory_space<vmem>>) offsets(%dma_start3A_10 : memref<128xi32, #tpu.memory_space<vmem>>) semaphore(%arg7 : memref<!tpu.dma_semaphore, #tpu.memory_space<semaphore_mem>>)
    %dma_start3A_14 = arith.constant 1 : i32
    %dma_start3A_15 = arith.constant 1 : i32
    %dma_start3A_16 = arith.constant 0 : i32
    %dma_start3A_17 = arith.constant 0 : i32
    %dma_start3A_18 = tpu.memref_slice %arg6[%dma_start3A_15, %dma_start3A_16, %dma_start3A_17] : memref<5x128x64xf32, #tpu.memory_space<vmem>> -> memref<1x128x64xf32, #tpu.memory_space<vmem>>
    %dma_start3A_19 = tpu.memref_squeeze %dma_start3A_18 : memref<1x128x64xf32, #tpu.memory_space<vmem>> -> memref<128x64xf32, #tpu.memory_space<vmem>>
    %dma_start3A_20 = arith.constant 0 : i32
    %dma_start3A_21 = tpu.memref_slice %arg5[%dma_start3A_14, %dma_start3A_20] : memref<50x128xi32, #tpu.memory_space<vmem>> -> memref<1x128xi32, #tpu.memory_space<vmem>>
    %dma_start3A_22 = tpu.memref_squeeze %dma_start3A_21 : memref<1x128xi32, #tpu.memory_space<vmem>> -> memref<128xi32, #tpu.memory_space<vmem>>
    %dma_start3A_23 = arith.constant 0 : i32
    %dma_start3A_24 = arith.constant 0 : i32
    %dma_start3A_25 = tpu.memref_slice %arg3[%dma_start3A_23, %dma_start3A_24] : memref<1000000x64xf32, #tpu.memory_space<hbm>> -> memref<1000000x64xf32, #tpu.memory_space<hbm>>
    tpu.enqueue_indirect_dma source(%dma_start3A_25 : memref<1000000x64xf32, #tpu.memory_space<hbm>>) target(%dma_start3A_19 : memref<128x64xf32, #tpu.memory_space<vmem>>) offsets(%dma_start3A_22 : memref<128xi32, #tpu.memory_space<vmem>>) semaphore(%arg8 : memref<!tpu.dma_semaphore, #tpu.memory_space<semaphore_mem>>)
    %dma_start3A_26 = arith.constant 2 : i32
    %dma_start3A_27 = arith.constant 2 : i32
    %dma_start3A_28 = arith.constant 0 : i32
    %dma_start3A_29 = arith.constant 0 : i32
    %dma_start3A_30 = tpu.memref_slice %arg6[%dma_start3A_27, %dma_start3A_28, %dma_start3A_29] : memref<5x128x64xf32, #tpu.memory_space<vmem>> -> memref<1x128x64xf32, #tpu.memory_space<vmem>>
    %dma_start3A_31 = tpu.memref_squeeze %dma_start3A_30 : memref<1x128x64xf32, #tpu.memory_space<vmem>> -> memref<128x64xf32, #tpu.memory_space<vmem>>
    %dma_start3A_32 = arith.constant 0 : i32
    %dma_start3A_33 = tpu.memref_slice %arg5[%dma_start3A_26, %dma_start3A_32] : memref<50x128xi32, #tpu.memory_space<vmem>> -> memref<1x128xi32, #tpu.memory_space<vmem>>
    %dma_start3A_34 = tpu.memref_squeeze %dma_start3A_33 : memref<1x128xi32, #tpu.memory_space<vmem>> -> memref<128xi32, #tpu.memory_space<vmem>>
    %dma_start3A_35 = arith.constant 0 : i32
    %dma_start3A_36 = arith.constant 0 : i32
    %dma_start3A_37 = tpu.memref_slice %arg3[%dma_start3A_35, %dma_start3A_36] : memref<1000000x64xf32, #tpu.memory_space<hbm>> -> memref<1000000x64xf32, #tpu.memory_space<hbm>>
    tpu.enqueue_indirect_dma source(%dma_start3A_37 : memref<1000000x64xf32, #tpu.memory_space<hbm>>) target(%dma_start3A_31 : memref<128x64xf32, #tpu.memory_space<vmem>>) offsets(%dma_start3A_34 : memref<128xi32, #tpu.memory_space<vmem>>) semaphore(%arg9 : memref<!tpu.dma_semaphore, #tpu.memory_space<semaphore_mem>>)
    %dma_start3A_38 = arith.constant 3 : i32
    %dma_start3A_39 = arith.constant 3 : i32
    %dma_start3A_40 = arith.constant 0 : i32
    %dma_start3A_41 = arith.constant 0 : i32
    %dma_start3A_42 = tpu.memref_slice %arg6[%dma_start3A_39, %dma_start3A_40, %dma_start3A_41] : memref<5x128x64xf32, #tpu.memory_space<vmem>> -> memref<1x128x64xf32, #tpu.memory_space<vmem>>
    %dma_start3A_43 = tpu.memref_squeeze %dma_start3A_42 : memref<1x128x64xf32, #tpu.memory_space<vmem>> -> memref<128x64xf32, #tpu.memory_space<vmem>>
    %dma_start3A_44 = arith.constant 0 : i32
    %dma_start3A_45 = tpu.memref_slice %arg5[%dma_start3A_38, %dma_start3A_44] : memref<50x128xi32, #tpu.memory_space<vmem>> -> memref<1x128xi32, #tpu.memory_space<vmem>>
    %dma_start3A_46 = tpu.memref_squeeze %dma_start3A_45 : memref<1x128xi32, #tpu.memory_space<vmem>> -> memref<128xi32, #tpu.memory_space<vmem>>
    %dma_start3A_47 = arith.constant 0 : i32
    %dma_start3A_48 = arith.constant 0 : i32
    %dma_start3A_49 = tpu.memref_slice %arg3[%dma_start3A_47, %dma_start3A_48] : memref<1000000x64xf32, #tpu.memory_space<hbm>> -> memref<1000000x64xf32, #tpu.memory_space<hbm>>
    tpu.enqueue_indirect_dma source(%dma_start3A_49 : memref<1000000x64xf32, #tpu.memory_space<hbm>>) target(%dma_start3A_43 : memref<128x64xf32, #tpu.memory_space<vmem>>) offsets(%dma_start3A_46 : memref<128xi32, #tpu.memory_space<vmem>>) semaphore(%arg10 : memref<!tpu.dma_semaphore, #tpu.memory_space<semaphore_mem>>)
    %dma_start3A_50 = arith.constant 4 : i32
    %dma_start3A_51 = arith.constant 4 : i32
    %dma_start3A_52 = arith.constant 0 : i32
    %dma_start3A_53 = arith.constant 0 : i32
    %dma_start3A_54 = tpu.memref_slice %arg6[%dma_start3A_51, %dma_start3A_52, %dma_start3A_53] : memref<5x128x64xf32, #tpu.memory_space<vmem>> -> memref<1x128x64xf32, #tpu.memory_space<vmem>>
    %dma_start3A_55 = tpu.memref_squeeze %dma_start3A_54 : memref<1x128x64xf32, #tpu.memory_space<vmem>> -> memref<128x64xf32, #tpu.memory_space<vmem>>
    %dma_start3A_56 = arith.constant 0 : i32
    %dma_start3A_57 = tpu.memref_slice %arg5[%dma_start3A_50, %dma_start3A_56] : memref<50x128xi32, #tpu.memory_space<vmem>> -> memref<1x128xi32, #tpu.memory_space<vmem>>
    %dma_start3A_58 = tpu.memref_squeeze %dma_start3A_57 : memref<1x128xi32, #tpu.memory_space<vmem>> -> memref<128xi32, #tpu.memory_space<vmem>>
    %dma_start3A_59 = arith.constant 0 : i32
    %dma_start3A_60 = arith.constant 0 : i32
    %dma_start3A_61 = tpu.memref_slice %arg3[%dma_start3A_59, %dma_start3A_60] : memref<1000000x64xf32, #tpu.memory_space<hbm>> -> memref<1000000x64xf32, #tpu.memory_space<hbm>>
    tpu.enqueue_indirect_dma source(%dma_start3A_61 : memref<1000000x64xf32, #tpu.memory_space<hbm>>) target(%dma_start3A_55 : memref<128x64xf32, #tpu.memory_space<vmem>>) offsets(%dma_start3A_58 : memref<128xi32, #tpu.memory_space<vmem>>) semaphore(%arg11 : memref<!tpu.dma_semaphore, #tpu.memory_space<semaphore_mem>>)
    %scan3A = arith.constant 0 : i32
    %scan3A_62 = arith.constant 0 : i32
    %scan3A_63 = arith.constant 10 : i32
    %scan3A_64 = arith.addi %scan3A_62, %scan3A_63 : i32
    %scan3A_65 = arith.constant 1 : i32
    scf.for %scan3A_67 = %scan3A_62 to %scan3A_64 step %scan3A_65  : i32 {
      %mul3A_68 = arith.constant 5 : i32
      %mul3A_69 = arith.muli %scan3A_67, %mul3A_68 : i32
      %add3A_70 = arith.constant 0 : i32
      %add3A_71 = arith.addi %mul3A_69, %add3A_70 : i32
      %dma_wait3A = arith.constant 0 : i32
      %dma_wait3A_72 = arith.constant 0 : i32
      %dma_wait3A_73 = arith.constant 0 : i32
      %dma_wait3A_74 = tpu.memref_slice %arg6[%dma_wait3A, %dma_wait3A_72, %dma_wait3A_73] : memref<5x128x64xf32, #tpu.memory_space<vmem>> -> memref<1x128x64xf32, #tpu.memory_space<vmem>>
      %dma_wait3A_75 = tpu.memref_squeeze %dma_wait3A_74 : memref<1x128x64xf32, #tpu.memory_space<vmem>> -> memref<128x64xf32, #tpu.memory_space<vmem>>
      %dma_wait3A_76 = arith.constant 0 : i32
      %dma_wait3A_77 = tpu.memref_slice %arg5[%add3A_71, %dma_wait3A_76] : memref<50x128xi32, #tpu.memory_space<vmem>> -> memref<1x128xi32, #tpu.memory_space<vmem>>
      %dma_wait3A_78 = tpu.memref_squeeze %dma_wait3A_77 : memref<1x128xi32, #tpu.memory_space<vmem>> -> memref<128xi32, #tpu.memory_space<vmem>>
      %dma_wait3A_79 = arith.constant 0 : i32
      %dma_wait3A_80 = arith.constant 0 : i32
      %dma_wait3A_81 = tpu.memref_slice %arg3[%dma_wait3A_79, %dma_wait3A_80] : memref<1000000x64xf32, #tpu.memory_space<hbm>> -> memref<1000000x64xf32, #tpu.memory_space<hbm>>
      tpu.wait_indirect_dma semaphore(%arg7 : memref<!tpu.dma_semaphore, #tpu.memory_space<semaphore_mem>>) src(%dma_wait3A_81 : memref<1000000x64xf32, #tpu.memory_space<hbm>>) dst(%dma_wait3A_75 : memref<128x64xf32, #tpu.memory_space<vmem>>)
      %mul3A_82 = arith.constant 50 : i32
      %mul3A_83 = arith.muli %add3A, %mul3A_82 : i32
      %add3A_84 = arith.addi %mul3A_83, %add3A_71 : i32
      %mul3A_85 = arith.constant 128 : i32
      %mul3A_86 = arith.muli %add3A_84, %mul3A_85 : i32
      %run_scoped3A = arith.constant 0 : i32
      "tpu.region"() ({
        %run_scoped3A_193 = tpu.sem_alloc : memref<!tpu.dma_semaphore, #tpu.memory_space<semaphore_mem>>
        %dma_start3A_194 = arith.constant 0 : i32
        %dma_start3A_195 = arith.constant 0 : i32
        %dma_start3A_196 = tpu.memref_slice %arg6[%run_scoped3A, %dma_start3A_194, %dma_start3A_195] : memref<5x128x64xf32, #tpu.memory_space<vmem>> -> memref<1x128x64xf32, #tpu.memory_space<vmem>>
        %dma_start3A_197 = tpu.memref_squeeze %dma_start3A_196 : memref<1x128x64xf32, #tpu.memory_space<vmem>> -> memref<128x64xf32, #tpu.memory_space<vmem>>
        %dma_start3A_198 = arith.constant 0 : i32
        %dma_start3A_199 = tpu.memref_slice %arg4[%mul3A_86, %dma_start3A_198] : memref<204800x64xf32, #tpu.memory_space<hbm>> -> memref<128x64xf32, #tpu.memory_space<hbm>>
        %dma_start3A_200 = arith.constant 0 : i32
        %dma_start3A_201 = tpu.memref_slice %arg4[%mul3A_86, %dma_start3A_200] : memref<204800x64xf32, #tpu.memory_space<hbm>> -> memref<128x64xf32, #tpu.memory_space<hbm>>
        %dma_start3A_202 = arith.constant 0 : i32
        %dma_start3A_203 = arith.constant 0 : i32
        %dma_start3A_204 = tpu.memref_slice %arg6[%run_scoped3A, %dma_start3A_202, %dma_start3A_203] : memref<5x128x64xf32, #tpu.memory_space<vmem>> -> memref<1x128x64xf32, #tpu.memory_space<vmem>>
        %dma_start3A_205 = tpu.memref_squeeze %dma_start3A_204 : memref<1x128x64xf32, #tpu.memory_space<vmem>> -> memref<128x64xf32, #tpu.memory_space<vmem>>
        tpu.enqueue_dma source(%dma_start3A_205 : memref<128x64xf32, #tpu.memory_space<vmem>>) target(%dma_start3A_201 : memref<128x64xf32, #tpu.memory_space<hbm>>) target_semaphore(%run_scoped3A_193 : memref<!tpu.dma_semaphore, #tpu.memory_space<semaphore_mem>>)
        %dma_wait3A_206 = arith.constant 0 : i32
        %dma_wait3A_207 = arith.constant 0 : i32
        %dma_wait3A_208 = tpu.memref_slice %arg6[%run_scoped3A, %dma_wait3A_206, %dma_wait3A_207] : memref<5x128x64xf32, #tpu.memory_space<vmem>> -> memref<1x128x64xf32, #tpu.memory_space<vmem>>
        %dma_wait3A_209 = tpu.memref_squeeze %dma_wait3A_208 : memref<1x128x64xf32, #tpu.memory_space<vmem>> -> memref<128x64xf32, #tpu.memory_space<vmem>>
        %dma_wait3A_210 = arith.constant 0 : i32
        %dma_wait3A_211 = tpu.memref_slice %arg4[%mul3A_86, %dma_wait3A_210] : memref<204800x64xf32, #tpu.memory_space<hbm>> -> memref<128x64xf32, #tpu.memory_space<hbm>>
        %dma_wait3A_212 = arith.constant 0 : i32
        %dma_wait3A_213 = tpu.memref_slice %arg4[%mul3A_86, %dma_wait3A_212] : memref<204800x64xf32, #tpu.memory_space<hbm>> -> memref<128x64xf32, #tpu.memory_space<hbm>>
        %dma_wait3A_214 = arith.constant 0 : i32
        %dma_wait3A_215 = arith.constant 0 : i32
        %dma_wait3A_216 = tpu.memref_slice %arg6[%run_scoped3A, %dma_wait3A_214, %dma_wait3A_215] : memref<5x128x64xf32, #tpu.memory_space<vmem>> -> memref<1x128x64xf32, #tpu.memory_space<vmem>>
        %dma_wait3A_217 = tpu.memref_squeeze %dma_wait3A_216 : memref<1x128x64xf32, #tpu.memory_space<vmem>> -> memref<128x64xf32, #tpu.memory_space<vmem>>
        tpu.wait_dma2 semaphore(%run_scoped3A_193 : memref<!tpu.dma_semaphore, #tpu.memory_space<semaphore_mem>>) src(%dma_wait3A_217 : memref<128x64xf32, #tpu.memory_space<vmem>>) dst(%dma_wait3A_213 : memref<128x64xf32, #tpu.memory_space<hbm>>)
        tpu.yield
      }) : () -> ()
      %lt3A = arith.constant 9 : i32
      %lt3A_87 = arith.cmpi slt, %scan3A_67, %lt3A : i32
      %convert_element_type3A = arith.extui %lt3A_87 : i1 to i32
      %cond3A = arith.constant 0 : i32
      %cond3A_88 = arith.cmpi ne, %convert_element_type3A, %cond3A : i32
      scf.if %cond3A_88 {
        %add3A_193 = arith.constant 5 : i32
        %add3A_194 = arith.addi %add3A_71, %add3A_193 : i32
        %dma_start3A_195 = arith.constant 0 : i32
        %dma_start3A_196 = arith.constant 0 : i32
        %dma_start3A_197 = arith.constant 0 : i32
        %dma_start3A_198 = tpu.memref_slice %arg6[%dma_start3A_195, %dma_start3A_196, %dma_start3A_197] : memref<5x128x64xf32, #tpu.memory_space<vmem>> -> memref<1x128x64xf32, #tpu.memory_space<vmem>>
        %dma_start3A_199 = tpu.memref_squeeze %dma_start3A_198 : memref<1x128x64xf32, #tpu.memory_space<vmem>> -> memref<128x64xf32, #tpu.memory_space<vmem>>
        %dma_start3A_200 = arith.constant 0 : i32
        %dma_start3A_201 = tpu.memref_slice %arg5[%add3A_194, %dma_start3A_200] : memref<50x128xi32, #tpu.memory_space<vmem>> -> memref<1x128xi32, #tpu.memory_space<vmem>>
        %dma_start3A_202 = tpu.memref_squeeze %dma_start3A_201 : memref<1x128xi32, #tpu.memory_space<vmem>> -> memref<128xi32, #tpu.memory_space<vmem>>
        %dma_start3A_203 = arith.constant 0 : i32
        %dma_start3A_204 = arith.constant 0 : i32
        %dma_start3A_205 = tpu.memref_slice %arg3[%dma_start3A_203, %dma_start3A_204] : memref<1000000x64xf32, #tpu.memory_space<hbm>> -> memref<1000000x64xf32, #tpu.memory_space<hbm>>
        tpu.enqueue_indirect_dma source(%dma_start3A_205 : memref<1000000x64xf32, #tpu.memory_space<hbm>>) target(%dma_start3A_199 : memref<128x64xf32, #tpu.memory_space<vmem>>) offsets(%dma_start3A_202 : memref<128xi32, #tpu.memory_space<vmem>>) semaphore(%arg7 : memref<!tpu.dma_semaphore, #tpu.memory_space<semaphore_mem>>)
      } else {
      }
      %mul3A_89 = arith.constant 5 : i32
      %mul3A_90 = arith.muli %scan3A_67, %mul3A_89 : i32
      %add3A_91 = arith.constant 1 : i32
      %add3A_92 = arith.addi %mul3A_90, %add3A_91 : i32
      %dma_wait3A_93 = arith.constant 1 : i32
      %dma_wait3A_94 = arith.constant 0 : i32
      %dma_wait3A_95 = arith.constant 0 : i32
      %dma_wait3A_96 = tpu.memref_slice %arg6[%dma_wait3A_93, %dma_wait3A_94, %dma_wait3A_95] : memref<5x128x64xf32, #tpu.memory_space<vmem>> -> memref<1x128x64xf32, #tpu.memory_space<vmem>>
      %dma_wait3A_97 = tpu.memref_squeeze %dma_wait3A_96 : memref<1x128x64xf32, #tpu.memory_space<vmem>> -> memref<128x64xf32, #tpu.memory_space<vmem>>
      %dma_wait3A_98 = arith.constant 0 : i32
      %dma_wait3A_99 = tpu.memref_slice %arg5[%add3A_92, %dma_wait3A_98] : memref<50x128xi32, #tpu.memory_space<vmem>> -> memref<1x128xi32, #tpu.memory_space<vmem>>
      %dma_wait3A_100 = tpu.memref_squeeze %dma_wait3A_99 : memref<1x128xi32, #tpu.memory_space<vmem>> -> memref<128xi32, #tpu.memory_space<vmem>>
      %dma_wait3A_101 = arith.constant 0 : i32
      %dma_wait3A_102 = arith.constant 0 : i32
      %dma_wait3A_103 = tpu.memref_slice %arg3[%dma_wait3A_101, %dma_wait3A_102] : memref<1000000x64xf32, #tpu.memory_space<hbm>> -> memref<1000000x64xf32, #tpu.memory_space<hbm>>
      tpu.wait_indirect_dma semaphore(%arg8 : memref<!tpu.dma_semaphore, #tpu.memory_space<semaphore_mem>>) src(%dma_wait3A_103 : memref<1000000x64xf32, #tpu.memory_space<hbm>>) dst(%dma_wait3A_97 : memref<128x64xf32, #tpu.memory_space<vmem>>)
      %mul3A_104 = arith.constant 50 : i32
      %mul3A_105 = arith.muli %add3A, %mul3A_104 : i32
      %add3A_106 = arith.addi %mul3A_105, %add3A_92 : i32
      %mul3A_107 = arith.constant 128 : i32
      %mul3A_108 = arith.muli %add3A_106, %mul3A_107 : i32
      %run_scoped3A_109 = arith.constant 1 : i32
      "tpu.region"() ({
        %run_scoped3A_193 = tpu.sem_alloc : memref<!tpu.dma_semaphore, #tpu.memory_space<semaphore_mem>>
        %dma_start3A_194 = arith.constant 0 : i32
        %dma_start3A_195 = arith.constant 0 : i32
        %dma_start3A_196 = tpu.memref_slice %arg6[%run_scoped3A_109, %dma_start3A_194, %dma_start3A_195] : memref<5x128x64xf32, #tpu.memory_space<vmem>> -> memref<1x128x64xf32, #tpu.memory_space<vmem>>
        %dma_start3A_197 = tpu.memref_squeeze %dma_start3A_196 : memref<1x128x64xf32, #tpu.memory_space<vmem>> -> memref<128x64xf32, #tpu.memory_space<vmem>>
        %dma_start3A_198 = arith.constant 0 : i32
        %dma_start3A_199 = tpu.memref_slice %arg4[%mul3A_108, %dma_start3A_198] : memref<204800x64xf32, #tpu.memory_space<hbm>> -> memref<128x64xf32, #tpu.memory_space<hbm>>
        %dma_start3A_200 = arith.constant 0 : i32
        %dma_start3A_201 = tpu.memref_slice %arg4[%mul3A_108, %dma_start3A_200] : memref<204800x64xf32, #tpu.memory_space<hbm>> -> memref<128x64xf32, #tpu.memory_space<hbm>>
        %dma_start3A_202 = arith.constant 0 : i32
        %dma_start3A_203 = arith.constant 0 : i32
        %dma_start3A_204 = tpu.memref_slice %arg6[%run_scoped3A_109, %dma_start3A_202, %dma_start3A_203] : memref<5x128x64xf32, #tpu.memory_space<vmem>> -> memref<1x128x64xf32, #tpu.memory_space<vmem>>
        %dma_start3A_205 = tpu.memref_squeeze %dma_start3A_204 : memref<1x128x64xf32, #tpu.memory_space<vmem>> -> memref<128x64xf32, #tpu.memory_space<vmem>>
        tpu.enqueue_dma source(%dma_start3A_205 : memref<128x64xf32, #tpu.memory_space<vmem>>) target(%dma_start3A_201 : memref<128x64xf32, #tpu.memory_space<hbm>>) target_semaphore(%run_scoped3A_193 : memref<!tpu.dma_semaphore, #tpu.memory_space<semaphore_mem>>)
        %dma_wait3A_206 = arith.constant 0 : i32
        %dma_wait3A_207 = arith.constant 0 : i32
        %dma_wait3A_208 = tpu.memref_slice %arg6[%run_scoped3A_109, %dma_wait3A_206, %dma_wait3A_207] : memref<5x128x64xf32, #tpu.memory_space<vmem>> -> memref<1x128x64xf32, #tpu.memory_space<vmem>>
        %dma_wait3A_209 = tpu.memref_squeeze %dma_wait3A_208 : memref<1x128x64xf32, #tpu.memory_space<vmem>> -> memref<128x64xf32, #tpu.memory_space<vmem>>
        %dma_wait3A_210 = arith.constant 0 : i32
        %dma_wait3A_211 = tpu.memref_slice %arg4[%mul3A_108, %dma_wait3A_210] : memref<204800x64xf32, #tpu.memory_space<hbm>> -> memref<128x64xf32, #tpu.memory_space<hbm>>
        %dma_wait3A_212 = arith.constant 0 : i32
        %dma_wait3A_213 = tpu.memref_slice %arg4[%mul3A_108, %dma_wait3A_212] : memref<204800x64xf32, #tpu.memory_space<hbm>> -> memref<128x64xf32, #tpu.memory_space<hbm>>
        %dma_wait3A_214 = arith.constant 0 : i32
        %dma_wait3A_215 = arith.constant 0 : i32
        %dma_wait3A_216 = tpu.memref_slice %arg6[%run_scoped3A_109, %dma_wait3A_214, %dma_wait3A_215] : memref<5x128x64xf32, #tpu.memory_space<vmem>> -> memref<1x128x64xf32, #tpu.memory_space<vmem>>
        %dma_wait3A_217 = tpu.memref_squeeze %dma_wait3A_216 : memref<1x128x64xf32, #tpu.memory_space<vmem>> -> memref<128x64xf32, #tpu.memory_space<vmem>>
        tpu.wait_dma2 semaphore(%run_scoped3A_193 : memref<!tpu.dma_semaphore, #tpu.memory_space<semaphore_mem>>) src(%dma_wait3A_217 : memref<128x64xf32, #tpu.memory_space<vmem>>) dst(%dma_wait3A_213 : memref<128x64xf32, #tpu.memory_space<hbm>>)
        tpu.yield
      }) : () -> ()
      %lt3A_110 = arith.constant 9 : i32
      %lt3A_111 = arith.cmpi slt, %scan3A_67, %lt3A_110 : i32
      %convert_element_type3A_112 = arith.extui %lt3A_111 : i1 to i32
      %cond3A_113 = arith.constant 0 : i32
      %cond3A_114 = arith.cmpi ne, %convert_element_type3A_112, %cond3A_113 : i32
      scf.if %cond3A_114 {
        %add3A_193 = arith.constant 5 : i32
        %add3A_194 = arith.addi %add3A_92, %add3A_193 : i32
        %dma_start3A_195 = arith.constant 1 : i32
        %dma_start3A_196 = arith.constant 0 : i32
        %dma_start3A_197 = arith.constant 0 : i32
        %dma_start3A_198 = tpu.memref_slice %arg6[%dma_start3A_195, %dma_start3A_196, %dma_start3A_197] : memref<5x128x64xf32, #tpu.memory_space<vmem>> -> memref<1x128x64xf32, #tpu.memory_space<vmem>>
        %dma_start3A_199 = tpu.memref_squeeze %dma_start3A_198 : memref<1x128x64xf32, #tpu.memory_space<vmem>> -> memref<128x64xf32, #tpu.memory_space<vmem>>
        %dma_start3A_200 = arith.constant 0 : i32
        %dma_start3A_201 = tpu.memref_slice %arg5[%add3A_194, %dma_start3A_200] : memref<50x128xi32, #tpu.memory_space<vmem>> -> memref<1x128xi32, #tpu.memory_space<vmem>>
        %dma_start3A_202 = tpu.memref_squeeze %dma_start3A_201 : memref<1x128xi32, #tpu.memory_space<vmem>> -> memref<128xi32, #tpu.memory_space<vmem>>
        %dma_start3A_203 = arith.constant 0 : i32
        %dma_start3A_204 = arith.constant 0 : i32
        %dma_start3A_205 = tpu.memref_slice %arg3[%dma_start3A_203, %dma_start3A_204] : memref<1000000x64xf32, #tpu.memory_space<hbm>> -> memref<1000000x64xf32, #tpu.memory_space<hbm>>
        tpu.enqueue_indirect_dma source(%dma_start3A_205 : memref<1000000x64xf32, #tpu.memory_space<hbm>>) target(%dma_start3A_199 : memref<128x64xf32, #tpu.memory_space<vmem>>) offsets(%dma_start3A_202 : memref<128xi32, #tpu.memory_space<vmem>>) semaphore(%arg8 : memref<!tpu.dma_semaphore, #tpu.memory_space<semaphore_mem>>)
      } else {
      }
      %mul3A_115 = arith.constant 5 : i32
      %mul3A_116 = arith.muli %scan3A_67, %mul3A_115 : i32
      %add3A_117 = arith.constant 2 : i32
      %add3A_118 = arith.addi %mul3A_116, %add3A_117 : i32
      %dma_wait3A_119 = arith.constant 2 : i32
      %dma_wait3A_120 = arith.constant 0 : i32
      %dma_wait3A_121 = arith.constant 0 : i32
      %dma_wait3A_122 = tpu.memref_slice %arg6[%dma_wait3A_119, %dma_wait3A_120, %dma_wait3A_121] : memref<5x128x64xf32, #tpu.memory_space<vmem>> -> memref<1x128x64xf32, #tpu.memory_space<vmem>>
      %dma_wait3A_123 = tpu.memref_squeeze %dma_wait3A_122 : memref<1x128x64xf32, #tpu.memory_space<vmem>> -> memref<128x64xf32, #tpu.memory_space<vmem>>
      %dma_wait3A_124 = arith.constant 0 : i32
      %dma_wait3A_125 = tpu.memref_slice %arg5[%add3A_118, %dma_wait3A_124] : memref<50x128xi32, #tpu.memory_space<vmem>> -> memref<1x128xi32, #tpu.memory_space<vmem>>
      %dma_wait3A_126 = tpu.memref_squeeze %dma_wait3A_125 : memref<1x128xi32, #tpu.memory_space<vmem>> -> memref<128xi32, #tpu.memory_space<vmem>>
      %dma_wait3A_127 = arith.constant 0 : i32
      %dma_wait3A_128 = arith.constant 0 : i32
      %dma_wait3A_129 = tpu.memref_slice %arg3[%dma_wait3A_127, %dma_wait3A_128] : memref<1000000x64xf32, #tpu.memory_space<hbm>> -> memref<1000000x64xf32, #tpu.memory_space<hbm>>
      tpu.wait_indirect_dma semaphore(%arg9 : memref<!tpu.dma_semaphore, #tpu.memory_space<semaphore_mem>>) src(%dma_wait3A_129 : memref<1000000x64xf32, #tpu.memory_space<hbm>>) dst(%dma_wait3A_123 : memref<128x64xf32, #tpu.memory_space<vmem>>)
      %mul3A_130 = arith.constant 50 : i32
      %mul3A_131 = arith.muli %add3A, %mul3A_130 : i32
      %add3A_132 = arith.addi %mul3A_131, %add3A_118 : i32
      %mul3A_133 = arith.constant 128 : i32
      %mul3A_134 = arith.muli %add3A_132, %mul3A_133 : i32
      %run_scoped3A_135 = arith.constant 2 : i32
      "tpu.region"() ({
        %run_scoped3A_193 = tpu.sem_alloc : memref<!tpu.dma_semaphore, #tpu.memory_space<semaphore_mem>>
        %dma_start3A_194 = arith.constant 0 : i32
        %dma_start3A_195 = arith.constant 0 : i32
        %dma_start3A_196 = tpu.memref_slice %arg6[%run_scoped3A_135, %dma_start3A_194, %dma_start3A_195] : memref<5x128x64xf32, #tpu.memory_space<vmem>> -> memref<1x128x64xf32, #tpu.memory_space<vmem>>
        %dma_start3A_197 = tpu.memref_squeeze %dma_start3A_196 : memref<1x128x64xf32, #tpu.memory_space<vmem>> -> memref<128x64xf32, #tpu.memory_space<vmem>>
        %dma_start3A_198 = arith.constant 0 : i32
        %dma_start3A_199 = tpu.memref_slice %arg4[%mul3A_134, %dma_start3A_198] : memref<204800x64xf32, #tpu.memory_space<hbm>> -> memref<128x64xf32, #tpu.memory_space<hbm>>
        %dma_start3A_200 = arith.constant 0 : i32
        %dma_start3A_201 = tpu.memref_slice %arg4[%mul3A_134, %dma_start3A_200] : memref<204800x64xf32, #tpu.memory_space<hbm>> -> memref<128x64xf32, #tpu.memory_space<hbm>>
        %dma_start3A_202 = arith.constant 0 : i32
        %dma_start3A_203 = arith.constant 0 : i32
        %dma_start3A_204 = tpu.memref_slice %arg6[%run_scoped3A_135, %dma_start3A_202, %dma_start3A_203] : memref<5x128x64xf32, #tpu.memory_space<vmem>> -> memref<1x128x64xf32, #tpu.memory_space<vmem>>
        %dma_start3A_205 = tpu.memref_squeeze %dma_start3A_204 : memref<1x128x64xf32, #tpu.memory_space<vmem>> -> memref<128x64xf32, #tpu.memory_space<vmem>>
        tpu.enqueue_dma source(%dma_start3A_205 : memref<128x64xf32, #tpu.memory_space<vmem>>) target(%dma_start3A_201 : memref<128x64xf32, #tpu.memory_space<hbm>>) target_semaphore(%run_scoped3A_193 : memref<!tpu.dma_semaphore, #tpu.memory_space<semaphore_mem>>)
        %dma_wait3A_206 = arith.constant 0 : i32
        %dma_wait3A_207 = arith.constant 0 : i32
        %dma_wait3A_208 = tpu.memref_slice %arg6[%run_scoped3A_135, %dma_wait3A_206, %dma_wait3A_207] : memref<5x128x64xf32, #tpu.memory_space<vmem>> -> memref<1x128x64xf32, #tpu.memory_space<vmem>>
        %dma_wait3A_209 = tpu.memref_squeeze %dma_wait3A_208 : memref<1x128x64xf32, #tpu.memory_space<vmem>> -> memref<128x64xf32, #tpu.memory_space<vmem>>
        %dma_wait3A_210 = arith.constant 0 : i32
        %dma_wait3A_211 = tpu.memref_slice %arg4[%mul3A_134, %dma_wait3A_210] : memref<204800x64xf32, #tpu.memory_space<hbm>> -> memref<128x64xf32, #tpu.memory_space<hbm>>
        %dma_wait3A_212 = arith.constant 0 : i32
        %dma_wait3A_213 = tpu.memref_slice %arg4[%mul3A_134, %dma_wait3A_212] : memref<204800x64xf32, #tpu.memory_space<hbm>> -> memref<128x64xf32, #tpu.memory_space<hbm>>
        %dma_wait3A_214 = arith.constant 0 : i32
        %dma_wait3A_215 = arith.constant 0 : i32
        %dma_wait3A_216 = tpu.memref_slice %arg6[%run_scoped3A_135, %dma_wait3A_214, %dma_wait3A_215] : memref<5x128x64xf32, #tpu.memory_space<vmem>> -> memref<1x128x64xf32, #tpu.memory_space<vmem>>
        %dma_wait3A_217 = tpu.memref_squeeze %dma_wait3A_216 : memref<1x128x64xf32, #tpu.memory_space<vmem>> -> memref<128x64xf32, #tpu.memory_space<vmem>>
        tpu.wait_dma2 semaphore(%run_scoped3A_193 : memref<!tpu.dma_semaphore, #tpu.memory_space<semaphore_mem>>) src(%dma_wait3A_217 : memref<128x64xf32, #tpu.memory_space<vmem>>) dst(%dma_wait3A_213 : memref<128x64xf32, #tpu.memory_space<hbm>>)
        tpu.yield
      }) : () -> ()
      %lt3A_136 = arith.constant 9 : i32
      %lt3A_137 = arith.cmpi slt, %scan3A_67, %lt3A_136 : i32
      %convert_element_type3A_138 = arith.extui %lt3A_137 : i1 to i32
      %cond3A_139 = arith.constant 0 : i32
      %cond3A_140 = arith.cmpi ne, %convert_element_type3A_138, %cond3A_139 : i32
      scf.if %cond3A_140 {
        %add3A_193 = arith.constant 5 : i32
        %add3A_194 = arith.addi %add3A_118, %add3A_193 : i32
        %dma_start3A_195 = arith.constant 2 : i32
        %dma_start3A_196 = arith.constant 0 : i32
        %dma_start3A_197 = arith.constant 0 : i32
        %dma_start3A_198 = tpu.memref_slice %arg6[%dma_start3A_195, %dma_start3A_196, %dma_start3A_197] : memref<5x128x64xf32, #tpu.memory_space<vmem>> -> memref<1x128x64xf32, #tpu.memory_space<vmem>>
        %dma_start3A_199 = tpu.memref_squeeze %dma_start3A_198 : memref<1x128x64xf32, #tpu.memory_space<vmem>> -> memref<128x64xf32, #tpu.memory_space<vmem>>
        %dma_start3A_200 = arith.constant 0 : i32
        %dma_start3A_201 = tpu.memref_slice %arg5[%add3A_194, %dma_start3A_200] : memref<50x128xi32, #tpu.memory_space<vmem>> -> memref<1x128xi32, #tpu.memory_space<vmem>>
        %dma_start3A_202 = tpu.memref_squeeze %dma_start3A_201 : memref<1x128xi32, #tpu.memory_space<vmem>> -> memref<128xi32, #tpu.memory_space<vmem>>
        %dma_start3A_203 = arith.constant 0 : i32
        %dma_start3A_204 = arith.constant 0 : i32
        %dma_start3A_205 = tpu.memref_slice %arg3[%dma_start3A_203, %dma_start3A_204] : memref<1000000x64xf32, #tpu.memory_space<hbm>> -> memref<1000000x64xf32, #tpu.memory_space<hbm>>
        tpu.enqueue_indirect_dma source(%dma_start3A_205 : memref<1000000x64xf32, #tpu.memory_space<hbm>>) target(%dma_start3A_199 : memref<128x64xf32, #tpu.memory_space<vmem>>) offsets(%dma_start3A_202 : memref<128xi32, #tpu.memory_space<vmem>>) semaphore(%arg9 : memref<!tpu.dma_semaphore, #tpu.memory_space<semaphore_mem>>)
      } else {
      }
      %mul3A_141 = arith.constant 5 : i32
      %mul3A_142 = arith.muli %scan3A_67, %mul3A_141 : i32
      %add3A_143 = arith.constant 3 : i32
      %add3A_144 = arith.addi %mul3A_142, %add3A_143 : i32
      %dma_wait3A_145 = arith.constant 3 : i32
      %dma_wait3A_146 = arith.constant 0 : i32
      %dma_wait3A_147 = arith.constant 0 : i32
      %dma_wait3A_148 = tpu.memref_slice %arg6[%dma_wait3A_145, %dma_wait3A_146, %dma_wait3A_147] : memref<5x128x64xf32, #tpu.memory_space<vmem>> -> memref<1x128x64xf32, #tpu.memory_space<vmem>>
      %dma_wait3A_149 = tpu.memref_squeeze %dma_wait3A_148 : memref<1x128x64xf32, #tpu.memory_space<vmem>> -> memref<128x64xf32, #tpu.memory_space<vmem>>
      %dma_wait3A_150 = arith.constant 0 : i32
      %dma_wait3A_151 = tpu.memref_slice %arg5[%add3A_144, %dma_wait3A_150] : memref<50x128xi32, #tpu.memory_space<vmem>> -> memref<1x128xi32, #tpu.memory_space<vmem>>
      %dma_wait3A_152 = tpu.memref_squeeze %dma_wait3A_151 : memref<1x128xi32, #tpu.memory_space<vmem>> -> memref<128xi32, #tpu.memory_space<vmem>>
      %dma_wait3A_153 = arith.constant 0 : i32
      %dma_wait3A_154 = arith.constant 0 : i32
      %dma_wait3A_155 = tpu.memref_slice %arg3[%dma_wait3A_153, %dma_wait3A_154] : memref<1000000x64xf32, #tpu.memory_space<hbm>> -> memref<1000000x64xf32, #tpu.memory_space<hbm>>
      tpu.wait_indirect_dma semaphore(%arg10 : memref<!tpu.dma_semaphore, #tpu.memory_space<semaphore_mem>>) src(%dma_wait3A_155 : memref<1000000x64xf32, #tpu.memory_space<hbm>>) dst(%dma_wait3A_149 : memref<128x64xf32, #tpu.memory_space<vmem>>)
      %mul3A_156 = arith.constant 50 : i32
      %mul3A_157 = arith.muli %add3A, %mul3A_156 : i32
      %add3A_158 = arith.addi %mul3A_157, %add3A_144 : i32
      %mul3A_159 = arith.constant 128 : i32
      %mul3A_160 = arith.muli %add3A_158, %mul3A_159 : i32
      %run_scoped3A_161 = arith.constant 3 : i32
      "tpu.region"() ({
        %run_scoped3A_193 = tpu.sem_alloc : memref<!tpu.dma_semaphore, #tpu.memory_space<semaphore_mem>>
        %dma_start3A_194 = arith.constant 0 : i32
        %dma_start3A_195 = arith.constant 0 : i32
        %dma_start3A_196 = tpu.memref_slice %arg6[%run_scoped3A_161, %dma_start3A_194, %dma_start3A_195] : memref<5x128x64xf32, #tpu.memory_space<vmem>> -> memref<1x128x64xf32, #tpu.memory_space<vmem>>
        %dma_start3A_197 = tpu.memref_squeeze %dma_start3A_196 : memref<1x128x64xf32, #tpu.memory_space<vmem>> -> memref<128x64xf32, #tpu.memory_space<vmem>>
        %dma_start3A_198 = arith.constant 0 : i32
        %dma_start3A_199 = tpu.memref_slice %arg4[%mul3A_160, %dma_start3A_198] : memref<204800x64xf32, #tpu.memory_space<hbm>> -> memref<128x64xf32, #tpu.memory_space<hbm>>
        %dma_start3A_200 = arith.constant 0 : i32
        %dma_start3A_201 = tpu.memref_slice %arg4[%mul3A_160, %dma_start3A_200] : memref<204800x64xf32, #tpu.memory_space<hbm>> -> memref<128x64xf32, #tpu.memory_space<hbm>>
        %dma_start3A_202 = arith.constant 0 : i32
        %dma_start3A_203 = arith.constant 0 : i32
        %dma_start3A_204 = tpu.memref_slice %arg6[%run_scoped3A_161, %dma_start3A_202, %dma_start3A_203] : memref<5x128x64xf32, #tpu.memory_space<vmem>> -> memref<1x128x64xf32, #tpu.memory_space<vmem>>
        %dma_start3A_205 = tpu.memref_squeeze %dma_start3A_204 : memref<1x128x64xf32, #tpu.memory_space<vmem>> -> memref<128x64xf32, #tpu.memory_space<vmem>>
        tpu.enqueue_dma source(%dma_start3A_205 : memref<128x64xf32, #tpu.memory_space<vmem>>) target(%dma_start3A_201 : memref<128x64xf32, #tpu.memory_space<hbm>>) target_semaphore(%run_scoped3A_193 : memref<!tpu.dma_semaphore, #tpu.memory_space<semaphore_mem>>)
        %dma_wait3A_206 = arith.constant 0 : i32
        %dma_wait3A_207 = arith.constant 0 : i32
        %dma_wait3A_208 = tpu.memref_slice %arg6[%run_scoped3A_161, %dma_wait3A_206, %dma_wait3A_207] : memref<5x128x64xf32, #tpu.memory_space<vmem>> -> memref<1x128x64xf32, #tpu.memory_space<vmem>>
        %dma_wait3A_209 = tpu.memref_squeeze %dma_wait3A_208 : memref<1x128x64xf32, #tpu.memory_space<vmem>> -> memref<128x64xf32, #tpu.memory_space<vmem>>
        %dma_wait3A_210 = arith.constant 0 : i32
        %dma_wait3A_211 = tpu.memref_slice %arg4[%mul3A_160, %dma_wait3A_210] : memref<204800x64xf32, #tpu.memory_space<hbm>> -> memref<128x64xf32, #tpu.memory_space<hbm>>
        %dma_wait3A_212 = arith.constant 0 : i32
        %dma_wait3A_213 = tpu.memref_slice %arg4[%mul3A_160, %dma_wait3A_212] : memref<204800x64xf32, #tpu.memory_space<hbm>> -> memref<128x64xf32, #tpu.memory_space<hbm>>
        %dma_wait3A_214 = arith.constant 0 : i32
        %dma_wait3A_215 = arith.constant 0 : i32
        %dma_wait3A_216 = tpu.memref_slice %arg6[%run_scoped3A_161, %dma_wait3A_214, %dma_wait3A_215] : memref<5x128x64xf32, #tpu.memory_space<vmem>> -> memref<1x128x64xf32, #tpu.memory_space<vmem>>
        %dma_wait3A_217 = tpu.memref_squeeze %dma_wait3A_216 : memref<1x128x64xf32, #tpu.memory_space<vmem>> -> memref<128x64xf32, #tpu.memory_space<vmem>>
        tpu.wait_dma2 semaphore(%run_scoped3A_193 : memref<!tpu.dma_semaphore, #tpu.memory_space<semaphore_mem>>) src(%dma_wait3A_217 : memref<128x64xf32, #tpu.memory_space<vmem>>) dst(%dma_wait3A_213 : memref<128x64xf32, #tpu.memory_space<hbm>>)
        tpu.yield
      }) : () -> ()
      %lt3A_162 = arith.constant 9 : i32
      %lt3A_163 = arith.cmpi slt, %scan3A_67, %lt3A_162 : i32
      %convert_element_type3A_164 = arith.extui %lt3A_163 : i1 to i32
      %cond3A_165 = arith.constant 0 : i32
      %cond3A_166 = arith.cmpi ne, %convert_element_type3A_164, %cond3A_165 : i32
      scf.if %cond3A_166 {
        %add3A_193 = arith.constant 5 : i32
        %add3A_194 = arith.addi %add3A_144, %add3A_193 : i32
        %dma_start3A_195 = arith.constant 3 : i32
        %dma_start3A_196 = arith.constant 0 : i32
        %dma_start3A_197 = arith.constant 0 : i32
        %dma_start3A_198 = tpu.memref_slice %arg6[%dma_start3A_195, %dma_start3A_196, %dma_start3A_197] : memref<5x128x64xf32, #tpu.memory_space<vmem>> -> memref<1x128x64xf32, #tpu.memory_space<vmem>>
        %dma_start3A_199 = tpu.memref_squeeze %dma_start3A_198 : memref<1x128x64xf32, #tpu.memory_space<vmem>> -> memref<128x64xf32, #tpu.memory_space<vmem>>
        %dma_start3A_200 = arith.constant 0 : i32
        %dma_start3A_201 = tpu.memref_slice %arg5[%add3A_194, %dma_start3A_200] : memref<50x128xi32, #tpu.memory_space<vmem>> -> memref<1x128xi32, #tpu.memory_space<vmem>>
        %dma_start3A_202 = tpu.memref_squeeze %dma_start3A_201 : memref<1x128xi32, #tpu.memory_space<vmem>> -> memref<128xi32, #tpu.memory_space<vmem>>
        %dma_start3A_203 = arith.constant 0 : i32
        %dma_start3A_204 = arith.constant 0 : i32
        %dma_start3A_205 = tpu.memref_slice %arg3[%dma_start3A_203, %dma_start3A_204] : memref<1000000x64xf32, #tpu.memory_space<hbm>> -> memref<1000000x64xf32, #tpu.memory_space<hbm>>
        tpu.enqueue_indirect_dma source(%dma_start3A_205 : memref<1000000x64xf32, #tpu.memory_space<hbm>>) target(%dma_start3A_199 : memref<128x64xf32, #tpu.memory_space<vmem>>) offsets(%dma_start3A_202 : memref<128xi32, #tpu.memory_space<vmem>>) semaphore(%arg10 : memref<!tpu.dma_semaphore, #tpu.memory_space<semaphore_mem>>)
      } else {
      }
      %mul3A_167 = arith.constant 5 : i32
      %mul3A_168 = arith.muli %scan3A_67, %mul3A_167 : i32
      %add3A_169 = arith.constant 4 : i32
      %add3A_170 = arith.addi %mul3A_168, %add3A_169 : i32
      %dma_wait3A_171 = arith.constant 4 : i32
      %dma_wait3A_172 = arith.constant 0 : i32
      %dma_wait3A_173 = arith.constant 0 : i32
      %dma_wait3A_174 = tpu.memref_slice %arg6[%dma_wait3A_171, %dma_wait3A_172, %dma_wait3A_173] : memref<5x128x64xf32, #tpu.memory_space<vmem>> -> memref<1x128x64xf32, #tpu.memory_space<vmem>>
      %dma_wait3A_175 = tpu.memref_squeeze %dma_wait3A_174 : memref<1x128x64xf32, #tpu.memory_space<vmem>> -> memref<128x64xf32, #tpu.memory_space<vmem>>
      %dma_wait3A_176 = arith.constant 0 : i32
      %dma_wait3A_177 = tpu.memref_slice %arg5[%add3A_170, %dma_wait3A_176] : memref<50x128xi32, #tpu.memory_space<vmem>> -> memref<1x128xi32, #tpu.memory_space<vmem>>
      %dma_wait3A_178 = tpu.memref_squeeze %dma_wait3A_177 : memref<1x128xi32, #tpu.memory_space<vmem>> -> memref<128xi32, #tpu.memory_space<vmem>>
      %dma_wait3A_179 = arith.constant 0 : i32
      %dma_wait3A_180 = arith.constant 0 : i32
      %dma_wait3A_181 = tpu.memref_slice %arg3[%dma_wait3A_179, %dma_wait3A_180] : memref<1000000x64xf32, #tpu.memory_space<hbm>> -> memref<1000000x64xf32, #tpu.memory_space<hbm>>
      tpu.wait_indirect_dma semaphore(%arg11 : memref<!tpu.dma_semaphore, #tpu.memory_space<semaphore_mem>>) src(%dma_wait3A_181 : memref<1000000x64xf32, #tpu.memory_space<hbm>>) dst(%dma_wait3A_175 : memref<128x64xf32, #tpu.memory_space<vmem>>)
      %mul3A_182 = arith.constant 50 : i32
      %mul3A_183 = arith.muli %add3A, %mul3A_182 : i32
      %add3A_184 = arith.addi %mul3A_183, %add3A_170 : i32
      %mul3A_185 = arith.constant 128 : i32
      %mul3A_186 = arith.muli %add3A_184, %mul3A_185 : i32
      %run_scoped3A_187 = arith.constant 4 : i32
      "tpu.region"() ({
        %run_scoped3A_193 = tpu.sem_alloc : memref<!tpu.dma_semaphore, #tpu.memory_space<semaphore_mem>>
        %dma_start3A_194 = arith.constant 0 : i32
        %dma_start3A_195 = arith.constant 0 : i32
        %dma_start3A_196 = tpu.memref_slice %arg6[%run_scoped3A_187, %dma_start3A_194, %dma_start3A_195] : memref<5x128x64xf32, #tpu.memory_space<vmem>> -> memref<1x128x64xf32, #tpu.memory_space<vmem>>
        %dma_start3A_197 = tpu.memref_squeeze %dma_start3A_196 : memref<1x128x64xf32, #tpu.memory_space<vmem>> -> memref<128x64xf32, #tpu.memory_space<vmem>>
        %dma_start3A_198 = arith.constant 0 : i32
        %dma_start3A_199 = tpu.memref_slice %arg4[%mul3A_186, %dma_start3A_198] : memref<204800x64xf32, #tpu.memory_space<hbm>> -> memref<128x64xf32, #tpu.memory_space<hbm>>
        %dma_start3A_200 = arith.constant 0 : i32
        %dma_start3A_201 = tpu.memref_slice %arg4[%mul3A_186, %dma_start3A_200] : memref<204800x64xf32, #tpu.memory_space<hbm>> -> memref<128x64xf32, #tpu.memory_space<hbm>>
        %dma_start3A_202 = arith.constant 0 : i32
        %dma_start3A_203 = arith.constant 0 : i32
        %dma_start3A_204 = tpu.memref_slice %arg6[%run_scoped3A_187, %dma_start3A_202, %dma_start3A_203] : memref<5x128x64xf32, #tpu.memory_space<vmem>> -> memref<1x128x64xf32, #tpu.memory_space<vmem>>
        %dma_start3A_205 = tpu.memref_squeeze %dma_start3A_204 : memref<1x128x64xf32, #tpu.memory_space<vmem>> -> memref<128x64xf32, #tpu.memory_space<vmem>>
        tpu.enqueue_dma source(%dma_start3A_205 : memref<128x64xf32, #tpu.memory_space<vmem>>) target(%dma_start3A_201 : memref<128x64xf32, #tpu.memory_space<hbm>>) target_semaphore(%run_scoped3A_193 : memref<!tpu.dma_semaphore, #tpu.memory_space<semaphore_mem>>)
        %dma_wait3A_206 = arith.constant 0 : i32
        %dma_wait3A_207 = arith.constant 0 : i32
        %dma_wait3A_208 = tpu.memref_slice %arg6[%run_scoped3A_187, %dma_wait3A_206, %dma_wait3A_207] : memref<5x128x64xf32, #tpu.memory_space<vmem>> -> memref<1x128x64xf32, #tpu.memory_space<vmem>>
        %dma_wait3A_209 = tpu.memref_squeeze %dma_wait3A_208 : memref<1x128x64xf32, #tpu.memory_space<vmem>> -> memref<128x64xf32, #tpu.memory_space<vmem>>
        %dma_wait3A_210 = arith.constant 0 : i32
        %dma_wait3A_211 = tpu.memref_slice %arg4[%mul3A_186, %dma_wait3A_210] : memref<204800x64xf32, #tpu.memory_space<hbm>> -> memref<128x64xf32, #tpu.memory_space<hbm>>
        %dma_wait3A_212 = arith.constant 0 : i32
        %dma_wait3A_213 = tpu.memref_slice %arg4[%mul3A_186, %dma_wait3A_212] : memref<204800x64xf32, #tpu.memory_space<hbm>> -> memref<128x64xf32, #tpu.memory_space<hbm>>
        %dma_wait3A_214 = arith.constant 0 : i32
        %dma_wait3A_215 = arith.constant 0 : i32
        %dma_wait3A_216 = tpu.memref_slice %arg6[%run_scoped3A_187, %dma_wait3A_214, %dma_wait3A_215] : memref<5x128x64xf32, #tpu.memory_space<vmem>> -> memref<1x128x64xf32, #tpu.memory_space<vmem>>
        %dma_wait3A_217 = tpu.memref_squeeze %dma_wait3A_216 : memref<1x128x64xf32, #tpu.memory_space<vmem>> -> memref<128x64xf32, #tpu.memory_space<vmem>>
        tpu.wait_dma2 semaphore(%run_scoped3A_193 : memref<!tpu.dma_semaphore, #tpu.memory_space<semaphore_mem>>) src(%dma_wait3A_217 : memref<128x64xf32, #tpu.memory_space<vmem>>) dst(%dma_wait3A_213 : memref<128x64xf32, #tpu.memory_space<hbm>>)
        tpu.yield
      }) : () -> ()
      %lt3A_188 = arith.constant 9 : i32
      %lt3A_189 = arith.cmpi slt, %scan3A_67, %lt3A_188 : i32
      %convert_element_type3A_190 = arith.extui %lt3A_189 : i1 to i32
      %cond3A_191 = arith.constant 0 : i32
      %cond3A_192 = arith.cmpi ne, %convert_element_type3A_190, %cond3A_191 : i32
      scf.if %cond3A_192 {
        %add3A_193 = arith.constant 5 : i32
        %add3A_194 = arith.addi %add3A_170, %add3A_193 : i32
        %dma_start3A_195 = arith.constant 4 : i32
        %dma_start3A_196 = arith.constant 0 : i32
        %dma_start3A_197 = arith.constant 0 : i32
        %dma_start3A_198 = tpu.memref_slice %arg6[%dma_start3A_195, %dma_start3A_196, %dma_start3A_197] : memref<5x128x64xf32, #tpu.memory_space<vmem>> -> memref<1x128x64xf32, #tpu.memory_space<vmem>>
        %dma_start3A_199 = tpu.memref_squeeze %dma_start3A_198 : memref<1x128x64xf32, #tpu.memory_space<vmem>> -> memref<128x64xf32, #tpu.memory_space<vmem>>
        %dma_start3A_200 = arith.constant 0 : i32
        %dma_start3A_201 = tpu.memref_slice %arg5[%add3A_194, %dma_start3A_200] : memref<50x128xi32, #tpu.memory_space<vmem>> -> memref<1x128xi32, #tpu.memory_space<vmem>>
        %dma_start3A_202 = tpu.memref_squeeze %dma_start3A_201 : memref<1x128xi32, #tpu.memory_space<vmem>> -> memref<128xi32, #tpu.memory_space<vmem>>
        %dma_start3A_203 = arith.constant 0 : i32
        %dma_start3A_204 = arith.constant 0 : i32
        %dma_start3A_205 = tpu.memref_slice %arg3[%dma_start3A_203, %dma_start3A_204] : memref<1000000x64xf32, #tpu.memory_space<hbm>> -> memref<1000000x64xf32, #tpu.memory_space<hbm>>
        tpu.enqueue_indirect_dma source(%dma_start3A_205 : memref<1000000x64xf32, #tpu.memory_space<hbm>>) target(%dma_start3A_199 : memref<128x64xf32, #tpu.memory_space<vmem>>) offsets(%dma_start3A_202 : memref<128xi32, #tpu.memory_space<vmem>>) semaphore(%arg11 : memref<!tpu.dma_semaphore, #tpu.memory_space<semaphore_mem>>)
      } else {
      }
    }
    %scan3A_66 = arith.constant 10 : i32
    return
  }
}

#map = affine_map<(d0, d1) -> (0, 0)>
module attributes {stable_mosaic.version = 14 : i64} {
  func.func @k(%arg0: i32, %arg1: i32, %arg2: memref<1600x128xi32, #tpu.memory_space<hbm>>, %arg3: memref<1000000x64xf32, #tpu.memory_space<hbm>>, %arg4: memref<204800x64xf32, #tpu.memory_space<hbm>>, %arg5: memref<50x128xi32, #tpu.memory_space<vmem>>, %arg6: memref<5x128x64xf32, #tpu.memory_space<vmem>>, %arg7: memref<!tpu.dma_semaphore, #tpu.memory_space<semaphore_mem>>, %arg8: memref<!tpu.dma_semaphore, #tpu.memory_space<semaphore_mem>>, %arg9: memref<!tpu.dma_semaphore, #tpu.memory_space<semaphore_mem>>, %arg10: memref<!tpu.dma_semaphore, #tpu.memory_space<semaphore_mem>>, %arg11: memref<!tpu.dma_semaphore, #tpu.memory_space<semaphore_mem>>) attributes {dimension_semantics = [#tpu.dimension_semantics<core_parallel>, #tpu.dimension_semantics<subcore_parallel>], iteration_bounds = array<i64: 2, 16>, scalar_prefetch = 0 : i64, scratch_operands = 7 : i64, tpu.core_type = #tpu.core_type<sc_vector_subcore>, window_params = [{transform_indices = #map}, {transform_indices = #map}, {transform_indices = #map}]} {
    %mul3A = arith.constant 2 : i32
    %mul3A_0 = arith.muli %arg1, %mul3A : i32
    %add3A = arith.addi %mul3A_0, %arg0 : i32
    %mul3A_1 = arith.constant 50 : i32
    %mul3A_2 = arith.muli %add3A, %mul3A_1 : i32
    "tpu.region"() ({
      %run_scoped3A = tpu.sem_alloc : memref<!tpu.dma_semaphore, #tpu.memory_space<semaphore_mem>>
      %dma_start3A_67 = arith.constant 0 : i32
      %dma_start3A_68 = tpu.memref_slice %arg2[%mul3A_2, %dma_start3A_67] : memref<1600x128xi32, #tpu.memory_space<hbm>> -> memref<50x128xi32, #tpu.memory_space<hbm>>
      %dma_start3A_69 = arith.constant 0 : i32
      %dma_start3A_70 = tpu.memref_slice %arg2[%mul3A_2, %dma_start3A_69] : memref<1600x128xi32, #tpu.memory_space<hbm>> -> memref<50x128xi32, #tpu.memory_space<hbm>>
      tpu.enqueue_dma source(%dma_start3A_70 : memref<50x128xi32, #tpu.memory_space<hbm>>) target(%arg5 : memref<50x128xi32, #tpu.memory_space<vmem>>) target_semaphore(%run_scoped3A : memref<!tpu.dma_semaphore, #tpu.memory_space<semaphore_mem>>)
      %dma_wait3A = arith.constant 0 : i32
      %dma_wait3A_71 = tpu.memref_slice %arg2[%mul3A_2, %dma_wait3A] : memref<1600x128xi32, #tpu.memory_space<hbm>> -> memref<50x128xi32, #tpu.memory_space<hbm>>
      %dma_wait3A_72 = arith.constant 0 : i32
      %dma_wait3A_73 = tpu.memref_slice %arg2[%mul3A_2, %dma_wait3A_72] : memref<1600x128xi32, #tpu.memory_space<hbm>> -> memref<50x128xi32, #tpu.memory_space<hbm>>
      tpu.wait_dma2 semaphore(%run_scoped3A : memref<!tpu.dma_semaphore, #tpu.memory_space<semaphore_mem>>) src(%dma_wait3A_73 : memref<50x128xi32, #tpu.memory_space<hbm>>) dst(%arg5 : memref<50x128xi32, #tpu.memory_space<vmem>>)
      tpu.yield
    }) : () -> ()
    %dma_start3A = arith.constant 0 : i32
    %dma_start3A_3 = arith.constant 0 : i32
    %dma_start3A_4 = arith.constant 0 : i32
    %dma_start3A_5 = arith.constant 0 : i32
    %dma_start3A_6 = tpu.memref_slice %arg6[%dma_start3A_3, %dma_start3A_4, %dma_start3A_5] : memref<5x128x64xf32, #tpu.memory_space<vmem>> -> memref<1x128x64xf32, #tpu.memory_space<vmem>>
    %dma_start3A_7 = tpu.memref_squeeze %dma_start3A_6 : memref<1x128x64xf32, #tpu.memory_space<vmem>> -> memref<128x64xf32, #tpu.memory_space<vmem>>
    %dma_start3A_8 = arith.constant 0 : i32
    %dma_start3A_9 = tpu.memref_slice %arg5[%dma_start3A, %dma_start3A_8] : memref<50x128xi32, #tpu.memory_space<vmem>> -> memref<1x128xi32, #tpu.memory_space<vmem>>
    %dma_start3A_10 = tpu.memref_squeeze %dma_start3A_9 : memref<1x128xi32, #tpu.memory_space<vmem>> -> memref<128xi32, #tpu.memory_space<vmem>>
    %dma_start3A_11 = arith.constant 0 : i32
    %dma_start3A_12 = arith.constant 0 : i32
    %dma_start3A_13 = tpu.memref_slice %arg3[%dma_start3A_11, %dma_start3A_12] : memref<1000000x64xf32, #tpu.memory_space<hbm>> -> memref<1000000x64xf32, #tpu.memory_space<hbm>>
    tpu.enqueue_indirect_dma source(%dma_start3A_13 : memref<1000000x64xf32, #tpu.memory_space<hbm>>) target(%dma_start3A_7 : memref<128x64xf32, #tpu.memory_space<vmem>>) offsets(%dma_start3A_10 : memref<128xi32, #tpu.memory_space<vmem>>) semaphore(%arg7 : memref<!tpu.dma_semaphore, #tpu.memory_space<semaphore_mem>>)
    %dma_start3A_14 = arith.constant 1 : i32
    %dma_start3A_15 = arith.constant 1 : i32
    %dma_start3A_16 = arith.constant 0 : i32
    %dma_start3A_17 = arith.constant 0 : i32
    %dma_start3A_18 = tpu.memref_slice %arg6[%dma_start3A_15, %dma_start3A_16, %dma_start3A_17] : memref<5x128x64xf32, #tpu.memory_space<vmem>> -> memref<1x128x64xf32, #tpu.memory_space<vmem>>
    %dma_start3A_19 = tpu.memref_squeeze %dma_start3A_18 : memref<1x128x64xf32, #tpu.memory_space<vmem>> -> memref<128x64xf32, #tpu.memory_space<vmem>>
    %dma_start3A_20 = arith.constant 0 : i32
    %dma_start3A_21 = tpu.memref_slice %arg5[%dma_start3A_14, %dma_start3A_20] : memref<50x128xi32, #tpu.memory_space<vmem>> -> memref<1x128xi32, #tpu.memory_space<vmem>>
    %dma_start3A_22 = tpu.memref_squeeze %dma_start3A_21 : memref<1x128xi32, #tpu.memory_space<vmem>> -> memref<128xi32, #tpu.memory_space<vmem>>
    %dma_start3A_23 = arith.constant 0 : i32
    %dma_start3A_24 = arith.constant 0 : i32
    %dma_start3A_25 = tpu.memref_slice %arg3[%dma_start3A_23, %dma_start3A_24] : memref<1000000x64xf32, #tpu.memory_space<hbm>> -> memref<1000000x64xf32, #tpu.memory_space<hbm>>
    tpu.enqueue_indirect_dma source(%dma_start3A_25 : memref<1000000x64xf32, #tpu.memory_space<hbm>>) target(%dma_start3A_19 : memref<128x64xf32, #tpu.memory_space<vmem>>) offsets(%dma_start3A_22 : memref<128xi32, #tpu.memory_space<vmem>>) semaphore(%arg8 : memref<!tpu.dma_semaphore, #tpu.memory_space<semaphore_mem>>)
    %dma_start3A_26 = arith.constant 2 : i32
    %dma_start3A_27 = arith.constant 2 : i32
    %dma_start3A_28 = arith.constant 0 : i32
    %dma_start3A_29 = arith.constant 0 : i32
    %dma_start3A_30 = tpu.memref_slice %arg6[%dma_start3A_27, %dma_start3A_28, %dma_start3A_29] : memref<5x128x64xf32, #tpu.memory_space<vmem>> -> memref<1x128x64xf32, #tpu.memory_space<vmem>>
    %dma_start3A_31 = tpu.memref_squeeze %dma_start3A_30 : memref<1x128x64xf32, #tpu.memory_space<vmem>> -> memref<128x64xf32, #tpu.memory_space<vmem>>
    %dma_start3A_32 = arith.constant 0 : i32
    %dma_start3A_33 = tpu.memref_slice %arg5[%dma_start3A_26, %dma_start3A_32] : memref<50x128xi32, #tpu.memory_space<vmem>> -> memref<1x128xi32, #tpu.memory_space<vmem>>
    %dma_start3A_34 = tpu.memref_squeeze %dma_start3A_33 : memref<1x128xi32, #tpu.memory_space<vmem>> -> memref<128xi32, #tpu.memory_space<vmem>>
    %dma_start3A_35 = arith.constant 0 : i32
    %dma_start3A_36 = arith.constant 0 : i32
    %dma_start3A_37 = tpu.memref_slice %arg3[%dma_start3A_35, %dma_start3A_36] : memref<1000000x64xf32, #tpu.memory_space<hbm>> -> memref<1000000x64xf32, #tpu.memory_space<hbm>>
    tpu.enqueue_indirect_dma source(%dma_start3A_37 : memref<1000000x64xf32, #tpu.memory_space<hbm>>) target(%dma_start3A_31 : memref<128x64xf32, #tpu.memory_space<vmem>>) offsets(%dma_start3A_34 : memref<128xi32, #tpu.memory_space<vmem>>) semaphore(%arg9 : memref<!tpu.dma_semaphore, #tpu.memory_space<semaphore_mem>>)
    %dma_start3A_38 = arith.constant 3 : i32
    %dma_start3A_39 = arith.constant 3 : i32
    %dma_start3A_40 = arith.constant 0 : i32
    %dma_start3A_41 = arith.constant 0 : i32
    %dma_start3A_42 = tpu.memref_slice %arg6[%dma_start3A_39, %dma_start3A_40, %dma_start3A_41] : memref<5x128x64xf32, #tpu.memory_space<vmem>> -> memref<1x128x64xf32, #tpu.memory_space<vmem>>
    %dma_start3A_43 = tpu.memref_squeeze %dma_start3A_42 : memref<1x128x64xf32, #tpu.memory_space<vmem>> -> memref<128x64xf32, #tpu.memory_space<vmem>>
    %dma_start3A_44 = arith.constant 0 : i32
    %dma_start3A_45 = tpu.memref_slice %arg5[%dma_start3A_38, %dma_start3A_44] : memref<50x128xi32, #tpu.memory_space<vmem>> -> memref<1x128xi32, #tpu.memory_space<vmem>>
    %dma_start3A_46 = tpu.memref_squeeze %dma_start3A_45 : memref<1x128xi32, #tpu.memory_space<vmem>> -> memref<128xi32, #tpu.memory_space<vmem>>
    %dma_start3A_47 = arith.constant 0 : i32
    %dma_start3A_48 = arith.constant 0 : i32
    %dma_start3A_49 = tpu.memref_slice %arg3[%dma_start3A_47, %dma_start3A_48] : memref<1000000x64xf32, #tpu.memory_space<hbm>> -> memref<1000000x64xf32, #tpu.memory_space<hbm>>
    tpu.enqueue_indirect_dma source(%dma_start3A_49 : memref<1000000x64xf32, #tpu.memory_space<hbm>>) target(%dma_start3A_43 : memref<128x64xf32, #tpu.memory_space<vmem>>) offsets(%dma_start3A_46 : memref<128xi32, #tpu.memory_space<vmem>>) semaphore(%arg10 : memref<!tpu.dma_semaphore, #tpu.memory_space<semaphore_mem>>)
    %dma_start3A_50 = arith.constant 4 : i32
    %dma_start3A_51 = arith.constant 4 : i32
    %dma_start3A_52 = arith.constant 0 : i32
    %dma_start3A_53 = arith.constant 0 : i32
    %dma_start3A_54 = tpu.memref_slice %arg6[%dma_start3A_51, %dma_start3A_52, %dma_start3A_53] : memref<5x128x64xf32, #tpu.memory_space<vmem>> -> memref<1x128x64xf32, #tpu.memory_space<vmem>>
    %dma_start3A_55 = tpu.memref_squeeze %dma_start3A_54 : memref<1x128x64xf32, #tpu.memory_space<vmem>> -> memref<128x64xf32, #tpu.memory_space<vmem>>
    %dma_start3A_56 = arith.constant 0 : i32
    %dma_start3A_57 = tpu.memref_slice %arg5[%dma_start3A_50, %dma_start3A_56] : memref<50x128xi32, #tpu.memory_space<vmem>> -> memref<1x128xi32, #tpu.memory_space<vmem>>
    %dma_start3A_58 = tpu.memref_squeeze %dma_start3A_57 : memref<1x128xi32, #tpu.memory_space<vmem>> -> memref<128xi32, #tpu.memory_space<vmem>>
    %dma_start3A_59 = arith.constant 0 : i32
    %dma_start3A_60 = arith.constant 0 : i32
    %dma_start3A_61 = tpu.memref_slice %arg3[%dma_start3A_59, %dma_start3A_60] : memref<1000000x64xf32, #tpu.memory_space<hbm>> -> memref<1000000x64xf32, #tpu.memory_space<hbm>>
    tpu.enqueue_indirect_dma source(%dma_start3A_61 : memref<1000000x64xf32, #tpu.memory_space<hbm>>) target(%dma_start3A_55 : memref<128x64xf32, #tpu.memory_space<vmem>>) offsets(%dma_start3A_58 : memref<128xi32, #tpu.memory_space<vmem>>) semaphore(%arg11 : memref<!tpu.dma_semaphore, #tpu.memory_space<semaphore_mem>>)
    %scan3A = arith.constant 0 : i32
    %scan3A_62 = arith.constant 0 : i32
    %scan3A_63 = arith.constant 10 : i32
    %scan3A_64 = arith.addi %scan3A_62, %scan3A_63 : i32
    %scan3A_65 = arith.constant 1 : i32
    scf.for %scan3A_67 = %scan3A_62 to %scan3A_64 step %scan3A_65  : i32 {
      %mul3A_68 = arith.constant 5 : i32
      %mul3A_69 = arith.muli %scan3A_67, %mul3A_68 : i32
      %add3A_70 = arith.constant 0 : i32
      %add3A_71 = arith.addi %mul3A_69, %add3A_70 : i32
      %dma_wait3A = arith.constant 0 : i32
      %dma_wait3A_72 = arith.constant 0 : i32
      %dma_wait3A_73 = arith.constant 0 : i32
      %dma_wait3A_74 = tpu.memref_slice %arg6[%dma_wait3A, %dma_wait3A_72, %dma_wait3A_73] : memref<5x128x64xf32, #tpu.memory_space<vmem>> -> memref<1x128x64xf32, #tpu.memory_space<vmem>>
      %dma_wait3A_75 = tpu.memref_squeeze %dma_wait3A_74 : memref<1x128x64xf32, #tpu.memory_space<vmem>> -> memref<128x64xf32, #tpu.memory_space<vmem>>
      %dma_wait3A_76 = arith.constant 0 : i32
      %dma_wait3A_77 = tpu.memref_slice %arg5[%add3A_71, %dma_wait3A_76] : memref<50x128xi32, #tpu.memory_space<vmem>> -> memref<1x128xi32, #tpu.memory_space<vmem>>
      %dma_wait3A_78 = tpu.memref_squeeze %dma_wait3A_77 : memref<1x128xi32, #tpu.memory_space<vmem>> -> memref<128xi32, #tpu.memory_space<vmem>>
      %dma_wait3A_79 = arith.constant 0 : i32
      %dma_wait3A_80 = arith.constant 0 : i32
      %dma_wait3A_81 = tpu.memref_slice %arg3[%dma_wait3A_79, %dma_wait3A_80] : memref<1000000x64xf32, #tpu.memory_space<hbm>> -> memref<1000000x64xf32, #tpu.memory_space<hbm>>
      tpu.wait_indirect_dma semaphore(%arg7 : memref<!tpu.dma_semaphore, #tpu.memory_space<semaphore_mem>>) src(%dma_wait3A_81 : memref<1000000x64xf32, #tpu.memory_space<hbm>>) dst(%dma_wait3A_75 : memref<128x64xf32, #tpu.memory_space<vmem>>)
      %mul3A_82 = arith.constant 50 : i32
      %mul3A_83 = arith.muli %add3A, %mul3A_82 : i32
      %add3A_84 = arith.addi %mul3A_83, %add3A_71 : i32
      %mul3A_85 = arith.constant 128 : i32
      %mul3A_86 = arith.muli %add3A_84, %mul3A_85 : i32
      %run_scoped3A = arith.constant 0 : i32
      "tpu.region"() ({
        %run_scoped3A_193 = tpu.sem_alloc : memref<!tpu.dma_semaphore, #tpu.memory_space<semaphore_mem>>
        %dma_start3A_194 = arith.constant 0 : i32
        %dma_start3A_195 = arith.constant 0 : i32
        %dma_start3A_196 = tpu.memref_slice %arg6[%run_scoped3A, %dma_start3A_194, %dma_start3A_195] : memref<5x128x64xf32, #tpu.memory_space<vmem>> -> memref<1x128x64xf32, #tpu.memory_space<vmem>>
        %dma_start3A_197 = tpu.memref_squeeze %dma_start3A_196 : memref<1x128x64xf32, #tpu.memory_space<vmem>> -> memref<128x64xf32, #tpu.memory_space<vmem>>
        %dma_start3A_198 = arith.constant 0 : i32
        %dma_start3A_199 = tpu.memref_slice %arg4[%mul3A_86, %dma_start3A_198] : memref<204800x64xf32, #tpu.memory_space<hbm>> -> memref<128x64xf32, #tpu.memory_space<hbm>>
        %dma_start3A_200 = arith.constant 0 : i32
        %dma_start3A_201 = tpu.memref_slice %arg4[%mul3A_86, %dma_start3A_200] : memref<204800x64xf32, #tpu.memory_space<hbm>> -> memref<128x64xf32, #tpu.memory_space<hbm>>
        %dma_start3A_202 = arith.constant 0 : i32
        %dma_start3A_203 = arith.constant 0 : i32
        %dma_start3A_204 = tpu.memref_slice %arg6[%run_scoped3A, %dma_start3A_202, %dma_start3A_203] : memref<5x128x64xf32, #tpu.memory_space<vmem>> -> memref<1x128x64xf32, #tpu.memory_space<vmem>>
        %dma_start3A_205 = tpu.memref_squeeze %dma_start3A_204 : memref<1x128x64xf32, #tpu.memory_space<vmem>> -> memref<128x64xf32, #tpu.memory_space<vmem>>
        tpu.enqueue_dma source(%dma_start3A_205 : memref<128x64xf32, #tpu.memory_space<vmem>>) target(%dma_start3A_201 : memref<128x64xf32, #tpu.memory_space<hbm>>) target_semaphore(%run_scoped3A_193 : memref<!tpu.dma_semaphore, #tpu.memory_space<semaphore_mem>>)
        %dma_wait3A_206 = arith.constant 0 : i32
        %dma_wait3A_207 = arith.constant 0 : i32
        %dma_wait3A_208 = tpu.memref_slice %arg6[%run_scoped3A, %dma_wait3A_206, %dma_wait3A_207] : memref<5x128x64xf32, #tpu.memory_space<vmem>> -> memref<1x128x64xf32, #tpu.memory_space<vmem>>
        %dma_wait3A_209 = tpu.memref_squeeze %dma_wait3A_208 : memref<1x128x64xf32, #tpu.memory_space<vmem>> -> memref<128x64xf32, #tpu.memory_space<vmem>>
        %dma_wait3A_210 = arith.constant 0 : i32
        %dma_wait3A_211 = tpu.memref_slice %arg4[%mul3A_86, %dma_wait3A_210] : memref<204800x64xf32, #tpu.memory_space<hbm>> -> memref<128x64xf32, #tpu.memory_space<hbm>>
        %dma_wait3A_212 = arith.constant 0 : i32
        %dma_wait3A_213 = tpu.memref_slice %arg4[%mul3A_86, %dma_wait3A_212] : memref<204800x64xf32, #tpu.memory_space<hbm>> -> memref<128x64xf32, #tpu.memory_space<hbm>>
        %dma_wait3A_214 = arith.constant 0 : i32
        %dma_wait3A_215 = arith.constant 0 : i32
        %dma_wait3A_216 = tpu.memref_slice %arg6[%run_scoped3A, %dma_wait3A_214, %dma_wait3A_215] : memref<5x128x64xf32, #tpu.memory_space<vmem>> -> memref<1x128x64xf32, #tpu.memory_space<vmem>>
        %dma_wait3A_217 = tpu.memref_squeeze %dma_wait3A_216 : memref<1x128x64xf32, #tpu.memory_space<vmem>> -> memref<128x64xf32, #tpu.memory_space<vmem>>
        tpu.wait_dma2 semaphore(%run_scoped3A_193 : memref<!tpu.dma_semaphore, #tpu.memory_space<semaphore_mem>>) src(%dma_wait3A_217 : memref<128x64xf32, #tpu.memory_space<vmem>>) dst(%dma_wait3A_213 : memref<128x64xf32, #tpu.memory_space<hbm>>)
        tpu.yield
      }) : () -> ()
      %lt3A = arith.constant 9 : i32
      %lt3A_87 = arith.cmpi slt, %scan3A_67, %lt3A : i32
      %convert_element_type3A = arith.extui %lt3A_87 : i1 to i32
      %cond3A = arith.constant 0 : i32
      %cond3A_88 = arith.cmpi ne, %convert_element_type3A, %cond3A : i32
      scf.if %cond3A_88 {
        %add3A_193 = arith.constant 5 : i32
        %add3A_194 = arith.addi %add3A_71, %add3A_193 : i32
        %dma_start3A_195 = arith.constant 0 : i32
        %dma_start3A_196 = arith.constant 0 : i32
        %dma_start3A_197 = arith.constant 0 : i32
        %dma_start3A_198 = tpu.memref_slice %arg6[%dma_start3A_195, %dma_start3A_196, %dma_start3A_197] : memref<5x128x64xf32, #tpu.memory_space<vmem>> -> memref<1x128x64xf32, #tpu.memory_space<vmem>>
        %dma_start3A_199 = tpu.memref_squeeze %dma_start3A_198 : memref<1x128x64xf32, #tpu.memory_space<vmem>> -> memref<128x64xf32, #tpu.memory_space<vmem>>
        %dma_start3A_200 = arith.constant 0 : i32
        %dma_start3A_201 = tpu.memref_slice %arg5[%add3A_194, %dma_start3A_200] : memref<50x128xi32, #tpu.memory_space<vmem>> -> memref<1x128xi32, #tpu.memory_space<vmem>>
        %dma_start3A_202 = tpu.memref_squeeze %dma_start3A_201 : memref<1x128xi32, #tpu.memory_space<vmem>> -> memref<128xi32, #tpu.memory_space<vmem>>
        %dma_start3A_203 = arith.constant 0 : i32
        %dma_start3A_204 = arith.constant 0 : i32
        %dma_start3A_205 = tpu.memref_slice %arg3[%dma_start3A_203, %dma_start3A_204] : memref<1000000x64xf32, #tpu.memory_space<hbm>> -> memref<1000000x64xf32, #tpu.memory_space<hbm>>
        tpu.enqueue_indirect_dma source(%dma_start3A_205 : memref<1000000x64xf32, #tpu.memory_space<hbm>>) target(%dma_start3A_199 : memref<128x64xf32, #tpu.memory_space<vmem>>) offsets(%dma_start3A_202 : memref<128xi32, #tpu.memory_space<vmem>>) semaphore(%arg7 : memref<!tpu.dma_semaphore, #tpu.memory_space<semaphore_mem>>)
      } else {
      }
      %mul3A_89 = arith.constant 5 : i32
      %mul3A_90 = arith.muli %scan3A_67, %mul3A_89 : i32
      %add3A_91 = arith.constant 1 : i32
      %add3A_92 = arith.addi %mul3A_90, %add3A_91 : i32
      %dma_wait3A_93 = arith.constant 1 : i32
      %dma_wait3A_94 = arith.constant 0 : i32
      %dma_wait3A_95 = arith.constant 0 : i32
      %dma_wait3A_96 = tpu.memref_slice %arg6[%dma_wait3A_93, %dma_wait3A_94, %dma_wait3A_95] : memref<5x128x64xf32, #tpu.memory_space<vmem>> -> memref<1x128x64xf32, #tpu.memory_space<vmem>>
      %dma_wait3A_97 = tpu.memref_squeeze %dma_wait3A_96 : memref<1x128x64xf32, #tpu.memory_space<vmem>> -> memref<128x64xf32, #tpu.memory_space<vmem>>
      %dma_wait3A_98 = arith.constant 0 : i32
      %dma_wait3A_99 = tpu.memref_slice %arg5[%add3A_92, %dma_wait3A_98] : memref<50x128xi32, #tpu.memory_space<vmem>> -> memref<1x128xi32, #tpu.memory_space<vmem>>
      %dma_wait3A_100 = tpu.memref_squeeze %dma_wait3A_99 : memref<1x128xi32, #tpu.memory_space<vmem>> -> memref<128xi32, #tpu.memory_space<vmem>>
      %dma_wait3A_101 = arith.constant 0 : i32
      %dma_wait3A_102 = arith.constant 0 : i32
      %dma_wait3A_103 = tpu.memref_slice %arg3[%dma_wait3A_101, %dma_wait3A_102] : memref<1000000x64xf32, #tpu.memory_space<hbm>> -> memref<1000000x64xf32, #tpu.memory_space<hbm>>
      tpu.wait_indirect_dma semaphore(%arg8 : memref<!tpu.dma_semaphore, #tpu.memory_space<semaphore_mem>>) src(%dma_wait3A_103 : memref<1000000x64xf32, #tpu.memory_space<hbm>>) dst(%dma_wait3A_97 : memref<128x64xf32, #tpu.memory_space<vmem>>)
      %mul3A_104 = arith.constant 50 : i32
      %mul3A_105 = arith.muli %add3A, %mul3A_104 : i32
      %add3A_106 = arith.addi %mul3A_105, %add3A_92 : i32
      %mul3A_107 = arith.constant 128 : i32
      %mul3A_108 = arith.muli %add3A_106, %mul3A_107 : i32
      %run_scoped3A_109 = arith.constant 1 : i32
      "tpu.region"() ({
        %run_scoped3A_193 = tpu.sem_alloc : memref<!tpu.dma_semaphore, #tpu.memory_space<semaphore_mem>>
        %dma_start3A_194 = arith.constant 0 : i32
        %dma_start3A_195 = arith.constant 0 : i32
        %dma_start3A_196 = tpu.memref_slice %arg6[%run_scoped3A_109, %dma_start3A_194, %dma_start3A_195] : memref<5x128x64xf32, #tpu.memory_space<vmem>> -> memref<1x128x64xf32, #tpu.memory_space<vmem>>
        %dma_start3A_197 = tpu.memref_squeeze %dma_start3A_196 : memref<1x128x64xf32, #tpu.memory_space<vmem>> -> memref<128x64xf32, #tpu.memory_space<vmem>>
        %dma_start3A_198 = arith.constant 0 : i32
        %dma_start3A_199 = tpu.memref_slice %arg4[%mul3A_108, %dma_start3A_198] : memref<204800x64xf32, #tpu.memory_space<hbm>> -> memref<128x64xf32, #tpu.memory_space<hbm>>
        %dma_start3A_200 = arith.constant 0 : i32
        %dma_start3A_201 = tpu.memref_slice %arg4[%mul3A_108, %dma_start3A_200] : memref<204800x64xf32, #tpu.memory_space<hbm>> -> memref<128x64xf32, #tpu.memory_space<hbm>>
        %dma_start3A_202 = arith.constant 0 : i32
        %dma_start3A_203 = arith.constant 0 : i32
        %dma_start3A_204 = tpu.memref_slice %arg6[%run_scoped3A_109, %dma_start3A_202, %dma_start3A_203] : memref<5x128x64xf32, #tpu.memory_space<vmem>> -> memref<1x128x64xf32, #tpu.memory_space<vmem>>
        %dma_start3A_205 = tpu.memref_squeeze %dma_start3A_204 : memref<1x128x64xf32, #tpu.memory_space<vmem>> -> memref<128x64xf32, #tpu.memory_space<vmem>>
        tpu.enqueue_dma source(%dma_start3A_205 : memref<128x64xf32, #tpu.memory_space<vmem>>) target(%dma_start3A_201 : memref<128x64xf32, #tpu.memory_space<hbm>>) target_semaphore(%run_scoped3A_193 : memref<!tpu.dma_semaphore, #tpu.memory_space<semaphore_mem>>)
        %dma_wait3A_206 = arith.constant 0 : i32
        %dma_wait3A_207 = arith.constant 0 : i32
        %dma_wait3A_208 = tpu.memref_slice %arg6[%run_scoped3A_109, %dma_wait3A_206, %dma_wait3A_207] : memref<5x128x64xf32, #tpu.memory_space<vmem>> -> memref<1x128x64xf32, #tpu.memory_space<vmem>>
        %dma_wait3A_209 = tpu.memref_squeeze %dma_wait3A_208 : memref<1x128x64xf32, #tpu.memory_space<vmem>> -> memref<128x64xf32, #tpu.memory_space<vmem>>
        %dma_wait3A_210 = arith.constant 0 : i32
        %dma_wait3A_211 = tpu.memref_slice %arg4[%mul3A_108, %dma_wait3A_210] : memref<204800x64xf32, #tpu.memory_space<hbm>> -> memref<128x64xf32, #tpu.memory_space<hbm>>
        %dma_wait3A_212 = arith.constant 0 : i32
        %dma_wait3A_213 = tpu.memref_slice %arg4[%mul3A_108, %dma_wait3A_212] : memref<204800x64xf32, #tpu.memory_space<hbm>> -> memref<128x64xf32, #tpu.memory_space<hbm>>
        %dma_wait3A_214 = arith.constant 0 : i32
        %dma_wait3A_215 = arith.constant 0 : i32
        %dma_wait3A_216 = tpu.memref_slice %arg6[%run_scoped3A_109, %dma_wait3A_214, %dma_wait3A_215] : memref<5x128x64xf32, #tpu.memory_space<vmem>> -> memref<1x128x64xf32, #tpu.memory_space<vmem>>
        %dma_wait3A_217 = tpu.memref_squeeze %dma_wait3A_216 : memref<1x128x64xf32, #tpu.memory_space<vmem>> -> memref<128x64xf32, #tpu.memory_space<vmem>>
        tpu.wait_dma2 semaphore(%run_scoped3A_193 : memref<!tpu.dma_semaphore, #tpu.memory_space<semaphore_mem>>) src(%dma_wait3A_217 : memref<128x64xf32, #tpu.memory_space<vmem>>) dst(%dma_wait3A_213 : memref<128x64xf32, #tpu.memory_space<hbm>>)
        tpu.yield
      }) : () -> ()
      %lt3A_110 = arith.constant 9 : i32
      %lt3A_111 = arith.cmpi slt, %scan3A_67, %lt3A_110 : i32
      %convert_element_type3A_112 = arith.extui %lt3A_111 : i1 to i32
      %cond3A_113 = arith.constant 0 : i32
      %cond3A_114 = arith.cmpi ne, %convert_element_type3A_112, %cond3A_113 : i32
      scf.if %cond3A_114 {
        %add3A_193 = arith.constant 5 : i32
        %add3A_194 = arith.addi %add3A_92, %add3A_193 : i32
        %dma_start3A_195 = arith.constant 1 : i32
        %dma_start3A_196 = arith.constant 0 : i32
        %dma_start3A_197 = arith.constant 0 : i32
        %dma_start3A_198 = tpu.memref_slice %arg6[%dma_start3A_195, %dma_start3A_196, %dma_start3A_197] : memref<5x128x64xf32, #tpu.memory_space<vmem>> -> memref<1x128x64xf32, #tpu.memory_space<vmem>>
        %dma_start3A_199 = tpu.memref_squeeze %dma_start3A_198 : memref<1x128x64xf32, #tpu.memory_space<vmem>> -> memref<128x64xf32, #tpu.memory_space<vmem>>
        %dma_start3A_200 = arith.constant 0 : i32
        %dma_start3A_201 = tpu.memref_slice %arg5[%add3A_194, %dma_start3A_200] : memref<50x128xi32, #tpu.memory_space<vmem>> -> memref<1x128xi32, #tpu.memory_space<vmem>>
        %dma_start3A_202 = tpu.memref_squeeze %dma_start3A_201 : memref<1x128xi32, #tpu.memory_space<vmem>> -> memref<128xi32, #tpu.memory_space<vmem>>
        %dma_start3A_203 = arith.constant 0 : i32
        %dma_start3A_204 = arith.constant 0 : i32
        %dma_start3A_205 = tpu.memref_slice %arg3[%dma_start3A_203, %dma_start3A_204] : memref<1000000x64xf32, #tpu.memory_space<hbm>> -> memref<1000000x64xf32, #tpu.memory_space<hbm>>
        tpu.enqueue_indirect_dma source(%dma_start3A_205 : memref<1000000x64xf32, #tpu.memory_space<hbm>>) target(%dma_start3A_199 : memref<128x64xf32, #tpu.memory_space<vmem>>) offsets(%dma_start3A_202 : memref<128xi32, #tpu.memory_space<vmem>>) semaphore(%arg8 : memref<!tpu.dma_semaphore, #tpu.memory_space<semaphore_mem>>)
      } else {
      }
      %mul3A_115 = arith.constant 5 : i32
      %mul3A_116 = arith.muli %scan3A_67, %mul3A_115 : i32
      %add3A_117 = arith.constant 2 : i32
      %add3A_118 = arith.addi %mul3A_116, %add3A_117 : i32
      %dma_wait3A_119 = arith.constant 2 : i32
      %dma_wait3A_120 = arith.constant 0 : i32
      %dma_wait3A_121 = arith.constant 0 : i32
      %dma_wait3A_122 = tpu.memref_slice %arg6[%dma_wait3A_119, %dma_wait3A_120, %dma_wait3A_121] : memref<5x128x64xf32, #tpu.memory_space<vmem>> -> memref<1x128x64xf32, #tpu.memory_space<vmem>>
      %dma_wait3A_123 = tpu.memref_squeeze %dma_wait3A_122 : memref<1x128x64xf32, #tpu.memory_space<vmem>> -> memref<128x64xf32, #tpu.memory_space<vmem>>
      %dma_wait3A_124 = arith.constant 0 : i32
      %dma_wait3A_125 = tpu.memref_slice %arg5[%add3A_118, %dma_wait3A_124] : memref<50x128xi32, #tpu.memory_space<vmem>> -> memref<1x128xi32, #tpu.memory_space<vmem>>
      %dma_wait3A_126 = tpu.memref_squeeze %dma_wait3A_125 : memref<1x128xi32, #tpu.memory_space<vmem>> -> memref<128xi32, #tpu.memory_space<vmem>>
      %dma_wait3A_127 = arith.constant 0 : i32
      %dma_wait3A_128 = arith.constant 0 : i32
      %dma_wait3A_129 = tpu.memref_slice %arg3[%dma_wait3A_127, %dma_wait3A_128] : memref<1000000x64xf32, #tpu.memory_space<hbm>> -> memref<1000000x64xf32, #tpu.memory_space<hbm>>
      tpu.wait_indirect_dma semaphore(%arg9 : memref<!tpu.dma_semaphore, #tpu.memory_space<semaphore_mem>>) src(%dma_wait3A_129 : memref<1000000x64xf32, #tpu.memory_space<hbm>>) dst(%dma_wait3A_123 : memref<128x64xf32, #tpu.memory_space<vmem>>)
      %mul3A_130 = arith.constant 50 : i32
      %mul3A_131 = arith.muli %add3A, %mul3A_130 : i32
      %add3A_132 = arith.addi %mul3A_131, %add3A_118 : i32
      %mul3A_133 = arith.constant 128 : i32
      %mul3A_134 = arith.muli %add3A_132, %mul3A_133 : i32
      %run_scoped3A_135 = arith.constant 2 : i32
      "tpu.region"() ({
        %run_scoped3A_193 = tpu.sem_alloc : memref<!tpu.dma_semaphore, #tpu.memory_space<semaphore_mem>>
        %dma_start3A_194 = arith.constant 0 : i32
        %dma_start3A_195 = arith.constant 0 : i32
        %dma_start3A_196 = tpu.memref_slice %arg6[%run_scoped3A_135, %dma_start3A_194, %dma_start3A_195] : memref<5x128x64xf32, #tpu.memory_space<vmem>> -> memref<1x128x64xf32, #tpu.memory_space<vmem>>
        %dma_start3A_197 = tpu.memref_squeeze %dma_start3A_196 : memref<1x128x64xf32, #tpu.memory_space<vmem>> -> memref<128x64xf32, #tpu.memory_space<vmem>>
        %dma_start3A_198 = arith.constant 0 : i32
        %dma_start3A_199 = tpu.memref_slice %arg4[%mul3A_134, %dma_start3A_198] : memref<204800x64xf32, #tpu.memory_space<hbm>> -> memref<128x64xf32, #tpu.memory_space<hbm>>
        %dma_start3A_200 = arith.constant 0 : i32
        %dma_start3A_201 = tpu.memref_slice %arg4[%mul3A_134, %dma_start3A_200] : memref<204800x64xf32, #tpu.memory_space<hbm>> -> memref<128x64xf32, #tpu.memory_space<hbm>>
        %dma_start3A_202 = arith.constant 0 : i32
        %dma_start3A_203 = arith.constant 0 : i32
        %dma_start3A_204 = tpu.memref_slice %arg6[%run_scoped3A_135, %dma_start3A_202, %dma_start3A_203] : memref<5x128x64xf32, #tpu.memory_space<vmem>> -> memref<1x128x64xf32, #tpu.memory_space<vmem>>
        %dma_start3A_205 = tpu.memref_squeeze %dma_start3A_204 : memref<1x128x64xf32, #tpu.memory_space<vmem>> -> memref<128x64xf32, #tpu.memory_space<vmem>>
        tpu.enqueue_dma source(%dma_start3A_205 : memref<128x64xf32, #tpu.memory_space<vmem>>) target(%dma_start3A_201 : memref<128x64xf32, #tpu.memory_space<hbm>>) target_semaphore(%run_scoped3A_193 : memref<!tpu.dma_semaphore, #tpu.memory_space<semaphore_mem>>)
        %dma_wait3A_206 = arith.constant 0 : i32
        %dma_wait3A_207 = arith.constant 0 : i32
        %dma_wait3A_208 = tpu.memref_slice %arg6[%run_scoped3A_135, %dma_wait3A_206, %dma_wait3A_207] : memref<5x128x64xf32, #tpu.memory_space<vmem>> -> memref<1x128x64xf32, #tpu.memory_space<vmem>>
        %dma_wait3A_209 = tpu.memref_squeeze %dma_wait3A_208 : memref<1x128x64xf32, #tpu.memory_space<vmem>> -> memref<128x64xf32, #tpu.memory_space<vmem>>
        %dma_wait3A_210 = arith.constant 0 : i32
        %dma_wait3A_211 = tpu.memref_slice %arg4[%mul3A_134, %dma_wait3A_210] : memref<204800x64xf32, #tpu.memory_space<hbm>> -> memref<128x64xf32, #tpu.memory_space<hbm>>
        %dma_wait3A_212 = arith.constant 0 : i32
        %dma_wait3A_213 = tpu.memref_slice %arg4[%mul3A_134, %dma_wait3A_212] : memref<204800x64xf32, #tpu.memory_space<hbm>> -> memref<128x64xf32, #tpu.memory_space<hbm>>
        %dma_wait3A_214 = arith.constant 0 : i32
        %dma_wait3A_215 = arith.constant 0 : i32
        %dma_wait3A_216 = tpu.memref_slice %arg6[%run_scoped3A_135, %dma_wait3A_214, %dma_wait3A_215] : memref<5x128x64xf32, #tpu.memory_space<vmem>> -> memref<1x128x64xf32, #tpu.memory_space<vmem>>
        %dma_wait3A_217 = tpu.memref_squeeze %dma_wait3A_216 : memref<1x128x64xf32, #tpu.memory_space<vmem>> -> memref<128x64xf32, #tpu.memory_space<vmem>>
        tpu.wait_dma2 semaphore(%run_scoped3A_193 : memref<!tpu.dma_semaphore, #tpu.memory_space<semaphore_mem>>) src(%dma_wait3A_217 : memref<128x64xf32, #tpu.memory_space<vmem>>) dst(%dma_wait3A_213 : memref<128x64xf32, #tpu.memory_space<hbm>>)
        tpu.yield
      }) : () -> ()
      %lt3A_136 = arith.constant 9 : i32
      %lt3A_137 = arith.cmpi slt, %scan3A_67, %lt3A_136 : i32
      %convert_element_type3A_138 = arith.extui %lt3A_137 : i1 to i32
      %cond3A_139 = arith.constant 0 : i32
      %cond3A_140 = arith.cmpi ne, %convert_element_type3A_138, %cond3A_139 : i32
      scf.if %cond3A_140 {
        %add3A_193 = arith.constant 5 : i32
        %add3A_194 = arith.addi %add3A_118, %add3A_193 : i32
        %dma_start3A_195 = arith.constant 2 : i32
        %dma_start3A_196 = arith.constant 0 : i32
        %dma_start3A_197 = arith.constant 0 : i32
        %dma_start3A_198 = tpu.memref_slice %arg6[%dma_start3A_195, %dma_start3A_196, %dma_start3A_197] : memref<5x128x64xf32, #tpu.memory_space<vmem>> -> memref<1x128x64xf32, #tpu.memory_space<vmem>>
        %dma_start3A_199 = tpu.memref_squeeze %dma_start3A_198 : memref<1x128x64xf32, #tpu.memory_space<vmem>> -> memref<128x64xf32, #tpu.memory_space<vmem>>
        %dma_start3A_200 = arith.constant 0 : i32
        %dma_start3A_201 = tpu.memref_slice %arg5[%add3A_194, %dma_start3A_200] : memref<50x128xi32, #tpu.memory_space<vmem>> -> memref<1x128xi32, #tpu.memory_space<vmem>>
        %dma_start3A_202 = tpu.memref_squeeze %dma_start3A_201 : memref<1x128xi32, #tpu.memory_space<vmem>> -> memref<128xi32, #tpu.memory_space<vmem>>
        %dma_start3A_203 = arith.constant 0 : i32
        %dma_start3A_204 = arith.constant 0 : i32
        %dma_start3A_205 = tpu.memref_slice %arg3[%dma_start3A_203, %dma_start3A_204] : memref<1000000x64xf32, #tpu.memory_space<hbm>> -> memref<1000000x64xf32, #tpu.memory_space<hbm>>
        tpu.enqueue_indirect_dma source(%dma_start3A_205 : memref<1000000x64xf32, #tpu.memory_space<hbm>>) target(%dma_start3A_199 : memref<128x64xf32, #tpu.memory_space<vmem>>) offsets(%dma_start3A_202 : memref<128xi32, #tpu.memory_space<vmem>>) semaphore(%arg9 : memref<!tpu.dma_semaphore, #tpu.memory_space<semaphore_mem>>)
      } else {
      }
      %mul3A_141 = arith.constant 5 : i32
      %mul3A_142 = arith.muli %scan3A_67, %mul3A_141 : i32
      %add3A_143 = arith.constant 3 : i32
      %add3A_144 = arith.addi %mul3A_142, %add3A_143 : i32
      %dma_wait3A_145 = arith.constant 3 : i32
      %dma_wait3A_146 = arith.constant 0 : i32
      %dma_wait3A_147 = arith.constant 0 : i32
      %dma_wait3A_148 = tpu.memref_slice %arg6[%dma_wait3A_145, %dma_wait3A_146, %dma_wait3A_147] : memref<5x128x64xf32, #tpu.memory_space<vmem>> -> memref<1x128x64xf32, #tpu.memory_space<vmem>>
      %dma_wait3A_149 = tpu.memref_squeeze %dma_wait3A_148 : memref<1x128x64xf32, #tpu.memory_space<vmem>> -> memref<128x64xf32, #tpu.memory_space<vmem>>
      %dma_wait3A_150 = arith.constant 0 : i32
      %dma_wait3A_151 = tpu.memref_slice %arg5[%add3A_144, %dma_wait3A_150] : memref<50x128xi32, #tpu.memory_space<vmem>> -> memref<1x128xi32, #tpu.memory_space<vmem>>
      %dma_wait3A_152 = tpu.memref_squeeze %dma_wait3A_151 : memref<1x128xi32, #tpu.memory_space<vmem>> -> memref<128xi32, #tpu.memory_space<vmem>>
      %dma_wait3A_153 = arith.constant 0 : i32
      %dma_wait3A_154 = arith.constant 0 : i32
      %dma_wait3A_155 = tpu.memref_slice %arg3[%dma_wait3A_153, %dma_wait3A_154] : memref<1000000x64xf32, #tpu.memory_space<hbm>> -> memref<1000000x64xf32, #tpu.memory_space<hbm>>
      tpu.wait_indirect_dma semaphore(%arg10 : memref<!tpu.dma_semaphore, #tpu.memory_space<semaphore_mem>>) src(%dma_wait3A_155 : memref<1000000x64xf32, #tpu.memory_space<hbm>>) dst(%dma_wait3A_149 : memref<128x64xf32, #tpu.memory_space<vmem>>)
      %mul3A_156 = arith.constant 50 : i32
      %mul3A_157 = arith.muli %add3A, %mul3A_156 : i32
      %add3A_158 = arith.addi %mul3A_157, %add3A_144 : i32
      %mul3A_159 = arith.constant 128 : i32
      %mul3A_160 = arith.muli %add3A_158, %mul3A_159 : i32
      %run_scoped3A_161 = arith.constant 3 : i32
      "tpu.region"() ({
        %run_scoped3A_193 = tpu.sem_alloc : memref<!tpu.dma_semaphore, #tpu.memory_space<semaphore_mem>>
        %dma_start3A_194 = arith.constant 0 : i32
        %dma_start3A_195 = arith.constant 0 : i32
        %dma_start3A_196 = tpu.memref_slice %arg6[%run_scoped3A_161, %dma_start3A_194, %dma_start3A_195] : memref<5x128x64xf32, #tpu.memory_space<vmem>> -> memref<1x128x64xf32, #tpu.memory_space<vmem>>
        %dma_start3A_197 = tpu.memref_squeeze %dma_start3A_196 : memref<1x128x64xf32, #tpu.memory_space<vmem>> -> memref<128x64xf32, #tpu.memory_space<vmem>>
        %dma_start3A_198 = arith.constant 0 : i32
        %dma_start3A_199 = tpu.memref_slice %arg4[%mul3A_160, %dma_start3A_198] : memref<204800x64xf32, #tpu.memory_space<hbm>> -> memref<128x64xf32, #tpu.memory_space<hbm>>
        %dma_start3A_200 = arith.constant 0 : i32
        %dma_start3A_201 = tpu.memref_slice %arg4[%mul3A_160, %dma_start3A_200] : memref<204800x64xf32, #tpu.memory_space<hbm>> -> memref<128x64xf32, #tpu.memory_space<hbm>>
        %dma_start3A_202 = arith.constant 0 : i32
        %dma_start3A_203 = arith.constant 0 : i32
        %dma_start3A_204 = tpu.memref_slice %arg6[%run_scoped3A_161, %dma_start3A_202, %dma_start3A_203] : memref<5x128x64xf32, #tpu.memory_space<vmem>> -> memref<1x128x64xf32, #tpu.memory_space<vmem>>
        %dma_start3A_205 = tpu.memref_squeeze %dma_start3A_204 : memref<1x128x64xf32, #tpu.memory_space<vmem>> -> memref<128x64xf32, #tpu.memory_space<vmem>>
        tpu.enqueue_dma source(%dma_start3A_205 : memref<128x64xf32, #tpu.memory_space<vmem>>) target(%dma_start3A_201 : memref<128x64xf32, #tpu.memory_space<hbm>>) target_semaphore(%run_scoped3A_193 : memref<!tpu.dma_semaphore, #tpu.memory_space<semaphore_mem>>)
        %dma_wait3A_206 = arith.constant 0 : i32
        %dma_wait3A_207 = arith.constant 0 : i32
        %dma_wait3A_208 = tpu.memref_slice %arg6[%run_scoped3A_161, %dma_wait3A_206, %dma_wait3A_207] : memref<5x128x64xf32, #tpu.memory_space<vmem>> -> memref<1x128x64xf32, #tpu.memory_space<vmem>>
        %dma_wait3A_209 = tpu.memref_squeeze %dma_wait3A_208 : memref<1x128x64xf32, #tpu.memory_space<vmem>> -> memref<128x64xf32, #tpu.memory_space<vmem>>
        %dma_wait3A_210 = arith.constant 0 : i32
        %dma_wait3A_211 = tpu.memref_slice %arg4[%mul3A_160, %dma_wait3A_210] : memref<204800x64xf32, #tpu.memory_space<hbm>> -> memref<128x64xf32, #tpu.memory_space<hbm>>
        %dma_wait3A_212 = arith.constant 0 : i32
        %dma_wait3A_213 = tpu.memref_slice %arg4[%mul3A_160, %dma_wait3A_212] : memref<204800x64xf32, #tpu.memory_space<hbm>> -> memref<128x64xf32, #tpu.memory_space<hbm>>
        %dma_wait3A_214 = arith.constant 0 : i32
        %dma_wait3A_215 = arith.constant 0 : i32
        %dma_wait3A_216 = tpu.memref_slice %arg6[%run_scoped3A_161, %dma_wait3A_214, %dma_wait3A_215] : memref<5x128x64xf32, #tpu.memory_space<vmem>> -> memref<1x128x64xf32, #tpu.memory_space<vmem>>
        %dma_wait3A_217 = tpu.memref_squeeze %dma_wait3A_216 : memref<1x128x64xf32, #tpu.memory_space<vmem>> -> memref<128x64xf32, #tpu.memory_space<vmem>>
        tpu.wait_dma2 semaphore(%run_scoped3A_193 : memref<!tpu.dma_semaphore, #tpu.memory_space<semaphore_mem>>) src(%dma_wait3A_217 : memref<128x64xf32, #tpu.memory_space<vmem>>) dst(%dma_wait3A_213 : memref<128x64xf32, #tpu.memory_space<hbm>>)
        tpu.yield
      }) : () -> ()
      %lt3A_162 = arith.constant 9 : i32
      %lt3A_163 = arith.cmpi slt, %scan3A_67, %lt3A_162 : i32
      %convert_element_type3A_164 = arith.extui %lt3A_163 : i1 to i32
      %cond3A_165 = arith.constant 0 : i32
      %cond3A_166 = arith.cmpi ne, %convert_element_type3A_164, %cond3A_165 : i32
      scf.if %cond3A_166 {
        %add3A_193 = arith.constant 5 : i32
        %add3A_194 = arith.addi %add3A_144, %add3A_193 : i32
        %dma_start3A_195 = arith.constant 3 : i32
        %dma_start3A_196 = arith.constant 0 : i32
        %dma_start3A_197 = arith.constant 0 : i32
        %dma_start3A_198 = tpu.memref_slice %arg6[%dma_start3A_195, %dma_start3A_196, %dma_start3A_197] : memref<5x128x64xf32, #tpu.memory_space<vmem>> -> memref<1x128x64xf32, #tpu.memory_space<vmem>>
        %dma_start3A_199 = tpu.memref_squeeze %dma_start3A_198 : memref<1x128x64xf32, #tpu.memory_space<vmem>> -> memref<128x64xf32, #tpu.memory_space<vmem>>
        %dma_start3A_200 = arith.constant 0 : i32
        %dma_start3A_201 = tpu.memref_slice %arg5[%add3A_194, %dma_start3A_200] : memref<50x128xi32, #tpu.memory_space<vmem>> -> memref<1x128xi32, #tpu.memory_space<vmem>>
        %dma_start3A_202 = tpu.memref_squeeze %dma_start3A_201 : memref<1x128xi32, #tpu.memory_space<vmem>> -> memref<128xi32, #tpu.memory_space<vmem>>
        %dma_start3A_203 = arith.constant 0 : i32
        %dma_start3A_204 = arith.constant 0 : i32
        %dma_start3A_205 = tpu.memref_slice %arg3[%dma_start3A_203, %dma_start3A_204] : memref<1000000x64xf32, #tpu.memory_space<hbm>> -> memref<1000000x64xf32, #tpu.memory_space<hbm>>
        tpu.enqueue_indirect_dma source(%dma_start3A_205 : memref<1000000x64xf32, #tpu.memory_space<hbm>>) target(%dma_start3A_199 : memref<128x64xf32, #tpu.memory_space<vmem>>) offsets(%dma_start3A_202 : memref<128xi32, #tpu.memory_space<vmem>>) semaphore(%arg10 : memref<!tpu.dma_semaphore, #tpu.memory_space<semaphore_mem>>)
      } else {
      }
      %mul3A_167 = arith.constant 5 : i32
      %mul3A_168 = arith.muli %scan3A_67, %mul3A_167 : i32
      %add3A_169 = arith.constant 4 : i32
      %add3A_170 = arith.addi %mul3A_168, %add3A_169 : i32
      %dma_wait3A_171 = arith.constant 4 : i32
      %dma_wait3A_172 = arith.constant 0 : i32
      %dma_wait3A_173 = arith.constant 0 : i32
      %dma_wait3A_174 = tpu.memref_slice %arg6[%dma_wait3A_171, %dma_wait3A_172, %dma_wait3A_173] : memref<5x128x64xf32, #tpu.memory_space<vmem>> -> memref<1x128x64xf32, #tpu.memory_space<vmem>>
      %dma_wait3A_175 = tpu.memref_squeeze %dma_wait3A_174 : memref<1x128x64xf32, #tpu.memory_space<vmem>> -> memref<128x64xf32, #tpu.memory_space<vmem>>
      %dma_wait3A_176 = arith.constant 0 : i32
      %dma_wait3A_177 = tpu.memref_slice %arg5[%add3A_170, %dma_wait3A_176] : memref<50x128xi32, #tpu.memory_space<vmem>> -> memref<1x128xi32, #tpu.memory_space<vmem>>
      %dma_wait3A_178 = tpu.memref_squeeze %dma_wait3A_177 : memref<1x128xi32, #tpu.memory_space<vmem>> -> memref<128xi32, #tpu.memory_space<vmem>>
      %dma_wait3A_179 = arith.constant 0 : i32
      %dma_wait3A_180 = arith.constant 0 : i32
      %dma_wait3A_181 = tpu.memref_slice %arg3[%dma_wait3A_179, %dma_wait3A_180] : memref<1000000x64xf32, #tpu.memory_space<hbm>> -> memref<1000000x64xf32, #tpu.memory_space<hbm>>
      tpu.wait_indirect_dma semaphore(%arg11 : memref<!tpu.dma_semaphore, #tpu.memory_space<semaphore_mem>>) src(%dma_wait3A_181 : memref<1000000x64xf32, #tpu.memory_space<hbm>>) dst(%dma_wait3A_175 : memref<128x64xf32, #tpu.memory_space<vmem>>)
      %mul3A_182 = arith.constant 50 : i32
      %mul3A_183 = arith.muli %add3A, %mul3A_182 : i32
      %add3A_184 = arith.addi %mul3A_183, %add3A_170 : i32
      %mul3A_185 = arith.constant 128 : i32
      %mul3A_186 = arith.muli %add3A_184, %mul3A_185 : i32
      %run_scoped3A_187 = arith.constant 4 : i32
      "tpu.region"() ({
        %run_scoped3A_193 = tpu.sem_alloc : memref<!tpu.dma_semaphore, #tpu.memory_space<semaphore_mem>>
        %dma_start3A_194 = arith.constant 0 : i32
        %dma_start3A_195 = arith.constant 0 : i32
        %dma_start3A_196 = tpu.memref_slice %arg6[%run_scoped3A_187, %dma_start3A_194, %dma_start3A_195] : memref<5x128x64xf32, #tpu.memory_space<vmem>> -> memref<1x128x64xf32, #tpu.memory_space<vmem>>
        %dma_start3A_197 = tpu.memref_squeeze %dma_start3A_196 : memref<1x128x64xf32, #tpu.memory_space<vmem>> -> memref<128x64xf32, #tpu.memory_space<vmem>>
        %dma_start3A_198 = arith.constant 0 : i32
        %dma_start3A_199 = tpu.memref_slice %arg4[%mul3A_186, %dma_start3A_198] : memref<204800x64xf32, #tpu.memory_space<hbm>> -> memref<128x64xf32, #tpu.memory_space<hbm>>
        %dma_start3A_200 = arith.constant 0 : i32
        %dma_start3A_201 = tpu.memref_slice %arg4[%mul3A_186, %dma_start3A_200] : memref<204800x64xf32, #tpu.memory_space<hbm>> -> memref<128x64xf32, #tpu.memory_space<hbm>>
        %dma_start3A_202 = arith.constant 0 : i32
        %dma_start3A_203 = arith.constant 0 : i32
        %dma_start3A_204 = tpu.memref_slice %arg6[%run_scoped3A_187, %dma_start3A_202, %dma_start3A_203] : memref<5x128x64xf32, #tpu.memory_space<vmem>> -> memref<1x128x64xf32, #tpu.memory_space<vmem>>
        %dma_start3A_205 = tpu.memref_squeeze %dma_start3A_204 : memref<1x128x64xf32, #tpu.memory_space<vmem>> -> memref<128x64xf32, #tpu.memory_space<vmem>>
        tpu.enqueue_dma source(%dma_start3A_205 : memref<128x64xf32, #tpu.memory_space<vmem>>) target(%dma_start3A_201 : memref<128x64xf32, #tpu.memory_space<hbm>>) target_semaphore(%run_scoped3A_193 : memref<!tpu.dma_semaphore, #tpu.memory_space<semaphore_mem>>)
        %dma_wait3A_206 = arith.constant 0 : i32
        %dma_wait3A_207 = arith.constant 0 : i32
        %dma_wait3A_208 = tpu.memref_slice %arg6[%run_scoped3A_187, %dma_wait3A_206, %dma_wait3A_207] : memref<5x128x64xf32, #tpu.memory_space<vmem>> -> memref<1x128x64xf32, #tpu.memory_space<vmem>>
        %dma_wait3A_209 = tpu.memref_squeeze %dma_wait3A_208 : memref<1x128x64xf32, #tpu.memory_space<vmem>> -> memref<128x64xf32, #tpu.memory_space<vmem>>
        %dma_wait3A_210 = arith.constant 0 : i32
        %dma_wait3A_211 = tpu.memref_slice %arg4[%mul3A_186, %dma_wait3A_210] : memref<204800x64xf32, #tpu.memory_space<hbm>> -> memref<128x64xf32, #tpu.memory_space<hbm>>
        %dma_wait3A_212 = arith.constant 0 : i32
        %dma_wait3A_213 = tpu.memref_slice %arg4[%mul3A_186, %dma_wait3A_212] : memref<204800x64xf32, #tpu.memory_space<hbm>> -> memref<128x64xf32, #tpu.memory_space<hbm>>
        %dma_wait3A_214 = arith.constant 0 : i32
        %dma_wait3A_215 = arith.constant 0 : i32
        %dma_wait3A_216 = tpu.memref_slice %arg6[%run_scoped3A_187, %dma_wait3A_214, %dma_wait3A_215] : memref<5x128x64xf32, #tpu.memory_space<vmem>> -> memref<1x128x64xf32, #tpu.memory_space<vmem>>
        %dma_wait3A_217 = tpu.memref_squeeze %dma_wait3A_216 : memref<1x128x64xf32, #tpu.memory_space<vmem>> -> memref<128x64xf32, #tpu.memory_space<vmem>>
        tpu.wait_dma2 semaphore(%run_scoped3A_193 : memref<!tpu.dma_semaphore, #tpu.memory_space<semaphore_mem>>) src(%dma_wait3A_217 : memref<128x64xf32, #tpu.memory_space<vmem>>) dst(%dma_wait3A_213 : memref<128x64xf32, #tpu.memory_space<hbm>>)
        tpu.yield
      }) : () -> ()
      %lt3A_188 = arith.constant 9 : i32
      %lt3A_189 = arith.cmpi slt, %scan3A_67, %lt3A_188 : i32
      %convert_element_type3A_190 = arith.extui %lt3A_189 : i1 to i32
      %cond3A_191 = arith.constant 0 : i32
      %cond3A_192 = arith.cmpi ne, %convert_element_type3A_190, %cond3A_191 : i32
      scf.if %cond3A_192 {
        %add3A_193 = arith.constant 5 : i32
        %add3A_194 = arith.addi %add3A_170, %add3A_193 : i32
        %dma_start3A_195 = arith.constant 4 : i32
        %dma_start3A_196 = arith.constant 0 : i32
        %dma_start3A_197 = arith.constant 0 : i32
        %dma_start3A_198 = tpu.memref_slice %arg6[%dma_start3A_195, %dma_start3A_196, %dma_start3A_197] : memref<5x128x64xf32, #tpu.memory_space<vmem>> -> memref<1x128x64xf32, #tpu.memory_space<vmem>>
        %dma_start3A_199 = tpu.memref_squeeze %dma_start3A_198 : memref<1x128x64xf32, #tpu.memory_space<vmem>> -> memref<128x64xf32, #tpu.memory_space<vmem>>
        %dma_start3A_200 = arith.constant 0 : i32
        %dma_start3A_201 = tpu.memref_slice %arg5[%add3A_194, %dma_start3A_200] : memref<50x128xi32, #tpu.memory_space<vmem>> -> memref<1x128xi32, #tpu.memory_space<vmem>>
        %dma_start3A_202 = tpu.memref_squeeze %dma_start3A_201 : memref<1x128xi32, #tpu.memory_space<vmem>> -> memref<128xi32, #tpu.memory_space<vmem>>
        %dma_start3A_203 = arith.constant 0 : i32
        %dma_start3A_204 = arith.constant 0 : i32
        %dma_start3A_205 = tpu.memref_slice %arg3[%dma_start3A_203, %dma_start3A_204] : memref<1000000x64xf32, #tpu.memory_space<hbm>> -> memref<1000000x64xf32, #tpu.memory_space<hbm>>
        tpu.enqueue_indirect_dma source(%dma_start3A_205 : memref<1000000x64xf32, #tpu.memory_space<hbm>>) target(%dma_start3A_199 : memref<128x64xf32, #tpu.memory_space<vmem>>) offsets(%dma_start3A_202 : memref<128xi32, #tpu.memory_space<vmem>>) semaphore(%arg11 : memref<!tpu.dma_semaphore, #tpu.memory_space<semaphore_mem>>)
      } else {
      }
    }
    %scan3A_66 = arith.constant 10 : i32
    return
  }
}

#map = affine_map<(d0, d1) -> (0, 0)>
module attributes {stable_mosaic.version = 14 : i64} {
  func.func @k(%arg0: i32, %arg1: i32, %arg2: memref<1600x128xi32, #tpu.memory_space<hbm>>, %arg3: memref<1000000x64xf32, #tpu.memory_space<hbm>>, %arg4: memref<204800x64xf32, #tpu.memory_space<hbm>>, %arg5: memref<50x128xi32, #tpu.memory_space<vmem>>, %arg6: memref<5x128x64xf32, #tpu.memory_space<vmem>>, %arg7: memref<!tpu.dma_semaphore, #tpu.memory_space<semaphore_mem>>, %arg8: memref<!tpu.dma_semaphore, #tpu.memory_space<semaphore_mem>>, %arg9: memref<!tpu.dma_semaphore, #tpu.memory_space<semaphore_mem>>, %arg10: memref<!tpu.dma_semaphore, #tpu.memory_space<semaphore_mem>>, %arg11: memref<!tpu.dma_semaphore, #tpu.memory_space<semaphore_mem>>) attributes {dimension_semantics = [#tpu.dimension_semantics<core_parallel>, #tpu.dimension_semantics<subcore_parallel>], iteration_bounds = array<i64: 2, 16>, scalar_prefetch = 0 : i64, scratch_operands = 7 : i64, tpu.core_type = #tpu.core_type<sc_vector_subcore>, window_params = [{transform_indices = #map}, {transform_indices = #map}, {transform_indices = #map}]} {
    %mul3A = arith.constant 2 : i32
    %mul3A_0 = arith.muli %arg1, %mul3A : i32
    %add3A = arith.addi %mul3A_0, %arg0 : i32
    %mul3A_1 = arith.constant 50 : i32
    %mul3A_2 = arith.muli %add3A, %mul3A_1 : i32
    "tpu.region"() ({
      %run_scoped3A = tpu.sem_alloc : memref<!tpu.dma_semaphore, #tpu.memory_space<semaphore_mem>>
      %dma_start3A_67 = arith.constant 0 : i32
      %dma_start3A_68 = tpu.memref_slice %arg2[%mul3A_2, %dma_start3A_67] : memref<1600x128xi32, #tpu.memory_space<hbm>> -> memref<50x128xi32, #tpu.memory_space<hbm>>
      %dma_start3A_69 = arith.constant 0 : i32
      %dma_start3A_70 = tpu.memref_slice %arg2[%mul3A_2, %dma_start3A_69] : memref<1600x128xi32, #tpu.memory_space<hbm>> -> memref<50x128xi32, #tpu.memory_space<hbm>>
      tpu.enqueue_dma source(%dma_start3A_70 : memref<50x128xi32, #tpu.memory_space<hbm>>) target(%arg5 : memref<50x128xi32, #tpu.memory_space<vmem>>) target_semaphore(%run_scoped3A : memref<!tpu.dma_semaphore, #tpu.memory_space<semaphore_mem>>)
      %dma_wait3A = arith.constant 0 : i32
      %dma_wait3A_71 = tpu.memref_slice %arg2[%mul3A_2, %dma_wait3A] : memref<1600x128xi32, #tpu.memory_space<hbm>> -> memref<50x128xi32, #tpu.memory_space<hbm>>
      %dma_wait3A_72 = arith.constant 0 : i32
      %dma_wait3A_73 = tpu.memref_slice %arg2[%mul3A_2, %dma_wait3A_72] : memref<1600x128xi32, #tpu.memory_space<hbm>> -> memref<50x128xi32, #tpu.memory_space<hbm>>
      tpu.wait_dma2 semaphore(%run_scoped3A : memref<!tpu.dma_semaphore, #tpu.memory_space<semaphore_mem>>) src(%dma_wait3A_73 : memref<50x128xi32, #tpu.memory_space<hbm>>) dst(%arg5 : memref<50x128xi32, #tpu.memory_space<vmem>>)
      tpu.yield
    }) : () -> ()
    %dma_start3A = arith.constant 0 : i32
    %dma_start3A_3 = arith.constant 0 : i32
    %dma_start3A_4 = arith.constant 0 : i32
    %dma_start3A_5 = arith.constant 0 : i32
    %dma_start3A_6 = tpu.memref_slice %arg6[%dma_start3A_3, %dma_start3A_4, %dma_start3A_5] : memref<5x128x64xf32, #tpu.memory_space<vmem>> -> memref<1x128x64xf32, #tpu.memory_space<vmem>>
    %dma_start3A_7 = tpu.memref_squeeze %dma_start3A_6 : memref<1x128x64xf32, #tpu.memory_space<vmem>> -> memref<128x64xf32, #tpu.memory_space<vmem>>
    %dma_start3A_8 = arith.constant 0 : i32
    %dma_start3A_9 = tpu.memref_slice %arg5[%dma_start3A, %dma_start3A_8] : memref<50x128xi32, #tpu.memory_space<vmem>> -> memref<1x128xi32, #tpu.memory_space<vmem>>
    %dma_start3A_10 = tpu.memref_squeeze %dma_start3A_9 : memref<1x128xi32, #tpu.memory_space<vmem>> -> memref<128xi32, #tpu.memory_space<vmem>>
    %dma_start3A_11 = arith.constant 0 : i32
    %dma_start3A_12 = arith.constant 0 : i32
    %dma_start3A_13 = tpu.memref_slice %arg3[%dma_start3A_11, %dma_start3A_12] : memref<1000000x64xf32, #tpu.memory_space<hbm>> -> memref<1000000x64xf32, #tpu.memory_space<hbm>>
    tpu.enqueue_indirect_dma source(%dma_start3A_13 : memref<1000000x64xf32, #tpu.memory_space<hbm>>) target(%dma_start3A_7 : memref<128x64xf32, #tpu.memory_space<vmem>>) offsets(%dma_start3A_10 : memref<128xi32, #tpu.memory_space<vmem>>) semaphore(%arg7 : memref<!tpu.dma_semaphore, #tpu.memory_space<semaphore_mem>>)
    %dma_start3A_14 = arith.constant 1 : i32
    %dma_start3A_15 = arith.constant 1 : i32
    %dma_start3A_16 = arith.constant 0 : i32
    %dma_start3A_17 = arith.constant 0 : i32
    %dma_start3A_18 = tpu.memref_slice %arg6[%dma_start3A_15, %dma_start3A_16, %dma_start3A_17] : memref<5x128x64xf32, #tpu.memory_space<vmem>> -> memref<1x128x64xf32, #tpu.memory_space<vmem>>
    %dma_start3A_19 = tpu.memref_squeeze %dma_start3A_18 : memref<1x128x64xf32, #tpu.memory_space<vmem>> -> memref<128x64xf32, #tpu.memory_space<vmem>>
    %dma_start3A_20 = arith.constant 0 : i32
    %dma_start3A_21 = tpu.memref_slice %arg5[%dma_start3A_14, %dma_start3A_20] : memref<50x128xi32, #tpu.memory_space<vmem>> -> memref<1x128xi32, #tpu.memory_space<vmem>>
    %dma_start3A_22 = tpu.memref_squeeze %dma_start3A_21 : memref<1x128xi32, #tpu.memory_space<vmem>> -> memref<128xi32, #tpu.memory_space<vmem>>
    %dma_start3A_23 = arith.constant 0 : i32
    %dma_start3A_24 = arith.constant 0 : i32
    %dma_start3A_25 = tpu.memref_slice %arg3[%dma_start3A_23, %dma_start3A_24] : memref<1000000x64xf32, #tpu.memory_space<hbm>> -> memref<1000000x64xf32, #tpu.memory_space<hbm>>
    tpu.enqueue_indirect_dma source(%dma_start3A_25 : memref<1000000x64xf32, #tpu.memory_space<hbm>>) target(%dma_start3A_19 : memref<128x64xf32, #tpu.memory_space<vmem>>) offsets(%dma_start3A_22 : memref<128xi32, #tpu.memory_space<vmem>>) semaphore(%arg8 : memref<!tpu.dma_semaphore, #tpu.memory_space<semaphore_mem>>)
    %dma_start3A_26 = arith.constant 2 : i32
    %dma_start3A_27 = arith.constant 2 : i32
    %dma_start3A_28 = arith.constant 0 : i32
    %dma_start3A_29 = arith.constant 0 : i32
    %dma_start3A_30 = tpu.memref_slice %arg6[%dma_start3A_27, %dma_start3A_28, %dma_start3A_29] : memref<5x128x64xf32, #tpu.memory_space<vmem>> -> memref<1x128x64xf32, #tpu.memory_space<vmem>>
    %dma_start3A_31 = tpu.memref_squeeze %dma_start3A_30 : memref<1x128x64xf32, #tpu.memory_space<vmem>> -> memref<128x64xf32, #tpu.memory_space<vmem>>
    %dma_start3A_32 = arith.constant 0 : i32
    %dma_start3A_33 = tpu.memref_slice %arg5[%dma_start3A_26, %dma_start3A_32] : memref<50x128xi32, #tpu.memory_space<vmem>> -> memref<1x128xi32, #tpu.memory_space<vmem>>
    %dma_start3A_34 = tpu.memref_squeeze %dma_start3A_33 : memref<1x128xi32, #tpu.memory_space<vmem>> -> memref<128xi32, #tpu.memory_space<vmem>>
    %dma_start3A_35 = arith.constant 0 : i32
    %dma_start3A_36 = arith.constant 0 : i32
    %dma_start3A_37 = tpu.memref_slice %arg3[%dma_start3A_35, %dma_start3A_36] : memref<1000000x64xf32, #tpu.memory_space<hbm>> -> memref<1000000x64xf32, #tpu.memory_space<hbm>>
    tpu.enqueue_indirect_dma source(%dma_start3A_37 : memref<1000000x64xf32, #tpu.memory_space<hbm>>) target(%dma_start3A_31 : memref<128x64xf32, #tpu.memory_space<vmem>>) offsets(%dma_start3A_34 : memref<128xi32, #tpu.memory_space<vmem>>) semaphore(%arg9 : memref<!tpu.dma_semaphore, #tpu.memory_space<semaphore_mem>>)
    %dma_start3A_38 = arith.constant 3 : i32
    %dma_start3A_39 = arith.constant 3 : i32
    %dma_start3A_40 = arith.constant 0 : i32
    %dma_start3A_41 = arith.constant 0 : i32
    %dma_start3A_42 = tpu.memref_slice %arg6[%dma_start3A_39, %dma_start3A_40, %dma_start3A_41] : memref<5x128x64xf32, #tpu.memory_space<vmem>> -> memref<1x128x64xf32, #tpu.memory_space<vmem>>
    %dma_start3A_43 = tpu.memref_squeeze %dma_start3A_42 : memref<1x128x64xf32, #tpu.memory_space<vmem>> -> memref<128x64xf32, #tpu.memory_space<vmem>>
    %dma_start3A_44 = arith.constant 0 : i32
    %dma_start3A_45 = tpu.memref_slice %arg5[%dma_start3A_38, %dma_start3A_44] : memref<50x128xi32, #tpu.memory_space<vmem>> -> memref<1x128xi32, #tpu.memory_space<vmem>>
    %dma_start3A_46 = tpu.memref_squeeze %dma_start3A_45 : memref<1x128xi32, #tpu.memory_space<vmem>> -> memref<128xi32, #tpu.memory_space<vmem>>
    %dma_start3A_47 = arith.constant 0 : i32
    %dma_start3A_48 = arith.constant 0 : i32
    %dma_start3A_49 = tpu.memref_slice %arg3[%dma_start3A_47, %dma_start3A_48] : memref<1000000x64xf32, #tpu.memory_space<hbm>> -> memref<1000000x64xf32, #tpu.memory_space<hbm>>
    tpu.enqueue_indirect_dma source(%dma_start3A_49 : memref<1000000x64xf32, #tpu.memory_space<hbm>>) target(%dma_start3A_43 : memref<128x64xf32, #tpu.memory_space<vmem>>) offsets(%dma_start3A_46 : memref<128xi32, #tpu.memory_space<vmem>>) semaphore(%arg10 : memref<!tpu.dma_semaphore, #tpu.memory_space<semaphore_mem>>)
    %dma_start3A_50 = arith.constant 4 : i32
    %dma_start3A_51 = arith.constant 4 : i32
    %dma_start3A_52 = arith.constant 0 : i32
    %dma_start3A_53 = arith.constant 0 : i32
    %dma_start3A_54 = tpu.memref_slice %arg6[%dma_start3A_51, %dma_start3A_52, %dma_start3A_53] : memref<5x128x64xf32, #tpu.memory_space<vmem>> -> memref<1x128x64xf32, #tpu.memory_space<vmem>>
    %dma_start3A_55 = tpu.memref_squeeze %dma_start3A_54 : memref<1x128x64xf32, #tpu.memory_space<vmem>> -> memref<128x64xf32, #tpu.memory_space<vmem>>
    %dma_start3A_56 = arith.constant 0 : i32
    %dma_start3A_57 = tpu.memref_slice %arg5[%dma_start3A_50, %dma_start3A_56] : memref<50x128xi32, #tpu.memory_space<vmem>> -> memref<1x128xi32, #tpu.memory_space<vmem>>
    %dma_start3A_58 = tpu.memref_squeeze %dma_start3A_57 : memref<1x128xi32, #tpu.memory_space<vmem>> -> memref<128xi32, #tpu.memory_space<vmem>>
    %dma_start3A_59 = arith.constant 0 : i32
    %dma_start3A_60 = arith.constant 0 : i32
    %dma_start3A_61 = tpu.memref_slice %arg3[%dma_start3A_59, %dma_start3A_60] : memref<1000000x64xf32, #tpu.memory_space<hbm>> -> memref<1000000x64xf32, #tpu.memory_space<hbm>>
    tpu.enqueue_indirect_dma source(%dma_start3A_61 : memref<1000000x64xf32, #tpu.memory_space<hbm>>) target(%dma_start3A_55 : memref<128x64xf32, #tpu.memory_space<vmem>>) offsets(%dma_start3A_58 : memref<128xi32, #tpu.memory_space<vmem>>) semaphore(%arg11 : memref<!tpu.dma_semaphore, #tpu.memory_space<semaphore_mem>>)
    %scan3A = arith.constant 0 : i32
    %scan3A_62 = arith.constant 0 : i32
    %scan3A_63 = arith.constant 10 : i32
    %scan3A_64 = arith.addi %scan3A_62, %scan3A_63 : i32
    %scan3A_65 = arith.constant 1 : i32
    scf.for %scan3A_67 = %scan3A_62 to %scan3A_64 step %scan3A_65  : i32 {
      %mul3A_68 = arith.constant 5 : i32
      %mul3A_69 = arith.muli %scan3A_67, %mul3A_68 : i32
      %add3A_70 = arith.constant 0 : i32
      %add3A_71 = arith.addi %mul3A_69, %add3A_70 : i32
      %dma_wait3A = arith.constant 0 : i32
      %dma_wait3A_72 = arith.constant 0 : i32
      %dma_wait3A_73 = arith.constant 0 : i32
      %dma_wait3A_74 = tpu.memref_slice %arg6[%dma_wait3A, %dma_wait3A_72, %dma_wait3A_73] : memref<5x128x64xf32, #tpu.memory_space<vmem>> -> memref<1x128x64xf32, #tpu.memory_space<vmem>>
      %dma_wait3A_75 = tpu.memref_squeeze %dma_wait3A_74 : memref<1x128x64xf32, #tpu.memory_space<vmem>> -> memref<128x64xf32, #tpu.memory_space<vmem>>
      %dma_wait3A_76 = arith.constant 0 : i32
      %dma_wait3A_77 = tpu.memref_slice %arg5[%add3A_71, %dma_wait3A_76] : memref<50x128xi32, #tpu.memory_space<vmem>> -> memref<1x128xi32, #tpu.memory_space<vmem>>
      %dma_wait3A_78 = tpu.memref_squeeze %dma_wait3A_77 : memref<1x128xi32, #tpu.memory_space<vmem>> -> memref<128xi32, #tpu.memory_space<vmem>>
      %dma_wait3A_79 = arith.constant 0 : i32
      %dma_wait3A_80 = arith.constant 0 : i32
      %dma_wait3A_81 = tpu.memref_slice %arg3[%dma_wait3A_79, %dma_wait3A_80] : memref<1000000x64xf32, #tpu.memory_space<hbm>> -> memref<1000000x64xf32, #tpu.memory_space<hbm>>
      tpu.wait_indirect_dma semaphore(%arg7 : memref<!tpu.dma_semaphore, #tpu.memory_space<semaphore_mem>>) src(%dma_wait3A_81 : memref<1000000x64xf32, #tpu.memory_space<hbm>>) dst(%dma_wait3A_75 : memref<128x64xf32, #tpu.memory_space<vmem>>)
      %mul3A_82 = arith.constant 50 : i32
      %mul3A_83 = arith.muli %add3A, %mul3A_82 : i32
      %add3A_84 = arith.addi %mul3A_83, %add3A_71 : i32
      %mul3A_85 = arith.constant 128 : i32
      %mul3A_86 = arith.muli %add3A_84, %mul3A_85 : i32
      %run_scoped3A = arith.constant 0 : i32
      "tpu.region"() ({
        %run_scoped3A_193 = tpu.sem_alloc : memref<!tpu.dma_semaphore, #tpu.memory_space<semaphore_mem>>
        %dma_start3A_194 = arith.constant 0 : i32
        %dma_start3A_195 = arith.constant 0 : i32
        %dma_start3A_196 = tpu.memref_slice %arg6[%run_scoped3A, %dma_start3A_194, %dma_start3A_195] : memref<5x128x64xf32, #tpu.memory_space<vmem>> -> memref<1x128x64xf32, #tpu.memory_space<vmem>>
        %dma_start3A_197 = tpu.memref_squeeze %dma_start3A_196 : memref<1x128x64xf32, #tpu.memory_space<vmem>> -> memref<128x64xf32, #tpu.memory_space<vmem>>
        %dma_start3A_198 = arith.constant 0 : i32
        %dma_start3A_199 = tpu.memref_slice %arg4[%mul3A_86, %dma_start3A_198] : memref<204800x64xf32, #tpu.memory_space<hbm>> -> memref<128x64xf32, #tpu.memory_space<hbm>>
        %dma_start3A_200 = arith.constant 0 : i32
        %dma_start3A_201 = tpu.memref_slice %arg4[%mul3A_86, %dma_start3A_200] : memref<204800x64xf32, #tpu.memory_space<hbm>> -> memref<128x64xf32, #tpu.memory_space<hbm>>
        %dma_start3A_202 = arith.constant 0 : i32
        %dma_start3A_203 = arith.constant 0 : i32
        %dma_start3A_204 = tpu.memref_slice %arg6[%run_scoped3A, %dma_start3A_202, %dma_start3A_203] : memref<5x128x64xf32, #tpu.memory_space<vmem>> -> memref<1x128x64xf32, #tpu.memory_space<vmem>>
        %dma_start3A_205 = tpu.memref_squeeze %dma_start3A_204 : memref<1x128x64xf32, #tpu.memory_space<vmem>> -> memref<128x64xf32, #tpu.memory_space<vmem>>
        tpu.enqueue_dma source(%dma_start3A_205 : memref<128x64xf32, #tpu.memory_space<vmem>>) target(%dma_start3A_201 : memref<128x64xf32, #tpu.memory_space<hbm>>) target_semaphore(%run_scoped3A_193 : memref<!tpu.dma_semaphore, #tpu.memory_space<semaphore_mem>>)
        %dma_wait3A_206 = arith.constant 0 : i32
        %dma_wait3A_207 = arith.constant 0 : i32
        %dma_wait3A_208 = tpu.memref_slice %arg6[%run_scoped3A, %dma_wait3A_206, %dma_wait3A_207] : memref<5x128x64xf32, #tpu.memory_space<vmem>> -> memref<1x128x64xf32, #tpu.memory_space<vmem>>
        %dma_wait3A_209 = tpu.memref_squeeze %dma_wait3A_208 : memref<1x128x64xf32, #tpu.memory_space<vmem>> -> memref<128x64xf32, #tpu.memory_space<vmem>>
        %dma_wait3A_210 = arith.constant 0 : i32
        %dma_wait3A_211 = tpu.memref_slice %arg4[%mul3A_86, %dma_wait3A_210] : memref<204800x64xf32, #tpu.memory_space<hbm>> -> memref<128x64xf32, #tpu.memory_space<hbm>>
        %dma_wait3A_212 = arith.constant 0 : i32
        %dma_wait3A_213 = tpu.memref_slice %arg4[%mul3A_86, %dma_wait3A_212] : memref<204800x64xf32, #tpu.memory_space<hbm>> -> memref<128x64xf32, #tpu.memory_space<hbm>>
        %dma_wait3A_214 = arith.constant 0 : i32
        %dma_wait3A_215 = arith.constant 0 : i32
        %dma_wait3A_216 = tpu.memref_slice %arg6[%run_scoped3A, %dma_wait3A_214, %dma_wait3A_215] : memref<5x128x64xf32, #tpu.memory_space<vmem>> -> memref<1x128x64xf32, #tpu.memory_space<vmem>>
        %dma_wait3A_217 = tpu.memref_squeeze %dma_wait3A_216 : memref<1x128x64xf32, #tpu.memory_space<vmem>> -> memref<128x64xf32, #tpu.memory_space<vmem>>
        tpu.wait_dma2 semaphore(%run_scoped3A_193 : memref<!tpu.dma_semaphore, #tpu.memory_space<semaphore_mem>>) src(%dma_wait3A_217 : memref<128x64xf32, #tpu.memory_space<vmem>>) dst(%dma_wait3A_213 : memref<128x64xf32, #tpu.memory_space<hbm>>)
        tpu.yield
      }) : () -> ()
      %lt3A = arith.constant 9 : i32
      %lt3A_87 = arith.cmpi slt, %scan3A_67, %lt3A : i32
      %convert_element_type3A = arith.extui %lt3A_87 : i1 to i32
      %cond3A = arith.constant 0 : i32
      %cond3A_88 = arith.cmpi ne, %convert_element_type3A, %cond3A : i32
      scf.if %cond3A_88 {
        %add3A_193 = arith.constant 5 : i32
        %add3A_194 = arith.addi %add3A_71, %add3A_193 : i32
        %dma_start3A_195 = arith.constant 0 : i32
        %dma_start3A_196 = arith.constant 0 : i32
        %dma_start3A_197 = arith.constant 0 : i32
        %dma_start3A_198 = tpu.memref_slice %arg6[%dma_start3A_195, %dma_start3A_196, %dma_start3A_197] : memref<5x128x64xf32, #tpu.memory_space<vmem>> -> memref<1x128x64xf32, #tpu.memory_space<vmem>>
        %dma_start3A_199 = tpu.memref_squeeze %dma_start3A_198 : memref<1x128x64xf32, #tpu.memory_space<vmem>> -> memref<128x64xf32, #tpu.memory_space<vmem>>
        %dma_start3A_200 = arith.constant 0 : i32
        %dma_start3A_201 = tpu.memref_slice %arg5[%add3A_194, %dma_start3A_200] : memref<50x128xi32, #tpu.memory_space<vmem>> -> memref<1x128xi32, #tpu.memory_space<vmem>>
        %dma_start3A_202 = tpu.memref_squeeze %dma_start3A_201 : memref<1x128xi32, #tpu.memory_space<vmem>> -> memref<128xi32, #tpu.memory_space<vmem>>
        %dma_start3A_203 = arith.constant 0 : i32
        %dma_start3A_204 = arith.constant 0 : i32
        %dma_start3A_205 = tpu.memref_slice %arg3[%dma_start3A_203, %dma_start3A_204] : memref<1000000x64xf32, #tpu.memory_space<hbm>> -> memref<1000000x64xf32, #tpu.memory_space<hbm>>
        tpu.enqueue_indirect_dma source(%dma_start3A_205 : memref<1000000x64xf32, #tpu.memory_space<hbm>>) target(%dma_start3A_199 : memref<128x64xf32, #tpu.memory_space<vmem>>) offsets(%dma_start3A_202 : memref<128xi32, #tpu.memory_space<vmem>>) semaphore(%arg7 : memref<!tpu.dma_semaphore, #tpu.memory_space<semaphore_mem>>)
      } else {
      }
      %mul3A_89 = arith.constant 5 : i32
      %mul3A_90 = arith.muli %scan3A_67, %mul3A_89 : i32
      %add3A_91 = arith.constant 1 : i32
      %add3A_92 = arith.addi %mul3A_90, %add3A_91 : i32
      %dma_wait3A_93 = arith.constant 1 : i32
      %dma_wait3A_94 = arith.constant 0 : i32
      %dma_wait3A_95 = arith.constant 0 : i32
      %dma_wait3A_96 = tpu.memref_slice %arg6[%dma_wait3A_93, %dma_wait3A_94, %dma_wait3A_95] : memref<5x128x64xf32, #tpu.memory_space<vmem>> -> memref<1x128x64xf32, #tpu.memory_space<vmem>>
      %dma_wait3A_97 = tpu.memref_squeeze %dma_wait3A_96 : memref<1x128x64xf32, #tpu.memory_space<vmem>> -> memref<128x64xf32, #tpu.memory_space<vmem>>
      %dma_wait3A_98 = arith.constant 0 : i32
      %dma_wait3A_99 = tpu.memref_slice %arg5[%add3A_92, %dma_wait3A_98] : memref<50x128xi32, #tpu.memory_space<vmem>> -> memref<1x128xi32, #tpu.memory_space<vmem>>
      %dma_wait3A_100 = tpu.memref_squeeze %dma_wait3A_99 : memref<1x128xi32, #tpu.memory_space<vmem>> -> memref<128xi32, #tpu.memory_space<vmem>>
      %dma_wait3A_101 = arith.constant 0 : i32
      %dma_wait3A_102 = arith.constant 0 : i32
      %dma_wait3A_103 = tpu.memref_slice %arg3[%dma_wait3A_101, %dma_wait3A_102] : memref<1000000x64xf32, #tpu.memory_space<hbm>> -> memref<1000000x64xf32, #tpu.memory_space<hbm>>
      tpu.wait_indirect_dma semaphore(%arg8 : memref<!tpu.dma_semaphore, #tpu.memory_space<semaphore_mem>>) src(%dma_wait3A_103 : memref<1000000x64xf32, #tpu.memory_space<hbm>>) dst(%dma_wait3A_97 : memref<128x64xf32, #tpu.memory_space<vmem>>)
      %mul3A_104 = arith.constant 50 : i32
      %mul3A_105 = arith.muli %add3A, %mul3A_104 : i32
      %add3A_106 = arith.addi %mul3A_105, %add3A_92 : i32
      %mul3A_107 = arith.constant 128 : i32
      %mul3A_108 = arith.muli %add3A_106, %mul3A_107 : i32
      %run_scoped3A_109 = arith.constant 1 : i32
      "tpu.region"() ({
        %run_scoped3A_193 = tpu.sem_alloc : memref<!tpu.dma_semaphore, #tpu.memory_space<semaphore_mem>>
        %dma_start3A_194 = arith.constant 0 : i32
        %dma_start3A_195 = arith.constant 0 : i32
        %dma_start3A_196 = tpu.memref_slice %arg6[%run_scoped3A_109, %dma_start3A_194, %dma_start3A_195] : memref<5x128x64xf32, #tpu.memory_space<vmem>> -> memref<1x128x64xf32, #tpu.memory_space<vmem>>
        %dma_start3A_197 = tpu.memref_squeeze %dma_start3A_196 : memref<1x128x64xf32, #tpu.memory_space<vmem>> -> memref<128x64xf32, #tpu.memory_space<vmem>>
        %dma_start3A_198 = arith.constant 0 : i32
        %dma_start3A_199 = tpu.memref_slice %arg4[%mul3A_108, %dma_start3A_198] : memref<204800x64xf32, #tpu.memory_space<hbm>> -> memref<128x64xf32, #tpu.memory_space<hbm>>
        %dma_start3A_200 = arith.constant 0 : i32
        %dma_start3A_201 = tpu.memref_slice %arg4[%mul3A_108, %dma_start3A_200] : memref<204800x64xf32, #tpu.memory_space<hbm>> -> memref<128x64xf32, #tpu.memory_space<hbm>>
        %dma_start3A_202 = arith.constant 0 : i32
        %dma_start3A_203 = arith.constant 0 : i32
        %dma_start3A_204 = tpu.memref_slice %arg6[%run_scoped3A_109, %dma_start3A_202, %dma_start3A_203] : memref<5x128x64xf32, #tpu.memory_space<vmem>> -> memref<1x128x64xf32, #tpu.memory_space<vmem>>
        %dma_start3A_205 = tpu.memref_squeeze %dma_start3A_204 : memref<1x128x64xf32, #tpu.memory_space<vmem>> -> memref<128x64xf32, #tpu.memory_space<vmem>>
        tpu.enqueue_dma source(%dma_start3A_205 : memref<128x64xf32, #tpu.memory_space<vmem>>) target(%dma_start3A_201 : memref<128x64xf32, #tpu.memory_space<hbm>>) target_semaphore(%run_scoped3A_193 : memref<!tpu.dma_semaphore, #tpu.memory_space<semaphore_mem>>)
        %dma_wait3A_206 = arith.constant 0 : i32
        %dma_wait3A_207 = arith.constant 0 : i32
        %dma_wait3A_208 = tpu.memref_slice %arg6[%run_scoped3A_109, %dma_wait3A_206, %dma_wait3A_207] : memref<5x128x64xf32, #tpu.memory_space<vmem>> -> memref<1x128x64xf32, #tpu.memory_space<vmem>>
        %dma_wait3A_209 = tpu.memref_squeeze %dma_wait3A_208 : memref<1x128x64xf32, #tpu.memory_space<vmem>> -> memref<128x64xf32, #tpu.memory_space<vmem>>
        %dma_wait3A_210 = arith.constant 0 : i32
        %dma_wait3A_211 = tpu.memref_slice %arg4[%mul3A_108, %dma_wait3A_210] : memref<204800x64xf32, #tpu.memory_space<hbm>> -> memref<128x64xf32, #tpu.memory_space<hbm>>
        %dma_wait3A_212 = arith.constant 0 : i32
        %dma_wait3A_213 = tpu.memref_slice %arg4[%mul3A_108, %dma_wait3A_212] : memref<204800x64xf32, #tpu.memory_space<hbm>> -> memref<128x64xf32, #tpu.memory_space<hbm>>
        %dma_wait3A_214 = arith.constant 0 : i32
        %dma_wait3A_215 = arith.constant 0 : i32
        %dma_wait3A_216 = tpu.memref_slice %arg6[%run_scoped3A_109, %dma_wait3A_214, %dma_wait3A_215] : memref<5x128x64xf32, #tpu.memory_space<vmem>> -> memref<1x128x64xf32, #tpu.memory_space<vmem>>
        %dma_wait3A_217 = tpu.memref_squeeze %dma_wait3A_216 : memref<1x128x64xf32, #tpu.memory_space<vmem>> -> memref<128x64xf32, #tpu.memory_space<vmem>>
        tpu.wait_dma2 semaphore(%run_scoped3A_193 : memref<!tpu.dma_semaphore, #tpu.memory_space<semaphore_mem>>) src(%dma_wait3A_217 : memref<128x64xf32, #tpu.memory_space<vmem>>) dst(%dma_wait3A_213 : memref<128x64xf32, #tpu.memory_space<hbm>>)
        tpu.yield
      }) : () -> ()
      %lt3A_110 = arith.constant 9 : i32
      %lt3A_111 = arith.cmpi slt, %scan3A_67, %lt3A_110 : i32
      %convert_element_type3A_112 = arith.extui %lt3A_111 : i1 to i32
      %cond3A_113 = arith.constant 0 : i32
      %cond3A_114 = arith.cmpi ne, %convert_element_type3A_112, %cond3A_113 : i32
      scf.if %cond3A_114 {
        %add3A_193 = arith.constant 5 : i32
        %add3A_194 = arith.addi %add3A_92, %add3A_193 : i32
        %dma_start3A_195 = arith.constant 1 : i32
        %dma_start3A_196 = arith.constant 0 : i32
        %dma_start3A_197 = arith.constant 0 : i32
        %dma_start3A_198 = tpu.memref_slice %arg6[%dma_start3A_195, %dma_start3A_196, %dma_start3A_197] : memref<5x128x64xf32, #tpu.memory_space<vmem>> -> memref<1x128x64xf32, #tpu.memory_space<vmem>>
        %dma_start3A_199 = tpu.memref_squeeze %dma_start3A_198 : memref<1x128x64xf32, #tpu.memory_space<vmem>> -> memref<128x64xf32, #tpu.memory_space<vmem>>
        %dma_start3A_200 = arith.constant 0 : i32
        %dma_start3A_201 = tpu.memref_slice %arg5[%add3A_194, %dma_start3A_200] : memref<50x128xi32, #tpu.memory_space<vmem>> -> memref<1x128xi32, #tpu.memory_space<vmem>>
        %dma_start3A_202 = tpu.memref_squeeze %dma_start3A_201 : memref<1x128xi32, #tpu.memory_space<vmem>> -> memref<128xi32, #tpu.memory_space<vmem>>
        %dma_start3A_203 = arith.constant 0 : i32
        %dma_start3A_204 = arith.constant 0 : i32
        %dma_start3A_205 = tpu.memref_slice %arg3[%dma_start3A_203, %dma_start3A_204] : memref<1000000x64xf32, #tpu.memory_space<hbm>> -> memref<1000000x64xf32, #tpu.memory_space<hbm>>
        tpu.enqueue_indirect_dma source(%dma_start3A_205 : memref<1000000x64xf32, #tpu.memory_space<hbm>>) target(%dma_start3A_199 : memref<128x64xf32, #tpu.memory_space<vmem>>) offsets(%dma_start3A_202 : memref<128xi32, #tpu.memory_space<vmem>>) semaphore(%arg8 : memref<!tpu.dma_semaphore, #tpu.memory_space<semaphore_mem>>)
      } else {
      }
      %mul3A_115 = arith.constant 5 : i32
      %mul3A_116 = arith.muli %scan3A_67, %mul3A_115 : i32
      %add3A_117 = arith.constant 2 : i32
      %add3A_118 = arith.addi %mul3A_116, %add3A_117 : i32
      %dma_wait3A_119 = arith.constant 2 : i32
      %dma_wait3A_120 = arith.constant 0 : i32
      %dma_wait3A_121 = arith.constant 0 : i32
      %dma_wait3A_122 = tpu.memref_slice %arg6[%dma_wait3A_119, %dma_wait3A_120, %dma_wait3A_121] : memref<5x128x64xf32, #tpu.memory_space<vmem>> -> memref<1x128x64xf32, #tpu.memory_space<vmem>>
      %dma_wait3A_123 = tpu.memref_squeeze %dma_wait3A_122 : memref<1x128x64xf32, #tpu.memory_space<vmem>> -> memref<128x64xf32, #tpu.memory_space<vmem>>
      %dma_wait3A_124 = arith.constant 0 : i32
      %dma_wait3A_125 = tpu.memref_slice %arg5[%add3A_118, %dma_wait3A_124] : memref<50x128xi32, #tpu.memory_space<vmem>> -> memref<1x128xi32, #tpu.memory_space<vmem>>
      %dma_wait3A_126 = tpu.memref_squeeze %dma_wait3A_125 : memref<1x128xi32, #tpu.memory_space<vmem>> -> memref<128xi32, #tpu.memory_space<vmem>>
      %dma_wait3A_127 = arith.constant 0 : i32
      %dma_wait3A_128 = arith.constant 0 : i32
      %dma_wait3A_129 = tpu.memref_slice %arg3[%dma_wait3A_127, %dma_wait3A_128] : memref<1000000x64xf32, #tpu.memory_space<hbm>> -> memref<1000000x64xf32, #tpu.memory_space<hbm>>
      tpu.wait_indirect_dma semaphore(%arg9 : memref<!tpu.dma_semaphore, #tpu.memory_space<semaphore_mem>>) src(%dma_wait3A_129 : memref<1000000x64xf32, #tpu.memory_space<hbm>>) dst(%dma_wait3A_123 : memref<128x64xf32, #tpu.memory_space<vmem>>)
      %mul3A_130 = arith.constant 50 : i32
      %mul3A_131 = arith.muli %add3A, %mul3A_130 : i32
      %add3A_132 = arith.addi %mul3A_131, %add3A_118 : i32
      %mul3A_133 = arith.constant 128 : i32
      %mul3A_134 = arith.muli %add3A_132, %mul3A_133 : i32
      %run_scoped3A_135 = arith.constant 2 : i32
      "tpu.region"() ({
        %run_scoped3A_193 = tpu.sem_alloc : memref<!tpu.dma_semaphore, #tpu.memory_space<semaphore_mem>>
        %dma_start3A_194 = arith.constant 0 : i32
        %dma_start3A_195 = arith.constant 0 : i32
        %dma_start3A_196 = tpu.memref_slice %arg6[%run_scoped3A_135, %dma_start3A_194, %dma_start3A_195] : memref<5x128x64xf32, #tpu.memory_space<vmem>> -> memref<1x128x64xf32, #tpu.memory_space<vmem>>
        %dma_start3A_197 = tpu.memref_squeeze %dma_start3A_196 : memref<1x128x64xf32, #tpu.memory_space<vmem>> -> memref<128x64xf32, #tpu.memory_space<vmem>>
        %dma_start3A_198 = arith.constant 0 : i32
        %dma_start3A_199 = tpu.memref_slice %arg4[%mul3A_134, %dma_start3A_198] : memref<204800x64xf32, #tpu.memory_space<hbm>> -> memref<128x64xf32, #tpu.memory_space<hbm>>
        %dma_start3A_200 = arith.constant 0 : i32
        %dma_start3A_201 = tpu.memref_slice %arg4[%mul3A_134, %dma_start3A_200] : memref<204800x64xf32, #tpu.memory_space<hbm>> -> memref<128x64xf32, #tpu.memory_space<hbm>>
        %dma_start3A_202 = arith.constant 0 : i32
        %dma_start3A_203 = arith.constant 0 : i32
        %dma_start3A_204 = tpu.memref_slice %arg6[%run_scoped3A_135, %dma_start3A_202, %dma_start3A_203] : memref<5x128x64xf32, #tpu.memory_space<vmem>> -> memref<1x128x64xf32, #tpu.memory_space<vmem>>
        %dma_start3A_205 = tpu.memref_squeeze %dma_start3A_204 : memref<1x128x64xf32, #tpu.memory_space<vmem>> -> memref<128x64xf32, #tpu.memory_space<vmem>>
        tpu.enqueue_dma source(%dma_start3A_205 : memref<128x64xf32, #tpu.memory_space<vmem>>) target(%dma_start3A_201 : memref<128x64xf32, #tpu.memory_space<hbm>>) target_semaphore(%run_scoped3A_193 : memref<!tpu.dma_semaphore, #tpu.memory_space<semaphore_mem>>)
        %dma_wait3A_206 = arith.constant 0 : i32
        %dma_wait3A_207 = arith.constant 0 : i32
        %dma_wait3A_208 = tpu.memref_slice %arg6[%run_scoped3A_135, %dma_wait3A_206, %dma_wait3A_207] : memref<5x128x64xf32, #tpu.memory_space<vmem>> -> memref<1x128x64xf32, #tpu.memory_space<vmem>>
        %dma_wait3A_209 = tpu.memref_squeeze %dma_wait3A_208 : memref<1x128x64xf32, #tpu.memory_space<vmem>> -> memref<128x64xf32, #tpu.memory_space<vmem>>
        %dma_wait3A_210 = arith.constant 0 : i32
        %dma_wait3A_211 = tpu.memref_slice %arg4[%mul3A_134, %dma_wait3A_210] : memref<204800x64xf32, #tpu.memory_space<hbm>> -> memref<128x64xf32, #tpu.memory_space<hbm>>
        %dma_wait3A_212 = arith.constant 0 : i32
        %dma_wait3A_213 = tpu.memref_slice %arg4[%mul3A_134, %dma_wait3A_212] : memref<204800x64xf32, #tpu.memory_space<hbm>> -> memref<128x64xf32, #tpu.memory_space<hbm>>
        %dma_wait3A_214 = arith.constant 0 : i32
        %dma_wait3A_215 = arith.constant 0 : i32
        %dma_wait3A_216 = tpu.memref_slice %arg6[%run_scoped3A_135, %dma_wait3A_214, %dma_wait3A_215] : memref<5x128x64xf32, #tpu.memory_space<vmem>> -> memref<1x128x64xf32, #tpu.memory_space<vmem>>
        %dma_wait3A_217 = tpu.memref_squeeze %dma_wait3A_216 : memref<1x128x64xf32, #tpu.memory_space<vmem>> -> memref<128x64xf32, #tpu.memory_space<vmem>>
        tpu.wait_dma2 semaphore(%run_scoped3A_193 : memref<!tpu.dma_semaphore, #tpu.memory_space<semaphore_mem>>) src(%dma_wait3A_217 : memref<128x64xf32, #tpu.memory_space<vmem>>) dst(%dma_wait3A_213 : memref<128x64xf32, #tpu.memory_space<hbm>>)
        tpu.yield
      }) : () -> ()
      %lt3A_136 = arith.constant 9 : i32
      %lt3A_137 = arith.cmpi slt, %scan3A_67, %lt3A_136 : i32
      %convert_element_type3A_138 = arith.extui %lt3A_137 : i1 to i32
      %cond3A_139 = arith.constant 0 : i32
      %cond3A_140 = arith.cmpi ne, %convert_element_type3A_138, %cond3A_139 : i32
      scf.if %cond3A_140 {
        %add3A_193 = arith.constant 5 : i32
        %add3A_194 = arith.addi %add3A_118, %add3A_193 : i32
        %dma_start3A_195 = arith.constant 2 : i32
        %dma_start3A_196 = arith.constant 0 : i32
        %dma_start3A_197 = arith.constant 0 : i32
        %dma_start3A_198 = tpu.memref_slice %arg6[%dma_start3A_195, %dma_start3A_196, %dma_start3A_197] : memref<5x128x64xf32, #tpu.memory_space<vmem>> -> memref<1x128x64xf32, #tpu.memory_space<vmem>>
        %dma_start3A_199 = tpu.memref_squeeze %dma_start3A_198 : memref<1x128x64xf32, #tpu.memory_space<vmem>> -> memref<128x64xf32, #tpu.memory_space<vmem>>
        %dma_start3A_200 = arith.constant 0 : i32
        %dma_start3A_201 = tpu.memref_slice %arg5[%add3A_194, %dma_start3A_200] : memref<50x128xi32, #tpu.memory_space<vmem>> -> memref<1x128xi32, #tpu.memory_space<vmem>>
        %dma_start3A_202 = tpu.memref_squeeze %dma_start3A_201 : memref<1x128xi32, #tpu.memory_space<vmem>> -> memref<128xi32, #tpu.memory_space<vmem>>
        %dma_start3A_203 = arith.constant 0 : i32
        %dma_start3A_204 = arith.constant 0 : i32
        %dma_start3A_205 = tpu.memref_slice %arg3[%dma_start3A_203, %dma_start3A_204] : memref<1000000x64xf32, #tpu.memory_space<hbm>> -> memref<1000000x64xf32, #tpu.memory_space<hbm>>
        tpu.enqueue_indirect_dma source(%dma_start3A_205 : memref<1000000x64xf32, #tpu.memory_space<hbm>>) target(%dma_start3A_199 : memref<128x64xf32, #tpu.memory_space<vmem>>) offsets(%dma_start3A_202 : memref<128xi32, #tpu.memory_space<vmem>>) semaphore(%arg9 : memref<!tpu.dma_semaphore, #tpu.memory_space<semaphore_mem>>)
      } else {
      }
      %mul3A_141 = arith.constant 5 : i32
      %mul3A_142 = arith.muli %scan3A_67, %mul3A_141 : i32
      %add3A_143 = arith.constant 3 : i32
      %add3A_144 = arith.addi %mul3A_142, %add3A_143 : i32
      %dma_wait3A_145 = arith.constant 3 : i32
      %dma_wait3A_146 = arith.constant 0 : i32
      %dma_wait3A_147 = arith.constant 0 : i32
      %dma_wait3A_148 = tpu.memref_slice %arg6[%dma_wait3A_145, %dma_wait3A_146, %dma_wait3A_147] : memref<5x128x64xf32, #tpu.memory_space<vmem>> -> memref<1x128x64xf32, #tpu.memory_space<vmem>>
      %dma_wait3A_149 = tpu.memref_squeeze %dma_wait3A_148 : memref<1x128x64xf32, #tpu.memory_space<vmem>> -> memref<128x64xf32, #tpu.memory_space<vmem>>
      %dma_wait3A_150 = arith.constant 0 : i32
      %dma_wait3A_151 = tpu.memref_slice %arg5[%add3A_144, %dma_wait3A_150] : memref<50x128xi32, #tpu.memory_space<vmem>> -> memref<1x128xi32, #tpu.memory_space<vmem>>
      %dma_wait3A_152 = tpu.memref_squeeze %dma_wait3A_151 : memref<1x128xi32, #tpu.memory_space<vmem>> -> memref<128xi32, #tpu.memory_space<vmem>>
      %dma_wait3A_153 = arith.constant 0 : i32
      %dma_wait3A_154 = arith.constant 0 : i32
      %dma_wait3A_155 = tpu.memref_slice %arg3[%dma_wait3A_153, %dma_wait3A_154] : memref<1000000x64xf32, #tpu.memory_space<hbm>> -> memref<1000000x64xf32, #tpu.memory_space<hbm>>
      tpu.wait_indirect_dma semaphore(%arg10 : memref<!tpu.dma_semaphore, #tpu.memory_space<semaphore_mem>>) src(%dma_wait3A_155 : memref<1000000x64xf32, #tpu.memory_space<hbm>>) dst(%dma_wait3A_149 : memref<128x64xf32, #tpu.memory_space<vmem>>)
      %mul3A_156 = arith.constant 50 : i32
      %mul3A_157 = arith.muli %add3A, %mul3A_156 : i32
      %add3A_158 = arith.addi %mul3A_157, %add3A_144 : i32
      %mul3A_159 = arith.constant 128 : i32
      %mul3A_160 = arith.muli %add3A_158, %mul3A_159 : i32
      %run_scoped3A_161 = arith.constant 3 : i32
      "tpu.region"() ({
        %run_scoped3A_193 = tpu.sem_alloc : memref<!tpu.dma_semaphore, #tpu.memory_space<semaphore_mem>>
        %dma_start3A_194 = arith.constant 0 : i32
        %dma_start3A_195 = arith.constant 0 : i32
        %dma_start3A_196 = tpu.memref_slice %arg6[%run_scoped3A_161, %dma_start3A_194, %dma_start3A_195] : memref<5x128x64xf32, #tpu.memory_space<vmem>> -> memref<1x128x64xf32, #tpu.memory_space<vmem>>
        %dma_start3A_197 = tpu.memref_squeeze %dma_start3A_196 : memref<1x128x64xf32, #tpu.memory_space<vmem>> -> memref<128x64xf32, #tpu.memory_space<vmem>>
        %dma_start3A_198 = arith.constant 0 : i32
        %dma_start3A_199 = tpu.memref_slice %arg4[%mul3A_160, %dma_start3A_198] : memref<204800x64xf32, #tpu.memory_space<hbm>> -> memref<128x64xf32, #tpu.memory_space<hbm>>
        %dma_start3A_200 = arith.constant 0 : i32
        %dma_start3A_201 = tpu.memref_slice %arg4[%mul3A_160, %dma_start3A_200] : memref<204800x64xf32, #tpu.memory_space<hbm>> -> memref<128x64xf32, #tpu.memory_space<hbm>>
        %dma_start3A_202 = arith.constant 0 : i32
        %dma_start3A_203 = arith.constant 0 : i32
        %dma_start3A_204 = tpu.memref_slice %arg6[%run_scoped3A_161, %dma_start3A_202, %dma_start3A_203] : memref<5x128x64xf32, #tpu.memory_space<vmem>> -> memref<1x128x64xf32, #tpu.memory_space<vmem>>
        %dma_start3A_205 = tpu.memref_squeeze %dma_start3A_204 : memref<1x128x64xf32, #tpu.memory_space<vmem>> -> memref<128x64xf32, #tpu.memory_space<vmem>>
        tpu.enqueue_dma source(%dma_start3A_205 : memref<128x64xf32, #tpu.memory_space<vmem>>) target(%dma_start3A_201 : memref<128x64xf32, #tpu.memory_space<hbm>>) target_semaphore(%run_scoped3A_193 : memref<!tpu.dma_semaphore, #tpu.memory_space<semaphore_mem>>)
        %dma_wait3A_206 = arith.constant 0 : i32
        %dma_wait3A_207 = arith.constant 0 : i32
        %dma_wait3A_208 = tpu.memref_slice %arg6[%run_scoped3A_161, %dma_wait3A_206, %dma_wait3A_207] : memref<5x128x64xf32, #tpu.memory_space<vmem>> -> memref<1x128x64xf32, #tpu.memory_space<vmem>>
        %dma_wait3A_209 = tpu.memref_squeeze %dma_wait3A_208 : memref<1x128x64xf32, #tpu.memory_space<vmem>> -> memref<128x64xf32, #tpu.memory_space<vmem>>
        %dma_wait3A_210 = arith.constant 0 : i32
        %dma_wait3A_211 = tpu.memref_slice %arg4[%mul3A_160, %dma_wait3A_210] : memref<204800x64xf32, #tpu.memory_space<hbm>> -> memref<128x64xf32, #tpu.memory_space<hbm>>
        %dma_wait3A_212 = arith.constant 0 : i32
        %dma_wait3A_213 = tpu.memref_slice %arg4[%mul3A_160, %dma_wait3A_212] : memref<204800x64xf32, #tpu.memory_space<hbm>> -> memref<128x64xf32, #tpu.memory_space<hbm>>
        %dma_wait3A_214 = arith.constant 0 : i32
        %dma_wait3A_215 = arith.constant 0 : i32
        %dma_wait3A_216 = tpu.memref_slice %arg6[%run_scoped3A_161, %dma_wait3A_214, %dma_wait3A_215] : memref<5x128x64xf32, #tpu.memory_space<vmem>> -> memref<1x128x64xf32, #tpu.memory_space<vmem>>
        %dma_wait3A_217 = tpu.memref_squeeze %dma_wait3A_216 : memref<1x128x64xf32, #tpu.memory_space<vmem>> -> memref<128x64xf32, #tpu.memory_space<vmem>>
        tpu.wait_dma2 semaphore(%run_scoped3A_193 : memref<!tpu.dma_semaphore, #tpu.memory_space<semaphore_mem>>) src(%dma_wait3A_217 : memref<128x64xf32, #tpu.memory_space<vmem>>) dst(%dma_wait3A_213 : memref<128x64xf32, #tpu.memory_space<hbm>>)
        tpu.yield
      }) : () -> ()
      %lt3A_162 = arith.constant 9 : i32
      %lt3A_163 = arith.cmpi slt, %scan3A_67, %lt3A_162 : i32
      %convert_element_type3A_164 = arith.extui %lt3A_163 : i1 to i32
      %cond3A_165 = arith.constant 0 : i32
      %cond3A_166 = arith.cmpi ne, %convert_element_type3A_164, %cond3A_165 : i32
      scf.if %cond3A_166 {
        %add3A_193 = arith.constant 5 : i32
        %add3A_194 = arith.addi %add3A_144, %add3A_193 : i32
        %dma_start3A_195 = arith.constant 3 : i32
        %dma_start3A_196 = arith.constant 0 : i32
        %dma_start3A_197 = arith.constant 0 : i32
        %dma_start3A_198 = tpu.memref_slice %arg6[%dma_start3A_195, %dma_start3A_196, %dma_start3A_197] : memref<5x128x64xf32, #tpu.memory_space<vmem>> -> memref<1x128x64xf32, #tpu.memory_space<vmem>>
        %dma_start3A_199 = tpu.memref_squeeze %dma_start3A_198 : memref<1x128x64xf32, #tpu.memory_space<vmem>> -> memref<128x64xf32, #tpu.memory_space<vmem>>
        %dma_start3A_200 = arith.constant 0 : i32
        %dma_start3A_201 = tpu.memref_slice %arg5[%add3A_194, %dma_start3A_200] : memref<50x128xi32, #tpu.memory_space<vmem>> -> memref<1x128xi32, #tpu.memory_space<vmem>>
        %dma_start3A_202 = tpu.memref_squeeze %dma_start3A_201 : memref<1x128xi32, #tpu.memory_space<vmem>> -> memref<128xi32, #tpu.memory_space<vmem>>
        %dma_start3A_203 = arith.constant 0 : i32
        %dma_start3A_204 = arith.constant 0 : i32
        %dma_start3A_205 = tpu.memref_slice %arg3[%dma_start3A_203, %dma_start3A_204] : memref<1000000x64xf32, #tpu.memory_space<hbm>> -> memref<1000000x64xf32, #tpu.memory_space<hbm>>
        tpu.enqueue_indirect_dma source(%dma_start3A_205 : memref<1000000x64xf32, #tpu.memory_space<hbm>>) target(%dma_start3A_199 : memref<128x64xf32, #tpu.memory_space<vmem>>) offsets(%dma_start3A_202 : memref<128xi32, #tpu.memory_space<vmem>>) semaphore(%arg10 : memref<!tpu.dma_semaphore, #tpu.memory_space<semaphore_mem>>)
      } else {
      }
      %mul3A_167 = arith.constant 5 : i32
      %mul3A_168 = arith.muli %scan3A_67, %mul3A_167 : i32
      %add3A_169 = arith.constant 4 : i32
      %add3A_170 = arith.addi %mul3A_168, %add3A_169 : i32
      %dma_wait3A_171 = arith.constant 4 : i32
      %dma_wait3A_172 = arith.constant 0 : i32
      %dma_wait3A_173 = arith.constant 0 : i32
      %dma_wait3A_174 = tpu.memref_slice %arg6[%dma_wait3A_171, %dma_wait3A_172, %dma_wait3A_173] : memref<5x128x64xf32, #tpu.memory_space<vmem>> -> memref<1x128x64xf32, #tpu.memory_space<vmem>>
      %dma_wait3A_175 = tpu.memref_squeeze %dma_wait3A_174 : memref<1x128x64xf32, #tpu.memory_space<vmem>> -> memref<128x64xf32, #tpu.memory_space<vmem>>
      %dma_wait3A_176 = arith.constant 0 : i32
      %dma_wait3A_177 = tpu.memref_slice %arg5[%add3A_170, %dma_wait3A_176] : memref<50x128xi32, #tpu.memory_space<vmem>> -> memref<1x128xi32, #tpu.memory_space<vmem>>
      %dma_wait3A_178 = tpu.memref_squeeze %dma_wait3A_177 : memref<1x128xi32, #tpu.memory_space<vmem>> -> memref<128xi32, #tpu.memory_space<vmem>>
      %dma_wait3A_179 = arith.constant 0 : i32
      %dma_wait3A_180 = arith.constant 0 : i32
      %dma_wait3A_181 = tpu.memref_slice %arg3[%dma_wait3A_179, %dma_wait3A_180] : memref<1000000x64xf32, #tpu.memory_space<hbm>> -> memref<1000000x64xf32, #tpu.memory_space<hbm>>
      tpu.wait_indirect_dma semaphore(%arg11 : memref<!tpu.dma_semaphore, #tpu.memory_space<semaphore_mem>>) src(%dma_wait3A_181 : memref<1000000x64xf32, #tpu.memory_space<hbm>>) dst(%dma_wait3A_175 : memref<128x64xf32, #tpu.memory_space<vmem>>)
      %mul3A_182 = arith.constant 50 : i32
      %mul3A_183 = arith.muli %add3A, %mul3A_182 : i32
      %add3A_184 = arith.addi %mul3A_183, %add3A_170 : i32
      %mul3A_185 = arith.constant 128 : i32
      %mul3A_186 = arith.muli %add3A_184, %mul3A_185 : i32
      %run_scoped3A_187 = arith.constant 4 : i32
      "tpu.region"() ({
        %run_scoped3A_193 = tpu.sem_alloc : memref<!tpu.dma_semaphore, #tpu.memory_space<semaphore_mem>>
        %dma_start3A_194 = arith.constant 0 : i32
        %dma_start3A_195 = arith.constant 0 : i32
        %dma_start3A_196 = tpu.memref_slice %arg6[%run_scoped3A_187, %dma_start3A_194, %dma_start3A_195] : memref<5x128x64xf32, #tpu.memory_space<vmem>> -> memref<1x128x64xf32, #tpu.memory_space<vmem>>
        %dma_start3A_197 = tpu.memref_squeeze %dma_start3A_196 : memref<1x128x64xf32, #tpu.memory_space<vmem>> -> memref<128x64xf32, #tpu.memory_space<vmem>>
        %dma_start3A_198 = arith.constant 0 : i32
        %dma_start3A_199 = tpu.memref_slice %arg4[%mul3A_186, %dma_start3A_198] : memref<204800x64xf32, #tpu.memory_space<hbm>> -> memref<128x64xf32, #tpu.memory_space<hbm>>
        %dma_start3A_200 = arith.constant 0 : i32
        %dma_start3A_201 = tpu.memref_slice %arg4[%mul3A_186, %dma_start3A_200] : memref<204800x64xf32, #tpu.memory_space<hbm>> -> memref<128x64xf32, #tpu.memory_space<hbm>>
        %dma_start3A_202 = arith.constant 0 : i32
        %dma_start3A_203 = arith.constant 0 : i32
        %dma_start3A_204 = tpu.memref_slice %arg6[%run_scoped3A_187, %dma_start3A_202, %dma_start3A_203] : memref<5x128x64xf32, #tpu.memory_space<vmem>> -> memref<1x128x64xf32, #tpu.memory_space<vmem>>
        %dma_start3A_205 = tpu.memref_squeeze %dma_start3A_204 : memref<1x128x64xf32, #tpu.memory_space<vmem>> -> memref<128x64xf32, #tpu.memory_space<vmem>>
        tpu.enqueue_dma source(%dma_start3A_205 : memref<128x64xf32, #tpu.memory_space<vmem>>) target(%dma_start3A_201 : memref<128x64xf32, #tpu.memory_space<hbm>>) target_semaphore(%run_scoped3A_193 : memref<!tpu.dma_semaphore, #tpu.memory_space<semaphore_mem>>)
        %dma_wait3A_206 = arith.constant 0 : i32
        %dma_wait3A_207 = arith.constant 0 : i32
        %dma_wait3A_208 = tpu.memref_slice %arg6[%run_scoped3A_187, %dma_wait3A_206, %dma_wait3A_207] : memref<5x128x64xf32, #tpu.memory_space<vmem>> -> memref<1x128x64xf32, #tpu.memory_space<vmem>>
        %dma_wait3A_209 = tpu.memref_squeeze %dma_wait3A_208 : memref<1x128x64xf32, #tpu.memory_space<vmem>> -> memref<128x64xf32, #tpu.memory_space<vmem>>
        %dma_wait3A_210 = arith.constant 0 : i32
        %dma_wait3A_211 = tpu.memref_slice %arg4[%mul3A_186, %dma_wait3A_210] : memref<204800x64xf32, #tpu.memory_space<hbm>> -> memref<128x64xf32, #tpu.memory_space<hbm>>
        %dma_wait3A_212 = arith.constant 0 : i32
        %dma_wait3A_213 = tpu.memref_slice %arg4[%mul3A_186, %dma_wait3A_212] : memref<204800x64xf32, #tpu.memory_space<hbm>> -> memref<128x64xf32, #tpu.memory_space<hbm>>
        %dma_wait3A_214 = arith.constant 0 : i32
        %dma_wait3A_215 = arith.constant 0 : i32
        %dma_wait3A_216 = tpu.memref_slice %arg6[%run_scoped3A_187, %dma_wait3A_214, %dma_wait3A_215] : memref<5x128x64xf32, #tpu.memory_space<vmem>> -> memref<1x128x64xf32, #tpu.memory_space<vmem>>
        %dma_wait3A_217 = tpu.memref_squeeze %dma_wait3A_216 : memref<1x128x64xf32, #tpu.memory_space<vmem>> -> memref<128x64xf32, #tpu.memory_space<vmem>>
        tpu.wait_dma2 semaphore(%run_scoped3A_193 : memref<!tpu.dma_semaphore, #tpu.memory_space<semaphore_mem>>) src(%dma_wait3A_217 : memref<128x64xf32, #tpu.memory_space<vmem>>) dst(%dma_wait3A_213 : memref<128x64xf32, #tpu.memory_space<hbm>>)
        tpu.yield
      }) : () -> ()
      %lt3A_188 = arith.constant 9 : i32
      %lt3A_189 = arith.cmpi slt, %scan3A_67, %lt3A_188 : i32
      %convert_element_type3A_190 = arith.extui %lt3A_189 : i1 to i32
      %cond3A_191 = arith.constant 0 : i32
      %cond3A_192 = arith.cmpi ne, %convert_element_type3A_190, %cond3A_191 : i32
      scf.if %cond3A_192 {
        %add3A_193 = arith.constant 5 : i32
        %add3A_194 = arith.addi %add3A_170, %add3A_193 : i32
        %dma_start3A_195 = arith.constant 4 : i32
        %dma_start3A_196 = arith.constant 0 : i32
        %dma_start3A_197 = arith.constant 0 : i32
        %dma_start3A_198 = tpu.memref_slice %arg6[%dma_start3A_195, %dma_start3A_196, %dma_start3A_197] : memref<5x128x64xf32, #tpu.memory_space<vmem>> -> memref<1x128x64xf32, #tpu.memory_space<vmem>>
        %dma_start3A_199 = tpu.memref_squeeze %dma_start3A_198 : memref<1x128x64xf32, #tpu.memory_space<vmem>> -> memref<128x64xf32, #tpu.memory_space<vmem>>
        %dma_start3A_200 = arith.constant 0 : i32
        %dma_start3A_201 = tpu.memref_slice %arg5[%add3A_194, %dma_start3A_200] : memref<50x128xi32, #tpu.memory_space<vmem>> -> memref<1x128xi32, #tpu.memory_space<vmem>>
        %dma_start3A_202 = tpu.memref_squeeze %dma_start3A_201 : memref<1x128xi32, #tpu.memory_space<vmem>> -> memref<128xi32, #tpu.memory_space<vmem>>
        %dma_start3A_203 = arith.constant 0 : i32
        %dma_start3A_204 = arith.constant 0 : i32
        %dma_start3A_205 = tpu.memref_slice %arg3[%dma_start3A_203, %dma_start3A_204] : memref<1000000x64xf32, #tpu.memory_space<hbm>> -> memref<1000000x64xf32, #tpu.memory_space<hbm>>
        tpu.enqueue_indirect_dma source(%dma_start3A_205 : memref<1000000x64xf32, #tpu.memory_space<hbm>>) target(%dma_start3A_199 : memref<128x64xf32, #tpu.memory_space<vmem>>) offsets(%dma_start3A_202 : memref<128xi32, #tpu.memory_space<vmem>>) semaphore(%arg11 : memref<!tpu.dma_semaphore, #tpu.memory_space<semaphore_mem>>)
      } else {
      }
    }
    %scan3A_66 = arith.constant 10 : i32
    return
  }
}

module attributes {stable_mosaic.version = 14 : i64} {
  func.func @_tc_body(%arg0: i32, %arg1: memref<64x100x128xf32, #tpu.memory_space<vmem>>, %arg2: memref<64x128xf32, #tpu.memory_space<vmem>>, %arg3: memref<1x128xf32, #tpu.memory_space<vmem>>, %arg4: memref<64x128xf32, #tpu.memory_space<vmem>>) attributes {dimension_semantics = [#tpu.dimension_semantics<arbitrary>], iteration_bounds = array<i64: 16>, scalar_prefetch = 0 : i64, scratch_operands = 0 : i64, tpu.core_type = #tpu.core_type<tc>, window_params = [{transform_indices = @transform_0, window_bounds = array<i64: 64, 100, 128>}, {pipeline_mode = #tpu.pipeline_mode<synchronous>, transform_indices = @transform_1, window_bounds = array<i64: 64, 128>}, {pipeline_mode = #tpu.pipeline_mode<synchronous>, transform_indices = @transform_2, window_bounds = array<i64: 1, 128>}, {transform_indices = @transform_3, window_bounds = array<i64: 64, 128>}]} {
    %get3A = arith.constant 0 : index
    %get3A_0 = arith.constant 0 : index
    %get3A_1 = arith.constant 0 : index
    %get3A_2 = vector.load %arg1[%get3A, %get3A_0, %get3A_1] : memref<64x100x128xf32, #tpu.memory_space<vmem>>, vector<64x100x128xf32>
    %broadcast_in_dim3A = arith.constant 0.000000e+00 : f32
    %broadcast_in_dim3A_3 = vector.broadcast %broadcast_in_dim3A : f32 to vector<64x128xf32>
    %reduce_max3A = arith.constant dense<0xFF800000> : vector<64x128xf32>
    %reduce_max3A_4 = vector.multi_reduction <maximumf>, %get3A_2, %reduce_max3A [1] : vector<64x100x128xf32> to vector<64x128xf32>
    %slice3A = vector.extract_strided_slice %reduce_max3A_4 {offsets = [0, 64], sizes = [64, 64], strides = [1, 1]} : vector<64x128xf32> to vector<64x64xf32>
    %slice3A_5 = vector.extract_strided_slice %reduce_max3A_4 {offsets = [0, 0], sizes = [64, 64], strides = [1, 1]} : vector<64x128xf32> to vector<64x64xf32>
    %concatenate3A = tpu.concatenate %slice3A, %slice3A_5 in 1 : vector<64x64xf32>, vector<64x64xf32> -> vector<64x128xf32>
    %max3A = arith.maximumf %reduce_max3A_4, %concatenate3A : vector<64x128xf32>
    %scan3A = arith.constant -1.000000e+35 : f32
    %scan3A_6 = arith.constant 0 : i32
    %scan3A_7 = arith.constant 21 : i32
    %scan3A_8 = arith.addi %scan3A_6, %scan3A_7 : i32
    %scan3A_9 = arith.constant 1 : i32
    %scan3A_10:4 = scf.for %scan3A_36 = %scan3A_6 to %scan3A_8 step %scan3A_9 iter_args(%scan3A_37 = %max3A, %scan3A_38 = %broadcast_in_dim3A_3, %scan3A_39 = %broadcast_in_dim3A_3, %scan3A_40 = %broadcast_in_dim3A_3) -> (vector<64x128xf32>, vector<64x128xf32>, vector<64x128xf32>, vector<64x128xf32>)  : i32 {
      %lt3A = arith.constant 2.000000e+01 : f32
      %lt3A_41 = vector.broadcast %lt3A : f32 to vector<64x128xf32>
      %lt3A_42 = arith.cmpf olt, %scan3A_38, %lt3A_41 : vector<64x128xf32>
      %select_n3A_43 = arith.select %lt3A_42, %scan3A_37, %scan3A_39 : vector<64x128xi1>, vector<64x128xf32>
      %lt3A_44 = arith.constant 2.100000e+01 : f32
      %lt3A_45 = vector.broadcast %lt3A_44 : f32 to vector<64x128xf32>
      %lt3A_46 = arith.cmpf olt, %scan3A_38, %lt3A_45 : vector<64x128xf32>
      %select_n3A_47 = arith.select %lt3A_46, %scan3A_37, %scan3A_40 : vector<64x128xi1>, vector<64x128xf32>
      %broadcast_in_dim3A_48 = vector.shape_cast %scan3A_37 : vector<64x128xf32> to vector<64x1x128xf32>
      %lt3A_49 = vector.broadcast %broadcast_in_dim3A_48 : vector<64x1x128xf32> to vector<64x100x128xf32>
      %lt3A_50 = arith.cmpf olt, %get3A_2, %lt3A_49 : vector<64x100x128xf32>
      %broadcast_in_dim3A_51 = vector.broadcast %scan3A : f32 to vector<64x100x128xf32>
      %select_n3A_52 = arith.select %lt3A_50, %get3A_2, %broadcast_in_dim3A_51 : vector<64x100x128xi1>, vector<64x100x128xf32>
      %reduce_max3A_53 = arith.constant dense<0xFF800000> : vector<64x128xf32>
      %reduce_max3A_54 = vector.multi_reduction <maximumf>, %select_n3A_52, %reduce_max3A_53 [1] : vector<64x100x128xf32> to vector<64x128xf32>
      %slice3A_55 = vector.extract_strided_slice %reduce_max3A_54 {offsets = [0, 64], sizes = [64, 64], strides = [1, 1]} : vector<64x128xf32> to vector<64x64xf32>
      %slice3A_56 = vector.extract_strided_slice %reduce_max3A_54 {offsets = [0, 0], sizes = [64, 64], strides = [1, 1]} : vector<64x128xf32> to vector<64x64xf32>
      %concatenate3A_57 = tpu.concatenate %slice3A_55, %slice3A_56 in 1 : vector<64x64xf32>, vector<64x64xf32> -> vector<64x128xf32>
      %max3A_58 = arith.maximumf %reduce_max3A_54, %concatenate3A_57 : vector<64x128xf32>
      %reduce_sum3A_59 = arith.constant dense<0.000000e+00> : vector<64x128xf32>
      %reduce_sum3A_60 = vector.multi_reduction <add>, %select_n3A_52, %reduce_sum3A_59 [1] : vector<64x100x128xf32> to vector<64x128xf32>
      %slice3A_61 = vector.extract_strided_slice %reduce_sum3A_60 {offsets = [0, 64], sizes = [64, 64], strides = [1, 1]} : vector<64x128xf32> to vector<64x64xf32>
      %slice3A_62 = vector.extract_strided_slice %reduce_sum3A_60 {offsets = [0, 0], sizes = [64, 64], strides = [1, 1]} : vector<64x128xf32> to vector<64x64xf32>
      %concatenate3A_63 = tpu.concatenate %slice3A_61, %slice3A_62 in 1 : vector<64x64xf32>, vector<64x64xf32> -> vector<64x128xf32>
      %add3A_64 = arith.addf %reduce_sum3A_60, %concatenate3A_63 : vector<64x128xf32>
      %mul3A_65 = arith.constant -1.000000e-35 : f32
      %mul3A_66 = vector.broadcast %mul3A_65 : f32 to vector<64x128xf32>
      %mul3A_67 = arith.mulf %add3A_64, %mul3A_66 : vector<64x128xf32>
      %round3A = math.roundeven %mul3A_67 : vector<64x128xf32>
      scf.yield %max3A_58, %round3A, %select_n3A_43, %select_n3A_47 : vector<64x128xf32>, vector<64x128xf32>, vector<64x128xf32>, vector<64x128xf32>
    }
    %sub3A = arith.subf %scan3A_10#2, %scan3A_10#3 : vector<64x128xf32>
    %mul3A = arith.constant 1.000000e-01 : f32
    %mul3A_11 = vector.broadcast %mul3A : f32 to vector<64x128xf32>
    %mul3A_12 = arith.mulf %mul3A_11, %sub3A : vector<64x128xf32>
    %add3A = arith.addf %scan3A_10#3, %mul3A_12 : vector<64x128xf32>
    %broadcast_in_dim3A_13 = vector.shape_cast %add3A : vector<64x128xf32> to vector<64x1x128xf32>
    %ge3A = vector.broadcast %broadcast_in_dim3A_13 : vector<64x1x128xf32> to vector<64x100x128xf32>
    %ge3A_14 = arith.cmpf oge, %get3A_2, %ge3A : vector<64x100x128xf32>
    %jit3A = arith.constant 0.000000e+00 : f32
    %broadcast_in_dim3A_15 = vector.broadcast %jit3A : f32 to vector<64x100x128xf32>
    %select_n3A = arith.select %ge3A_14, %get3A_2, %broadcast_in_dim3A_15 : vector<64x100x128xi1>, vector<64x100x128xf32>
    %reduce_sum3A = arith.constant dense<0.000000e+00> : vector<64x128xf32>
    %reduce_sum3A_16 = vector.multi_reduction <add>, %select_n3A, %reduce_sum3A [1] : vector<64x100x128xf32> to vector<64x128xf32>
    %slice3A_17 = vector.extract_strided_slice %reduce_sum3A_16 {offsets = [0, 64], sizes = [64, 64], strides = [1, 1]} : vector<64x128xf32> to vector<64x64xf32>
    %slice3A_18 = vector.extract_strided_slice %reduce_sum3A_16 {offsets = [0, 0], sizes = [64, 64], strides = [1, 1]} : vector<64x128xf32> to vector<64x64xf32>
    %concatenate3A_19 = tpu.concatenate %slice3A_17, %slice3A_18 in 1 : vector<64x64xf32>, vector<64x64xf32> -> vector<64x128xf32>
    %add3A_20 = arith.addf %reduce_sum3A_16, %concatenate3A_19 : vector<64x128xf32>
    %slice3A_21 = vector.extract_strided_slice %add3A_20 {offsets = [0, 0], sizes = [64, 64], strides = [1, 1]} : vector<64x128xf32> to vector<64x64xf32>
    %mul3A_22 = arith.constant 5.000000e-03 : f32
    %mul3A_23 = vector.broadcast %mul3A_22 : f32 to vector<64x64xf32>
    %mul3A_24 = arith.mulf %slice3A_21, %mul3A_23 : vector<64x64xf32>
    %get3A_25 = arith.constant 0 : index
    %get3A_26 = arith.constant 0 : index
    %get3A_27 = vector.load %arg2[%get3A_25, %get3A_26] : memref<64x128xf32, #tpu.memory_space<vmem>>, vector<64x128xf32>
    %dot_general3A = arith.constant dense<0.000000e+00> : vector<64x128xf32>
    %dot_general3A_28 = tpu.matmul %mul3A_24, %get3A_27, %dot_general3A {dimension_numbers = #tpu.dot_dimension_numbers<[1], [0], [0], [1], [0, 0, 1, 1], [], []>, transpose_lhs_hint = false} : vector<64x64xf32>, vector<64x128xf32>, vector<64x128xf32> -> vector<64x128xf32>
    %get3A_29 = arith.constant 0 : index
    %get3A_30 = arith.constant 0 : index
    %get3A_31 = vector.load %arg3[%get3A_29, %get3A_30] : memref<1x128xf32, #tpu.memory_space<vmem>>, vector<1x128xf32>
    %add3A_32 = vector.broadcast %get3A_31 : vector<1x128xf32> to vector<64x128xf32>
    %add3A_33 = arith.addf %dot_general3A_28, %add3A_32 : vector<64x128xf32>
    %swap3A = arith.constant 0 : index
    %swap3A_34 = arith.constant 0 : index
    %swap3A_35 = vector.load %arg4[%swap3A, %swap3A_34] : memref<64x128xf32, #tpu.memory_space<vmem>>, vector<64x128xf32>
    tpu.vector_store %arg4[%swap3A, %swap3A_34], %add3A_33 {strides = array<i32>} : memref<64x128xf32, #tpu.memory_space<vmem>>, vector<64x128xf32>,
    return
  }
  func.func @transform_0(%arg0: i32) -> (i32, i32, i32) {
    %c0_i32 = arith.constant 0 : i32
    %c0_i32_0 = arith.constant 0 : i32
    %c0_i32_1 = arith.constant 0 : i32
    return %arg0, %c0_i32, %c0_i32_0 : i32, i32, i32
  }
  func.func @transform_1(%arg0: i32) -> (i32, i32) {
    %c0_i32 = arith.constant 0 : i32
    %c0_i32_0 = arith.constant 0 : i32
    %c0_i32_1 = arith.constant 0 : i32
    return %c0_i32, %c0_i32_0 : i32, i32
  }
  func.func @transform_2(%arg0: i32) -> (i32, i32) {
    %c0_i32 = arith.constant 0 : i32
    %c0_i32_0 = arith.constant 0 : i32
    %c0_i32_1 = arith.constant 0 : i32
    return %c0_i32, %c0_i32_0 : i32, i32
  }
  func.func @transform_3(%arg0: i32) -> (i32, i32) {
    %c0_i32 = arith.constant 0 : i32
    %c0_i32_0 = arith.constant 0 : i32
    return %arg0, %c0_i32 : i32, i32
  }
}

</mosaic_0001>

<sc_bundles>
// kernel: kernel.10.cloned.1.call-start
scs
__scs_entry_jumppad:
0x0: {  	(pc) =	sbr.rel $0x88, $3  }
0x1: {  	(tag) =	ssettag $0x0;
	lr =	simm.s32 $0x1  }
0x2: {  	[smem:$0x3F9D] =	sst lr;
	_ =	strace $0xD0000000  }
0x3: {  	_ = 	snop  }
0x4: {  	_ = 	snop  }
0x5: {  	_ = 	snop  }
0x6: {  	_ = 	snop  }
0x7: {  	_ = 	snop  }
__scs_overlays_trampoline_lowered:
0x8: {  	[smem:$0x3FAC] =	sst s0  }
0x9: {  	[smem:$0x3FAD] =	sst s1  }
0xa: {  	[smem:$0x3FAE] =	sst s2  }
0xb: {  	[smem:$0x3FAF] =	sst s3  }
0xc: {  	[smem:$0x3FB0] =	sst s4  }
0xd: {  	[smem:$0x3FB1] =	sst s5  }
0xe: {  	[smem:$0x3FB2] =	sst s6  }
0xf: {  	[smem:$0x3FB3] =	sst s7  }
0x10: {  	[smem:$0x3FB4] =	sst s8  }
0x11: {  	[smem:$0x3FB5] =	sst s9;
	s0 =	simm.s32 @!p0 $0x0  }
0x12: {  	s1 =	sld [smem:$0x3F9B];
	s0 =	simm.s32 @p0 $0x1  }
0x13: {  	[smem:$0x3FB6] =	sst s0;
	s0 =	simm.s32 @!p1 $0x0  }
0x14: {  	s2 =	sld [smem:$0x3F9A];
	s0 =	simm.s32 @p1 $0x1  }
0x15: {  	[smem:$0x3FB7] =	sst s0;
	s0 =	simm.s32 @!p2 $0x0  }
0x16: {  	s3 =	sld [smem:$0x3FDB];
	s0 =	simm.s32 @p2 $0x1  }
0x17: {  	s4 =	simm.s32 $0x1BF5;
	[smem:$0x3FB9] =	sst s0  }
0x18: {  	s0 =	sld [smem:$0x3F9C];
	_ =	swait.ge [sflag:s4], $0x0  }
0x19: {  	s7 =	sld [smem:$0x3F9D]  }
0x1a: {  	s8 =	sadd.s32 $0xFFFFE003, lr  }
0x1b: {  	s9 =	sadd.s32 $0xFFFFFEF7, lr;
	s5 =	simm.s32 $0xFFFFFFFF;
	p2 =	slt.u32 s8, $0xFFFFF086  }
0x1c: {  	p1 =	slt.u32 s9, $0xF7A;
	s5 =	simm.s32 @!p2 $0x0  }
0x1d: {  	s5 =	simm.s32 @p1 $0x1;
	p0 =	seq.s32 s7, s2  }
0x1e: {  	s7 =	smul.u32 @!p0 $0xF7A, s2;
	p2 =	seq.s32 @!p0 s5, $0x0  }
0x1f: {  	s9 =	smul.u32 $0xF7A, s1;
	s8 =	simm.s32 @!p0 $0x1BF5;
	p2 =	por !p2, p0  }
0x20: {  	[sflag:s8] =	ssyncset.s32 @!p0 $0xFFFFF086;
	s6 =	sadd.s32 @!p0 s3, s7;
	s7 =	simm.s32 @!p0 $0x108  }
0x21: {  	s3 =	sadd.s32 s3, s9;
	s6 =	sadd.s32 @!p0 $0x88, s6;
	s7 =	simm.s32 @p2 $0x1082  }
0x22: {  	[simem:s7], [sflag:s8] =	dma.local @!p0 [hbm:s6], $0xF7A  }
0x23: {  	s9 =	sor.u32 $0xD0000000, s2;
	s6 =	simm.s32 $0x108;
	_ =	swait.ge @!p0 [sflag:s8], $0x0  }
0x24: {  	s3 =	sadd.s32 $0x88, s3;
	s6 =	simm.s32 @!p1 $0x1082;
	[sflag:s4] =	ssyncset.s32 $0xFFFFF086  }
0x25: {  	[simem:s6], [sflag:s4] =	dma.local [hbm:s3], $0xF7A  }
0x26: {  	[smem:$0x3F9D] =	sst s1;
	(tag) =	ssettag s2;
	_ =	strace s9  }
0x27: {  	s1 =	sld [smem:$0x3FAD]  }
0x28: {  	s2 =	sld [smem:$0x3FAE]  }
0x29: {  	s4 =	sld [smem:$0x3FB0]  }
0x2a: {  	p0 =	seq.s32 s5, $0x0;
	s5 =	sld [smem:$0x3FB1]  }
0x2b: {  	s6 =	sld [smem:$0x3FB2]  }
0x2c: {  	s7 =	sld [smem:$0x3FB3]  }
0x2d: {  	s3 =	simm.s32 $0x108;
	s8 =	sld [smem:$0x3FB4]  }
0x2e: {  	s3 =	simm.s32 @!p0 $0x1082;
	s9 =	sld [smem:$0x3FB5]  }
0x2f: {  	lr =	sadd.s32 s0, s3;
	s0 =	sld [smem:$0x3FAC]  }
0x30: {  	s3 =	sld [smem:$0x3FAF]  }
0x31: {  	[smem:$0x3FB8] =	sst s10  }
0x32: {  	s10 =	sld [smem:$0x3FB6];
	_ =	sdelay $0x3  }
0x33: {  	p0 =	seq.s32 s10, $0x1;
	s10 =	sld [smem:$0x3FB8];
	_ =	sdelay $0x3  }
0x34: {  	[smem:$0x3FB8] =	sst s10  }
0x35: {  	s10 =	sld [smem:$0x3FB7];
	_ =	sdelay $0x3  }
0x36: {  	p1 =	seq.s32 s10, $0x1;
	s10 =	sld [smem:$0x3FB8];
	_ =	sdelay $0x3  }
0x37: {  	[smem:$0x3FB8] =	sst s10  }
0x38: {  	s10 =	sld [smem:$0x3FB9]  }
0x39: {  	_ = 	snop;
	(pc) =	sbr.ind lr, $3  }
0x3a: {  	_ = 	snop  }
0x3b: {  	_ = 	snop  }
0x3c: {  	p2 =	seq.s32 s10, $0x1;
	s10 =	sld [smem:$0x3FB8]  }
0x3d: {  	_ =	shalt  }
0x3e: {  	_ =	shalt  }
0x3f: {  	_ =	shalt  }
0x40: {  	_ =	shalt  }
0x41: {  	_ =	shalt  }
0x42: {  	_ =	shalt  }
0x43: {  	_ =	shalt  }
0x44: {  	_ =	shalt  }
0x45: {  	_ =	shalt  }
0x46: {  	_ =	shalt  }
0x47: {  	_ =	shalt  }
0x48: {  	_ =	shalt  }
0x49: {  	_ =	shalt  }
0x4a: {  	_ =	shalt  }
0x4b: {  	_ =	shalt  }
0x4c: {  	_ =	shalt  }
0x4d: {  	_ =	shalt  }
0x4e: {  	_ =	shalt  }
0x4f: {  	_ =	shalt  }
0x50: {  	_ =	shalt  }
0x51: {  	_ =	shalt  }
0x52: {  	_ =	shalt  }
0x53: {  	_ =	shalt  }
0x54: {  	_ =	shalt  }
0x55: {  	_ =	shalt  }
0x56: {  	_ =	shalt  }
0x57: {  	_ =	shalt  }
0x58: {  	_ =	shalt  }
0x59: {  	_ =	shalt  }
0x5a: {  	_ =	shalt  }
0x5b: {  	_ =	shalt  }
0x5c: {  	_ =	shalt  }
0x5d: {  	_ =	shalt  }
0x5e: {  	_ =	shalt  }
0x5f: {  	_ =	shalt  }
0x60: {  	_ =	shalt  }
0x61: {  	_ =	shalt  }
0x62: {  	_ =	shalt  }
0x63: {  	_ =	shalt  }
0x64: {  	_ =	shalt  }
0x65: {  	_ =	shalt  }
0x66: {  	_ =	shalt  }
0x67: {  	_ =	shalt  }
0x68: {  	_ =	shalt  }
0x69: {  	_ =	shalt  }
0x6a: {  	_ =	shalt  }
0x6b: {  	_ =	shalt  }
0x6c: {  	_ =	shalt  }
0x6d: {  	_ =	shalt  }
0x6e: {  	_ =	shalt  }
0x6f: {  	_ =	shalt  }
0x70: {  	_ =	shalt  }
0x71: {  	_ =	shalt  }
0x72: {  	_ =	shalt  }
0x73: {  	_ =	shalt  }
0x74: {  	_ =	shalt  }
0x75: {  	_ =	shalt  }
0x76: {  	_ =	shalt  }
0x77: {  	_ =	shalt  }
0x78: {  	_ =	shalt  }
0x79: {  	_ =	shalt  }
0x7a: {  	_ =	shalt  }
0x7b: {  	_ =	shalt  }
0x7c: {  	_ =	shalt  }
0x7d: {  	_ =	shalt  }
0x7e: {  	_ =	shalt  }
0x7f: {  	_ =	shalt  }
0x80: {  	_ =	shalt  }
0x81: {  	_ =	shalt  }
0x82: {  	_ =	shalt  }
0x83: {  	_ =	shalt  }
0x84: {  	_ =	shalt  }
0x85: {  	_ =	shalt  }
0x86: {  	_ =	shalt  }
0x87: {  	_ =	shalt  }
.Lfunc_end0:
.L_simem_size_0:
called_computation_lowered:
.L_overlay_start_0:
0x88: {  	s2 =	sld [smem:$0x3FD9]  }
0x89: {  	s3 =	sld [smem:$0x3FFE];
	_ =	sdelay $0x1  }
0x8a: {  	s1 =	srdreg.scid  }
0x8b: {  	s0 =	sand.u32 $0x1, s1  }
0x8c: {  	s17 =	sshll.u32 s0, $0xA;
	s2 =	sadd.s32 s3, s2  }
0x8d: {  	s2 =	sadd.s32 s2, s17  }
0x8e: {  	[smem:$0x3FC4] =	sst s2  }
0x8f: {  	_ = 	snop  }
0x90: {  	(tm) =	ssettm $0x1  }
0x91: {  	s18 =	sld [smem:$0x3FFB];
	_ =	sdelay $0x3  }
0x92: {  	_ =	strace s18  }
0x93: {  	s2 =	sld [smem:$0x3FFC];
	_ =	sdelay $0x3  }
0x94: {  	_ =	strace s2  }
0x95: {  	s2 =	sld [smem:$0x3FFD];
	_ =	sdelay $0x3  }
0x96: {  	_ =	strace s2  }
0x97: {  	_ =	strace $0x8FFFFFFF  }
0x98: {  	s19 =	sld [smem:$0x3FDB];
	_ =	sdelay $0x1  }
0x99: {  	s20 =	simm.s32 $_scs_section_size  }
0x9a: {  	s4 =	simm.s32 $_size__tile_overlayer_lowered;
	s5 =	simm.s32 $_tile_overlayer_lowered  }
0x9b: {  	s6 =	simm.s32 $0x1BFF;
	s21 =	sshll.u32 s5, $0x1;
	s3 =	sadd.s32 s20, s19  }
0x9c: {  	s22 =	simm.s32 $0x0;
	s4 =	sshll.u32 s4, $0x1;
	s5 =	sadd.s32 s21, s3  }
0x9d: {  	[timem:s22], [sflag:s6] =	dma.local [hbm:s5], s4  }
0x9e: {  	_ =	swait.ge [sflag:s6], s4  }
0x9f: {  	s4 =	ssub.s32 $0x0, s4;
	[sflag:s6] =	ssyncset.done $0x0  }
0xa0: {  	[sflag:s6] =	ssyncadd.s32 s4;
	_ =	sdelay $0x1  }
0xa1: {  	s23 =	simm.s32 $0x1B8B  }
0xa2: {  	_ =	swait.ge [sflag:s23], $0x1  }
0xa3: {  	[sflag:s23] =	ssyncset.done $0x0  }
0xa4: {  	[sflag:s23] =	ssyncadd.s32 $0xFFFFFFFF  }
0xa5: {  	s4 =	sld [smem:$0x0]  }
0xa6: {  	s5 =	sand.u32 $0xFFFFFFFE, s1  }
0xa7: {  	p0 =	sne.s32 s1, s5  }
0xa8: {  	s5 =	sshll.u32 @p0 s5, $0xE  }
0xa9: {  	s5 =	sadd.s32 @p0 $0x11B8D, s5;
	s6 =	sshll.u32 @p0 s4, $0x11  }
0xaa: {  	s5 =	sor.u32 @p0 s6, s5  }
0xab: {  	[sflag:s5] =	ssyncadd.remote.s32 @p0 $0x1;
	_ =	sdelay $0x1  }
0xac: {  	s5 =	simm.s32 @p0 $0x1B8D  }
0xad: {  	_ =	swait.eq @p0 [sflag:s5], $0x1  }
0xae: {  	[sflag:s5] =	ssyncadd.s32 @p0 $0xFFFFFFFF  }
0xaf: {  	s6 =	sshll.u32 @!p0 s1, $0xE  }
0xb0: {  	s6 =	sor.u32 @!p0 $0x4000, s6;
	s5 =	simm.s32 @!p0 $0x1B8D  }
0xb1: {  	s4 =	sshll.u32 @!p0 s4, $0x11;
	s6 =	sadd.s32 @!p0 $0x11B8D, s6;
	_ =	swait.eq @!p0 [sflag:s5], $0x1  }
0xb2: {  	s4 =	sor.u32 @!p0 s4, s6;
	[sflag:s5] =	ssyncadd.s32 @!p0 $0xFFFFFFFF  }
0xb3: {  	s25 =	simm.s32 $0x1B8E;
	s24 =	sld [smem:$0x3FFE];
	[sflag:s4] =	ssyncadd.remote.s32 @!p0 $0x1  }
0xb4: {  	s26 =	simm.s32 $execute0_lowered;
	[smem:$0x3FD2] =	sst s25  }
0xb5: {  	s5 =	sshll.u32 s26, $0x1;
	_ =	strace $0x8000004F;
	[dreg:$0x1] =	wrdreg $0xFFFFFFFF  }
0xb6: {  	s28 =	simm.s32 $_size_execute0_lowered;
	s3 =	sadd.s32 s3, s5;
	[dreg:$0x0] =	wrdreg $0x0  }
0xb7: {  	s5 =	sshll.u32 s28, $0x1;
	[dreg:$0x2] =	wrdreg s3  }
0xb8: {  	[dreg:$0x3] =	wrdreg s5  }
0xb9: {  	[dreg:$0x4] =	wrdreg $0xC0  }
0xba: {  	_ =	task [dreg:s22], $0x5FFFF  }
0xbb: {  	[dreg:$0x1] =	wrdreg $0xFFFFFFFF  }
0xbc: {  	[dreg:$0x0] =	wrdreg $0x60  }
0xbd: {  	[dreg:$0x2] =	wrdreg s24  }
0xbe: {  	[dreg:$0x3] =	wrdreg $0x9  }
0xbf: {  	_ =	task.clear_ibuf [dreg:s22], $0x4FFFF;
	_ =	strace $0x9000004F  }
0xc0: {  	s29 =	simm.s32 $0x9;
	_ =	strace $0x80000051  }
0xc1: {  	_ =	swait.ge [sflag:s29], $0x1  }
0xc2: {  	[sflag:s29] =	ssyncadd.s32 $0xFFFFFFFF  }
0xc3: {  	_ =	strace $0x90000051  }
0xc4: {  	_ =	sfence  }
0xc5: {  	s30 =	sld [smem:$0x0];
	_ =	sdelay $0x2  }
0xc6: {  	s31 =	sshll.u32 s1, $0xD;
	s1 =	sshrl.u32 s1, $0x2  }
0xc7: {  	s4 =	sand.u32 $0x4000, s31;
	s1 =	sadd.s32 s1, s30  }
0xc8: {  	s0 =	sor.u32 s4, s0;
	s1 =	sshll.u32 s1, $0x11  }
0xc9: {  	s0 =	sor.u32 s1, s0  }
0xca: {  	s0 =	sadd.s32 $0x8F2B, s0  }
0xcb: {  	[sflag:s0] =	ssyncadd.remote.s32 $0x1  }
0xcc: {  	_ =	sfence.sel $0xFFFF  }
0xcd: {  	[dreg:$0x0] =	wrdreg $0xFFFFFFFF;
	(pc) =	sbr.abs _section_cstart, $3  }
0xce: {  	[dreg:$0x1] =	wrdreg $0xFFFFFFFF  }
0xcf: {  	_ =	task.clear_ibuf [dreg:s22], $0x2FFFF;
	_ =	strace $0x9FFFFFFF  }
0xd0: {  	(tm) =	ssettm $0x7FFFFFFF  }
0xd1: {  	_ =	shalt  }
tec
execute0_lowered:
.L_overlay_start_1:
0x0: {  	(tag) =	ssettag $0x1  }
0x1: {  	s1 =	srdreg.scid  }
0x2: {  	s0 =	stileid.u32;
	s4 =	rddreg [dreg:$0x0]  }
0x3: {  	s2 =	simm.s32 $0x0;
	s12 =	simm.s32 $0x1900;
	s13 =	simm.s32 $0x3900  }
0x4: {  	s15 =	simm.s32 $0x5900;
	s17 =	simm.s32 $0x7900;
	s18 =	simm.s32 $0x200  }
0x5: {  	s19 =	simm.s32 $0x9900;
	s20 =	simm.s32 $0x1;
	s21 =	simm.s32 $0x2  }
0x6: {  	s22 =	simm.s32 $0x3;
	s23 =	simm.s32 $0x4;
	s24 =	simm.s32 $0x5  }
0x7: {  	s25 =	simm.s32 $0x0;
	s6 =	sand.u32 $0x1, s1;
	s5 =	smul.u32 $0x64, s0  }
0x8: {  	s29 =	sshll.u32 s0, $0x1;
	[smem:$0x7FF] =	sst s2;
	s30 =	smul.u32 $0x19000, s0  }
0x9: {  	s11 =	sadd.s32 $0x4C4800, s4;
	s7 =	ssub.s32 $0x2, s6;
	s8 =	smul.u32 $0x32, s6  }
0xa: {  	s3 =	sor.u32 s6, s29;
	s31 =	smul.u32 $0xC800, s6;
	s10 =	sshrl.u32 s7, $0x1  }
0xb: {  	_ =	strace $0x80000050;
	s3 =	smul.u32 $0x320, s3;
	s7 =	ssub.s32 s7, s10  }
.Ltmp0:
0xc: {  	s5 =	sadd.s32 s8, s5;
	s10 =	simm.s32 $0x6;
	(pc) =	sbr.rel .LBB2_1-.Ltmp0, $4  }
0xd: {  	s9 =	sadd.s32 s3, s4;
	s3 =	sadd.s32 $0xF44000, s4;
	s8 =	sshll.u32 s5, $0xA  }
0xe: {  	s5 =	smax.u32 s7, $0x1;
	s4 =	sadd.s32 $0x4BE400, s9;
	s8 =	sadd.s32 s8, s11  }
0xf: {  	s9 =	sadd.s32 s30, s11;
	s11 =	simm.s32 $0x80;
	s6 =	sadd.s32 $0x1000, s8  }
0x10: {  	s7 =	sadd.s32 $0xC00, s8;
	s8 =	sadd.s32 $0x400, s8;
	s9 =	sadd.s32 s31, s9  }
.LBB2_4:
0x11: {  	s25 =	sadd.s32 $0x1, s25  }
0x12: {  	p0 =	sne.s32 s25, s5  }
.Ltmp1:
0x13: {  	_ = 	snop;
	(pc) =	sbr.rel @!p0 .LBB2_5-.Ltmp1, $1  }
0x14: {  	_ =	sdelay $0x3  }
.LBB2_1:
0x15: {  	[tilespmem:s2], [sflag:$0x6] =	stream.linear.gather [hbm4b:s4+s2], $0x1900, $0x38;
	[tilespmem:$0xB900] =	vst v63  }
0x16: {  	_ =	swait.ge [sflag:s10], $0x1900  }
0x17: {  	[sflag:s10] =	ssyncset.done $0x0  }
0x18: {  	[sflag:s10] =	ssyncadd.s32 $0xFFFFE700  }
0x19: {  	[tilespmem:s12], [sflag:$0x1] =	stream.indirect.gather [hbm4b:s3+s11], $0x40, s2, s11, $0xb8;
	[tilespmem:$0xB900] =	vst v63  }
0x1a: {  	_ = 	snop  }
0x1b: {  	[tilespmem:s13], [sflag:$0x2] =	stream.indirect.gather [hbm4b:s3+s11], $0x40, s11, s11, $0xb8;
	[tilespmem:$0xB900] =	vst v63  }
0x1c: {  	s0 =	simm.s32 $0x100  }
0x1d: {  	[tilespmem:s15], [sflag:$0x3] =	stream.indirect.gather [hbm4b:s3+s11], $0x40, s0, s11, $0xb8;
	[tilespmem:$0xB900] =	vst v63  }
0x1e: {  	s26 =	simm.s32 $0x180;
	s28 =	smov.u32 s8;
	s29 =	smov.u32 s7  }
0x1f: {  	[tilespmem:s17], [sflag:$0x4] =	stream.indirect.gather [hbm4b:s3+s11], $0x40, s26, s11, $0xb8;
	[tilespmem:$0xB900] =	vst v63  }
0x20: {  	s30 =	smov.u32 s6;
	s31 =	simm.s32 $0x0;
	s26 =	smov.u32 s9  }
0x21: {  	[tilespmem:s19], [sflag:$0x5] =	stream.indirect.gather [hbm4b:s3+s11], $0x40, s18, s11, $0xb8;
	[tilespmem:$0xB900] =	vst v63  }
.LBB2_2:
0x22: {  	_ =	swait.ge [sflag:s20], $0x2000  }
0x23: {  	[sflag:s20] =	ssyncset.done $0x0  }
0x24: {  	[sflag:s20] =	ssyncadd.s32 $0xFFFFE000  }
0x25: {  	[hbm4b:s26+s2] =	stream.linear.scatter [tilespmem:s12], [sflag:$0x6], $0x2000, $0x38;
	[tilespmem:$0xB900] =	vst v63  }
0x26: {  	p0 =	seq.s32 s31, $0x5A00;
	_ =	swait.ge [sflag:s10], $0x2000  }
0x27: {  	s1 =	sshra.s32 @!p0 s31, $0x2;
	s14 =	simm.s32 @!p0 $0x80;
	[sflag:s10] =	ssyncset.done $0x0  }
0x28: {  	s16 =	simm.s32 @!p0 $0x1900;
	s0 =	sadd.s32 @!p0 $0x280, s1;
	[sflag:s10] =	ssyncadd.s32 $0xFFFFE000  }
0x29: {  	[tilespmem:s16], [sflag:$0x1] =	stream.indirect.gather @!p0 [hbm4b:s3+s14], $0x40, s0, s14, $0xb8;
	[tilespmem:$0xB900] =	vst v63  }
0x2a: {  	_ =	swait.ge [sflag:s21], $0x2000  }
0x2b: {  	[sflag:s21] =	ssyncset.done $0x0  }
0x2c: {  	[sflag:s21] =	ssyncadd.s32 $0xFFFFE000  }
0x2d: {  	[hbm4b:s28+s2] =	stream.linear.scatter [tilespmem:s13], [sflag:$0x6], $0x2000, $0x38;
	[tilespmem:$0xB900] =	vst v63  }
0x2e: {  	_ =	swait.ge [sflag:s10], $0x2000  }
0x2f: {  	[sflag:s10] =	ssyncset.done $0x0  }
0x30: {  	s0 =	sadd.s32 @!p0 $0x300, s1;
	s16 =	simm.s32 @!p0 $0x3900;
	[sflag:s10] =	ssyncadd.s32 $0xFFFFE000  }
0x31: {  	[tilespmem:s16], [sflag:$0x2] =	stream.indirect.gather @!p0 [hbm4b:s3+s14], $0x40, s0, s14, $0xb8;
	[tilespmem:$0xB900] =	vst v63  }
0x32: {  	_ =	swait.ge [sflag:s22], $0x2000  }
0x33: {  	[sflag:s22] =	ssyncset.done $0x0  }
0x34: {  	s16 =	sadd.s32 $0xFFFFFC00, s29;
	[sflag:s22] =	ssyncadd.s32 $0xFFFFE000  }
0x35: {  	[hbm4b:s16+s2] =	stream.linear.scatter [tilespmem:s15], [sflag:$0x6], $0x2000, $0x38;
	[tilespmem:$0xB900] =	vst v63  }
0x36: {  	_ =	swait.ge [sflag:s10], $0x2000  }
0x37: {  	[sflag:s10] =	ssyncset.done $0x0  }
0x38: {  	s0 =	sadd.s32 @!p0 $0x380, s1;
	s16 =	simm.s32 @!p0 $0x5900;
	[sflag:s10] =	ssyncadd.s32 $0xFFFFE000  }
0x39: {  	[tilespmem:s16], [sflag:$0x3] =	stream.indirect.gather @!p0 [hbm4b:s3+s14], $0x40, s0, s14, $0xb8;
	[tilespmem:$0xB900] =	vst v63  }
0x3a: {  	_ =	swait.ge [sflag:s23], $0x2000  }
0x3b: {  	[sflag:s23] =	ssyncset.done $0x0  }
0x3c: {  	[sflag:s23] =	ssyncadd.s32 $0xFFFFE000  }
0x3d: {  	[hbm4b:s29+s2] =	stream.linear.scatter [tilespmem:s17], [sflag:$0x6], $0x2000, $0x38;
	[tilespmem:$0xB900] =	vst v63  }
0x3e: {  	_ =	swait.ge [sflag:s10], $0x2000  }
0x3f: {  	[sflag:s10] =	ssyncset.done $0x0  }
0x40: {  	s0 =	sadd.s32 @!p0 $0x400, s1;
	s1 =	simm.s32 @!p0 $0x7900;
	[sflag:s10] =	ssyncadd.s32 $0xFFFFE000  }
0x41: {  	[tilespmem:s1], [sflag:$0x4] =	stream.indirect.gather @!p0 [hbm4b:s3+s14], $0x40, s0, s14, $0xb8;
	[tilespmem:$0xB900] =	vst v63  }
0x42: {  	_ =	swait.ge [sflag:s24], $0x2000  }
0x43: {  	[sflag:s24] =	ssyncset.done $0x0  }
.Ltmp2:
0x44: {  	[sflag:s24] =	ssyncadd.s32 $0xFFFFE000;
	(pc) =	sbr.rel @p0 .LBB2_4-.Ltmp2, $4  }
0x45: {  	[hbm4b:s30+s2] =	stream.linear.scatter [tilespmem:s19], [sflag:$0x6], $0x2000, $0x38;
	[tilespmem:$0xB900] =	vst v63  }
0x46: {  	_ =	swait.ge [sflag:s10], $0x2000  }
0x47: {  	[sflag:s10] =	ssyncset.done $0x0  }
0x48: {  	[sflag:s10] =	ssyncadd.s32 $0xFFFFE000  }
.Ltmp3:
0x49: {  	(pc) =	sbr.rel .LBB2_2-.Ltmp3, $4  }
0x4a: {  	s0 =	sshra.s32 s31, $0x2  }
0x4b: {  	s31 =	sadd.s32 $0xA00, s31;
	s30 =	sadd.s32 $0x1400, s30;
	s29 =	sadd.s32 $0x1400, s29  }
0x4c: {  	s28 =	sadd.s32 $0x1400, s28;
	s26 =	sadd.s32 $0x1400, s26;
	s0 =	sadd.s32 $0x480, s0  }
0x4d: {  	[tilespmem:s19], [sflag:$0x5] =	stream.indirect.gather [hbm4b:s3+s11], $0x40, s0, s11, $0xb8;
	[tilespmem:$0xB900] =	vst v63  }
.LBB2_5:
0x4e: {  	_ =	sfence.sel $0x180000  }
0x4f: {  	[bflag:$0x0] =	sbarrier.arrive $0xFFFF  }
0x50: {  	_ =	strace $0x90000050  }
0x51: {  	s0 =	stileid.u32;
	[bflag:$0x2] =	sbarrier.arrive $0xFFFF  }
0x52: {  	p0 =	sne.s32 s0, $0x0;
	s0 =	rddreg [dreg:$0x1]  }
0x53: {  	s0 =	sadd.s32 @!p0 $0x100000, s0  }
0x54: {  	[sflag:s0] =	ssyncadd.tile.s32 @!p0 $0x1;
	_ =	shalt  }
.Lfunc_end2:
_tile_overlayer_lowered:
.L_overlay_start_2:
0x55: {  	(tag) =	ssettag $0x2  }
0x56: {  	s0 =	rddreg [dreg:$0x0];
	s2 =	stileid.u32  }
0x57: {  	s1 =	rddreg [dreg:$0x1];
	p0 =	sne.s32 s2, $0x0  }
0x58: {  	s3 =	rddreg [dreg:$0x2];
	[bflag:$0x3] =	sbarrier.arrive $0xFFFF;
	s2 =	simm.s32 @!p0 $0x1C06  }
0x59: {  	[timem:s3], [sflag:s2] =	dma.local @!p0 [hbm:s0], s1  }
0x5a: {  	s0 =	simm.s32 @!p0 $0x6  }
0x5b: {  	_ =	swait.ge @!p0 [sflag:s0], s1  }
0x5c: {  	s1 =	ssub.s32 @!p0 $0x0, s1;
	[sflag:s0] =	ssyncset.done @!p0 $0x0  }
0x5d: {  	[sflag:s0] =	ssyncadd.s32 @!p0 s1  }
0x5e: {  	[bflag:$0x3] =	sbarrier.arrive $0xFFFF  }
0x5f: {  	_ =	shalt  }

// kernel: kernel.13.cloned.1.call-start
scs
__scs_entry_jumppad:
0x0: {  	(pc) =	sbr.rel $0x88, $3  }
0x1: {  	(tag) =	ssettag $0x0;
	lr =	simm.s32 $0x1  }
0x2: {  	[smem:$0x3F9D] =	sst lr;
	_ =	strace $0xD0000000  }
0x3: {  	_ = 	snop  }
0x4: {  	_ = 	snop  }
0x5: {  	_ = 	snop  }
0x6: {  	_ = 	snop  }
0x7: {  	_ = 	snop  }
__scs_overlays_trampoline_lowered:
0x8: {  	[smem:$0x3FAC] =	sst s0  }
0x9: {  	[smem:$0x3FAD] =	sst s1  }
0xa: {  	[smem:$0x3FAE] =	sst s2  }
0xb: {  	[smem:$0x3FAF] =	sst s3  }
0xc: {  	[smem:$0x3FB0] =	sst s4  }
0xd: {  	[smem:$0x3FB1] =	sst s5  }
0xe: {  	[smem:$0x3FB2] =	sst s6  }
0xf: {  	[smem:$0x3FB3] =	sst s7  }
0x10: {  	[smem:$0x3FB4] =	sst s8  }
0x11: {  	[smem:$0x3FB5] =	sst s9;
	s0 =	simm.s32 @!p0 $0x0  }
0x12: {  	s1 =	sld [smem:$0x3F9B];
	s0 =	simm.s32 @p0 $0x1  }
0x13: {  	[smem:$0x3FB6] =	sst s0;
	s0 =	simm.s32 @!p1 $0x0  }
0x14: {  	s2 =	sld [smem:$0x3F9A];
	s0 =	simm.s32 @p1 $0x1  }
0x15: {  	[smem:$0x3FB7] =	sst s0;
	s0 =	simm.s32 @!p2 $0x0  }
0x16: {  	s3 =	sld [smem:$0x3FDB];
	s0 =	simm.s32 @p2 $0x1  }
0x17: {  	s4 =	simm.s32 $0x1BF5;
	[smem:$0x3FB9] =	sst s0  }
0x18: {  	s0 =	sld [smem:$0x3F9C];
	_ =	swait.ge [sflag:s4], $0x0  }
0x19: {  	s7 =	sld [smem:$0x3F9D]  }
0x1a: {  	s8 =	sadd.s32 $0xFFFFE003, lr  }
0x1b: {  	s9 =	sadd.s32 $0xFFFFFEF7, lr;
	s5 =	simm.s32 $0xFFFFFFFF;
	p2 =	slt.u32 s8, $0xFFFFF086  }
0x1c: {  	p1 =	slt.u32 s9, $0xF7A;
	s5 =	simm.s32 @!p2 $0x0  }
0x1d: {  	s5 =	simm.s32 @p1 $0x1;
	p0 =	seq.s32 s7, s2  }
0x1e: {  	s7 =	smul.u32 @!p0 $0xF7A, s2;
	p2 =	seq.s32 @!p0 s5, $0x0  }
0x1f: {  	s9 =	smul.u32 $0xF7A, s1;
	s8 =	simm.s32 @!p0 $0x1BF5;
	p2 =	por !p2, p0  }
0x20: {  	[sflag:s8] =	ssyncset.s32 @!p0 $0xFFFFF086;
	s6 =	sadd.s32 @!p0 s3, s7;
	s7 =	simm.s32 @!p0 $0x108  }
0x21: {  	s3 =	sadd.s32 s3, s9;
	s6 =	sadd.s32 @!p0 $0x88, s6;
	s7 =	simm.s32 @p2 $0x1082  }
0x22: {  	[simem:s7], [sflag:s8] =	dma.local @!p0 [hbm:s6], $0xF7A  }
0x23: {  	s9 =	sor.u32 $0xD0000000, s2;
	s6 =	simm.s32 $0x108;
	_ =	swait.ge @!p0 [sflag:s8], $0x0  }
0x24: {  	s3 =	sadd.s32 $0x88, s3;
	s6 =	simm.s32 @!p1 $0x1082;
	[sflag:s4] =	ssyncset.s32 $0xFFFFF086  }
0x25: {  	[simem:s6], [sflag:s4] =	dma.local [hbm:s3], $0xF7A  }
0x26: {  	[smem:$0x3F9D] =	sst s1;
	(tag) =	ssettag s2;
	_ =	strace s9  }
0x27: {  	s1 =	sld [smem:$0x3FAD]  }
0x28: {  	s2 =	sld [smem:$0x3FAE]  }
0x29: {  	s4 =	sld [smem:$0x3FB0]  }
0x2a: {  	p0 =	seq.s32 s5, $0x0;
	s5 =	sld [smem:$0x3FB1]  }
0x2b: {  	s6 =	sld [smem:$0x3FB2]  }
0x2c: {  	s7 =	sld [smem:$0x3FB3]  }
0x2d: {  	s3 =	simm.s32 $0x108;
	s8 =	sld [smem:$0x3FB4]  }
0x2e: {  	s3 =	simm.s32 @!p0 $0x1082;
	s9 =	sld [smem:$0x3FB5]  }
0x2f: {  	lr =	sadd.s32 s0, s3;
	s0 =	sld [smem:$0x3FAC]  }
0x30: {  	s3 =	sld [smem:$0x3FAF]  }
0x31: {  	[smem:$0x3FB8] =	sst s10  }
0x32: {  	s10 =	sld [smem:$0x3FB6];
	_ =	sdelay $0x3  }
0x33: {  	p0 =	seq.s32 s10, $0x1;
	s10 =	sld [smem:$0x3FB8];
	_ =	sdelay $0x3  }
0x34: {  	[smem:$0x3FB8] =	sst s10  }
0x35: {  	s10 =	sld [smem:$0x3FB7];
	_ =	sdelay $0x3  }
0x36: {  	p1 =	seq.s32 s10, $0x1;
	s10 =	sld [smem:$0x3FB8];
	_ =	sdelay $0x3  }
0x37: {  	[smem:$0x3FB8] =	sst s10  }
0x38: {  	s10 =	sld [smem:$0x3FB9]  }
0x39: {  	_ = 	snop;
	(pc) =	sbr.ind lr, $3  }
0x3a: {  	_ = 	snop  }
0x3b: {  	_ = 	snop  }
0x3c: {  	p2 =	seq.s32 s10, $0x1;
	s10 =	sld [smem:$0x3FB8]  }
0x3d: {  	_ =	shalt  }
0x3e: {  	_ =	shalt  }
0x3f: {  	_ =	shalt  }
0x40: {  	_ =	shalt  }
0x41: {  	_ =	shalt  }
0x42: {  	_ =	shalt  }
0x43: {  	_ =	shalt  }
0x44: {  	_ =	shalt  }
0x45: {  	_ =	shalt  }
0x46: {  	_ =	shalt  }
0x47: {  	_ =	shalt  }
0x48: {  	_ =	shalt  }
0x49: {  	_ =	shalt  }
0x4a: {  	_ =	shalt  }
0x4b: {  	_ =	shalt  }
0x4c: {  	_ =	shalt  }
0x4d: {  	_ =	shalt  }
0x4e: {  	_ =	shalt  }
0x4f: {  	_ =	shalt  }
0x50: {  	_ =	shalt  }
0x51: {  	_ =	shalt  }
0x52: {  	_ =	shalt  }
0x53: {  	_ =	shalt  }
0x54: {  	_ =	shalt  }
0x55: {  	_ =	shalt  }
0x56: {  	_ =	shalt  }
0x57: {  	_ =	shalt  }
0x58: {  	_ =	shalt  }
0x59: {  	_ =	shalt  }
0x5a: {  	_ =	shalt  }
0x5b: {  	_ =	shalt  }
0x5c: {  	_ =	shalt  }
0x5d: {  	_ =	shalt  }
0x5e: {  	_ =	shalt  }
0x5f: {  	_ =	shalt  }
0x60: {  	_ =	shalt  }
0x61: {  	_ =	shalt  }
0x62: {  	_ =	shalt  }
0x63: {  	_ =	shalt  }
0x64: {  	_ =	shalt  }
0x65: {  	_ =	shalt  }
0x66: {  	_ =	shalt  }
0x67: {  	_ =	shalt  }
0x68: {  	_ =	shalt  }
0x69: {  	_ =	shalt  }
0x6a: {  	_ =	shalt  }
0x6b: {  	_ =	shalt  }
0x6c: {  	_ =	shalt  }
0x6d: {  	_ =	shalt  }
0x6e: {  	_ =	shalt  }
0x6f: {  	_ =	shalt  }
0x70: {  	_ =	shalt  }
0x71: {  	_ =	shalt  }
0x72: {  	_ =	shalt  }
0x73: {  	_ =	shalt  }
0x74: {  	_ =	shalt  }
0x75: {  	_ =	shalt  }
0x76: {  	_ =	shalt  }
0x77: {  	_ =	shalt  }
0x78: {  	_ =	shalt  }
0x79: {  	_ =	shalt  }
0x7a: {  	_ =	shalt  }
0x7b: {  	_ =	shalt  }
0x7c: {  	_ =	shalt  }
0x7d: {  	_ =	shalt  }
0x7e: {  	_ =	shalt  }
0x7f: {  	_ =	shalt  }
0x80: {  	_ =	shalt  }
0x81: {  	_ =	shalt  }
0x82: {  	_ =	shalt  }
0x83: {  	_ =	shalt  }
0x84: {  	_ =	shalt  }
0x85: {  	_ =	shalt  }
0x86: {  	_ =	shalt  }
0x87: {  	_ =	shalt  }
.Lfunc_end0:
.L_simem_size_0:
called_computation.1_lowered:
.L_overlay_start_0:
0x88: {  	s2 =	sld [smem:$0x3FD9]  }
0x89: {  	s3 =	sld [smem:$0x3FFE];
	_ =	sdelay $0x1  }
0x8a: {  	s1 =	srdreg.scid  }
0x8b: {  	s0 =	sand.u32 $0x1, s1  }
0x8c: {  	s17 =	sshll.u32 s0, $0xA;
	s2 =	sadd.s32 s3, s2  }
0x8d: {  	s2 =	sadd.s32 s2, s17  }
0x8e: {  	[smem:$0x3FC4] =	sst s2  }
0x8f: {  	_ = 	snop  }
0x90: {  	s2 =	sld [smem:$0x3FD0];
	(tm) =	ssettm $0x1  }
0x91: {  	s18 =	sld [smem:$0x3FFB];
	_ =	sdelay $0x3  }
0x92: {  	_ =	strace s18  }
0x93: {  	s3 =	sld [smem:$0x3FFC];
	_ =	sdelay $0x3  }
0x94: {  	_ =	strace s3  }
0x95: {  	s3 =	sld [smem:$0x3FFD];
	_ =	sdelay $0x3  }
0x96: {  	_ =	strace s3  }
0x97: {  	_ =	strace $0x8FFFFFFF  }
0x98: {  	s19 =	sld [smem:$0x3FDB];
	_ =	sdelay $0x1  }
0x99: {  	s4 =	simm.s32 $_scs_section_size  }
0x9a: {  	s5 =	simm.s32 $_size__tile_overlayer_lowered;
	s6 =	simm.s32 $_tile_overlayer_lowered  }
0x9b: {  	s22 =	simm.s32 $0x1BFF;
	s21 =	sshll.u32 s6, $0x1;
	s3 =	sadd.s32 s4, s19  }
0x9c: {  	s7 =	simm.s32 $0x0;
	s20 =	sshll.u32 s5, $0x1;
	s5 =	sadd.s32 s21, s3  }
0x9d: {  	[timem:s7], [sflag:s22] =	dma.local [hbm:s5], s20  }
0x9e: {  	_ =	swait.ge [sflag:s22], s20  }
0x9f: {  	s4 =	ssub.s32 $0x0, s20;
	[sflag:s22] =	ssyncset.done $0x0  }
0xa0: {  	[sflag:s22] =	ssyncadd.s32 s4;
	_ =	sdelay $0x1  }
0xa1: {  	s23 =	simm.s32 $0x1B8B  }
0xa2: {  	_ =	swait.ge [sflag:s23], $0x1  }
0xa3: {  	[sflag:s23] =	ssyncset.done $0x0  }
0xa4: {  	s25 =	simm.s32 $0x1B8E;
	s24 =	sld [smem:$0x3FFE];
	[sflag:s23] =	ssyncadd.s32 $0xFFFFFFFF  }
0xa5: {  	s26 =	simm.s32 $execute0_lowered;
	[smem:$0x3FD2] =	sst s25  }
0xa6: {  	s5 =	sshll.u32 s26, $0x1;
	_ =	strace $0x80000046;
	[dreg:$0x1] =	wrdreg $0xFFFFFFFF  }
0xa7: {  	s28 =	simm.s32 $_size_execute0_lowered;
	s3 =	sadd.s32 s3, s5;
	[dreg:$0x0] =	wrdreg $0x0  }
0xa8: {  	s5 =	sshll.u32 s28, $0x1;
	[dreg:$0x2] =	wrdreg s3  }
0xa9: {  	[dreg:$0x3] =	wrdreg s5  }
0xaa: {  	[dreg:$0x4] =	wrdreg $0xC0  }
0xab: {  	_ =	task [dreg:s7], $0x5FFFF  }
0xac: {  	[dreg:$0x1] =	wrdreg $0xFFFFFFFF  }
0xad: {  	[dreg:$0x0] =	wrdreg $0x60  }
0xae: {  	[dreg:$0x2] =	wrdreg s2  }
0xaf: {  	[dreg:$0x3] =	wrdreg s24  }
0xb0: {  	[dreg:$0x4] =	wrdreg $0xA  }
0xb1: {  	_ =	task.clear_ibuf [dreg:s7], $0x5FFFF;
	_ =	strace $0x90000046  }
0xb2: {  	s29 =	simm.s32 $0xA;
	_ =	strace $0x80000048  }
0xb3: {  	_ =	swait.ge [sflag:s29], $0x1  }
0xb4: {  	[sflag:s29] =	ssyncadd.s32 $0xFFFFFFFF  }
0xb5: {  	_ =	strace $0x90000048  }
0xb6: {  	_ =	sfence  }
0xb7: {  	s30 =	sld [smem:$0x0];
	_ =	sdelay $0x2  }
0xb8: {  	s31 =	sshll.u32 s1, $0xD;
	s1 =	sshrl.u32 s1, $0x2  }
0xb9: {  	s3 =	sand.u32 $0x4000, s31;
	s1 =	sadd.s32 s1, s30  }
0xba: {  	s0 =	sor.u32 s3, s0;
	s1 =	sshll.u32 s1, $0x11  }
0xbb: {  	s0 =	sor.u32 s1, s0  }
0xbc: {  	s0 =	sadd.s32 $0x8F2B, s0  }
0xbd: {  	[sflag:s0] =	ssyncadd.remote.s32 $0x1  }
0xbe: {  	_ =	sfence.sel $0xFFFF  }
0xbf: {  	[dreg:$0x0] =	wrdreg $0xFFFFFFFF;
	(pc) =	sbr.abs _section_cstart, $3  }
0xc0: {  	[dreg:$0x1] =	wrdreg $0xFFFFFFFF  }
0xc1: {  	_ =	task.clear_ibuf [dreg:s7], $0x2FFFF;
	_ =	strace $0x9FFFFFFF  }
0xc2: {  	(tm) =	ssettm $0x7FFFFFFF  }
0xc3: {  	_ =	shalt  }
tec
execute0_lowered:
.L_overlay_start_1:
0x0: {  	(tag) =	ssettag $0x1  }
0x1: {  	s4 =	rddreg [dreg:$0x0]  }
0x2: {  	s5 =	rddreg [dreg:$0x1];
	s2 =	simm.s32 $0x0  }
0x3: {  	s3 =	srdreg.scid;
	s0 =	stileid.u32;
	s13 =	simm.s32 $0x3900  }
0x4: {  	s15 =	simm.s32 $0x5900;
	s17 =	simm.s32 $0x7900;
	s18 =	simm.s32 $0x200  }
0x5: {  	s19 =	simm.s32 $0x9900;
	s20 =	simm.s32 $0x1;
	s21 =	simm.s32 $0x2  }
0x6: {  	s22 =	simm.s32 $0x3;
	s23 =	simm.s32 $0x4;
	s24 =	simm.s32 $0x5  }
0x7: {  	[smem:$0x7FF] =	sst s2;
	s6 =	sand.u32 $0x1, s3;
	s7 =	smul.u32 $0x64, s0  }
0x8: {  	s25 =	sshll.u32 s0, $0x1;
	s3 =	sadd.s32 $0xF44000, s5;
	s28 =	smul.u32 $0x19000, s0  }
0x9: {  	s12 =	sadd.s32 $0xE400, s5;
	_ =	strace $0x80000047;
	s10 =	smul.u32 $0x32, s6  }
0xa: {  	s8 =	ssub.s32 $0x2, s6;
	s9 =	sor.u32 s6, s25;
	s30 =	smul.u32 $0xC800, s6  }
0xb: {  	s25 =	simm.s32 $0x0;
	s11 =	sshrl.u32 s8, $0x1;
	s9 =	smul.u32 $0x320, s9  }
.Ltmp0:
0xc: {  	s31 =	sadd.s32 s28, s12;
	s26 =	ssub.s32 s8, s11;
	(pc) =	sbr.rel .LBB2_1-.Ltmp0, $4  }
0xd: {  	s7 =	sadd.s32 s10, s7;
	s10 =	simm.s32 $0x6;
	s11 =	simm.s32 $0x80  }
0xe: {  	s4 =	sadd.s32 s4, s9;
	s7 =	sshll.u32 s7, $0xA;
	s5 =	smax.u32 s26, $0x1  }
0xf: {  	s9 =	sadd.s32 s30, s31;
	s29 =	sadd.s32 s7, s12;
	s12 =	simm.s32 $0x1900  }
0x10: {  	s6 =	sadd.s32 $0x1000, s29;
	s7 =	sadd.s32 $0xC00, s29;
	s8 =	sadd.s32 $0x400, s29  }
.LBB2_4:
0x11: {  	s25 =	sadd.s32 $0x1, s25  }
0x12: {  	p0 =	sne.s32 s25, s5  }
.Ltmp1:
0x13: {  	_ = 	snop;
	(pc) =	sbr.rel @!p0 .LBB2_5-.Ltmp1, $1  }
0x14: {  	_ =	sdelay $0x3  }
.LBB2_1:
0x15: {  	[tilespmem:s2], [sflag:$0x6] =	stream.linear.gather [hbm4b:s4+s2], $0x1900, $0x38;
	[tilespmem:$0xB900] =	vst v63  }
0x16: {  	_ =	swait.ge [sflag:s10], $0x1900  }
0x17: {  	[sflag:s10] =	ssyncset.done $0x0  }
0x18: {  	[sflag:s10] =	ssyncadd.s32 $0xFFFFE700  }
0x19: {  	[tilespmem:s12], [sflag:$0x1] =	stream.indirect.gather [hbm4b:s3+s11], $0x40, s2, s11, $0xb8;
	[tilespmem:$0xB900] =	vst v63  }
0x1a: {  	_ = 	snop  }
0x1b: {  	[tilespmem:s13], [sflag:$0x2] =	stream.indirect.gather [hbm4b:s3+s11], $0x40, s11, s11, $0xb8;
	[tilespmem:$0xB900] =	vst v63  }
0x1c: {  	s0 =	simm.s32 $0x100  }
0x1d: {  	[tilespmem:s15], [sflag:$0x3] =	stream.indirect.gather [hbm4b:s3+s11], $0x40, s0, s11, $0xb8;
	[tilespmem:$0xB900] =	vst v63  }
0x1e: {  	s26 =	simm.s32 $0x180;
	s28 =	smov.u32 s8;
	s29 =	smov.u32 s7  }
0x1f: {  	[tilespmem:s17], [sflag:$0x4] =	stream.indirect.gather [hbm4b:s3+s11], $0x40, s26, s11, $0xb8;
	[tilespmem:$0xB900] =	vst v63  }
0x20: {  	s30 =	smov.u32 s6;
	s31 =	simm.s32 $0x0;
	s26 =	smov.u32 s9  }
0x21: {  	[tilespmem:s19], [sflag:$0x5] =	stream.indirect.gather [hbm4b:s3+s11], $0x40, s18, s11, $0xb8;
	[tilespmem:$0xB900] =	vst v63  }
.LBB2_2:
0x22: {  	_ =	swait.ge [sflag:s20], $0x2000  }
0x23: {  	[sflag:s20] =	ssyncset.done $0x0  }
0x24: {  	[sflag:s20] =	ssyncadd.s32 $0xFFFFE000  }
0x25: {  	[hbm4b:s26+s2] =	stream.linear.scatter [tilespmem:s12], [sflag:$0x6], $0x2000, $0x38;
	[tilespmem:$0xB900] =	vst v63  }
0x26: {  	p0 =	seq.s32 s31, $0x5A00;
	_ =	swait.ge [sflag:s10], $0x2000  }
0x27: {  	s0 =	sshra.s32 @!p0 s31, $0x2;
	s14 =	simm.s32 @!p0 $0x80;
	[sflag:s10] =	ssyncset.done $0x0  }
0x28: {  	s16 =	simm.s32 @!p0 $0x1900;
	s1 =	sadd.s32 @!p0 $0x280, s0;
	[sflag:s10] =	ssyncadd.s32 $0xFFFFE000  }
0x29: {  	[tilespmem:s16], [sflag:$0x1] =	stream.indirect.gather @!p0 [hbm4b:s3+s14], $0x40, s1, s14, $0xb8;
	[tilespmem:$0xB900] =	vst v63  }
0x2a: {  	_ =	swait.ge [sflag:s21], $0x2000  }
0x2b: {  	[sflag:s21] =	ssyncset.done $0x0  }
0x2c: {  	[sflag:s21] =	ssyncadd.s32 $0xFFFFE000  }
0x2d: {  	[hbm4b:s28+s2] =	stream.linear.scatter [tilespmem:s13], [sflag:$0x6], $0x2000, $0x38;
	[tilespmem:$0xB900] =	vst v63  }
0x2e: {  	_ =	swait.ge [sflag:s10], $0x2000  }
0x2f: {  	[sflag:s10] =	ssyncset.done $0x0  }
0x30: {  	s1 =	sadd.s32 @!p0 $0x300, s0;
	s16 =	simm.s32 @!p0 $0x3900;
	[sflag:s10] =	ssyncadd.s32 $0xFFFFE000  }
0x31: {  	[tilespmem:s16], [sflag:$0x2] =	stream.indirect.gather @!p0 [hbm4b:s3+s14], $0x40, s1, s14, $0xb8;
	[tilespmem:$0xB900] =	vst v63  }
0x32: {  	_ =	swait.ge [sflag:s22], $0x2000  }
0x33: {  	[sflag:s22] =	ssyncset.done $0x0  }
0x34: {  	s16 =	sadd.s32 $0xFFFFFC00, s29;
	[sflag:s22] =	ssyncadd.s32 $0xFFFFE000  }
0x35: {  	[hbm4b:s16+s2] =	stream.linear.scatter [tilespmem:s15], [sflag:$0x6], $0x2000, $0x38;
	[tilespmem:$0xB900] =	vst v63  }
0x36: {  	_ =	swait.ge [sflag:s10], $0x2000  }
0x37: {  	[sflag:s10] =	ssyncset.done $0x0  }
0x38: {  	s1 =	sadd.s32 @!p0 $0x380, s0;
	s16 =	simm.s32 @!p0 $0x5900;
	[sflag:s10] =	ssyncadd.s32 $0xFFFFE000  }
0x39: {  	[tilespmem:s16], [sflag:$0x3] =	stream.indirect.gather @!p0 [hbm4b:s3+s14], $0x40, s1, s14, $0xb8;
	[tilespmem:$0xB900] =	vst v63  }
0x3a: {  	_ =	swait.ge [sflag:s23], $0x2000  }
0x3b: {  	[sflag:s23] =	ssyncset.done $0x0  }
0x3c: {  	[sflag:s23] =	ssyncadd.s32 $0xFFFFE000  }
0x3d: {  	[hbm4b:s29+s2] =	stream.linear.scatter [tilespmem:s17], [sflag:$0x6], $0x2000, $0x38;
	[tilespmem:$0xB900] =	vst v63  }
0x3e: {  	_ =	swait.ge [sflag:s10], $0x2000  }
0x3f: {  	[sflag:s10] =	ssyncset.done $0x0  }
0x40: {  	s0 =	sadd.s32 @!p0 $0x400, s0;
	s1 =	simm.s32 @!p0 $0x7900;
	[sflag:s10] =	ssyncadd.s32 $0xFFFFE000  }
0x41: {  	[tilespmem:s1], [sflag:$0x4] =	stream.indirect.gather @!p0 [hbm4b:s3+s14], $0x40, s0, s14, $0xb8;
	[tilespmem:$0xB900] =	vst v63  }
0x42: {  	_ =	swait.ge [sflag:s24], $0x2000  }
0x43: {  	[sflag:s24] =	ssyncset.done $0x0  }
.Ltmp2:
0x44: {  	[sflag:s24] =	ssyncadd.s32 $0xFFFFE000;
	(pc) =	sbr.rel @p0 .LBB2_4-.Ltmp2, $4  }
0x45: {  	[hbm4b:s30+s2] =	stream.linear.scatter [tilespmem:s19], [sflag:$0x6], $0x2000, $0x38;
	[tilespmem:$0xB900] =	vst v63  }
0x46: {  	_ =	swait.ge [sflag:s10], $0x2000  }
0x47: {  	[sflag:s10] =	ssyncset.done $0x0  }
0x48: {  	[sflag:s10] =	ssyncadd.s32 $0xFFFFE000  }
.Ltmp3:
0x49: {  	(pc) =	sbr.rel .LBB2_2-.Ltmp3, $4  }
0x4a: {  	s0 =	sshra.s32 s31, $0x2  }
0x4b: {  	s31 =	sadd.s32 $0xA00, s31;
	s30 =	sadd.s32 $0x1400, s30;
	s29 =	sadd.s32 $0x1400, s29  }
0x4c: {  	s28 =	sadd.s32 $0x1400, s28;
	s26 =	sadd.s32 $0x1400, s26;
	s0 =	sadd.s32 $0x480, s0  }
0x4d: {  	[tilespmem:s19], [sflag:$0x5] =	stream.indirect.gather [hbm4b:s3+s11], $0x40, s0, s11, $0xb8;
	[tilespmem:$0xB900] =	vst v63  }
.LBB2_5:
0x4e: {  	_ =	sfence.sel $0x180000  }
0x4f: {  	[bflag:$0x0] =	sbarrier.arrive $0xFFFF  }
0x50: {  	_ =	strace $0x90000047  }
0x51: {  	s0 =	stileid.u32;
	[bflag:$0x2] =	sbarrier.arrive $0xFFFF  }
0x52: {  	p0 =	sne.s32 s0, $0x0;
	s0 =	rddreg [dreg:$0x2]  }
0x53: {  	s0 =	sadd.s32 @!p0 $0x100000, s0  }
0x54: {  	[sflag:s0] =	ssyncadd.tile.s32 @!p0 $0x1;
	_ =	shalt  }
.Lfunc_end2:
_tile_overlayer_lowered:
.L_overlay_start_2:
0x55: {  	(tag) =	ssettag $0x2  }
0x56: {  	s0 =	rddreg [dreg:$0x0];
	s2 =	stileid.u32  }
0x57: {  	s1 =	rddreg [dreg:$0x1];
	p0 =	sne.s32 s2, $0x0  }
0x58: {  	s3 =	rddreg [dreg:$0x2];
	[bflag:$0x3] =	sbarrier.arrive $0xFFFF;
	s2 =	simm.s32 @!p0 $0x1C06  }
0x59: {  	[timem:s3], [sflag:s2] =	dma.local @!p0 [hbm:s0], s1  }
0x5a: {  	s0 =	simm.s32 @!p0 $0x6  }
0x5b: {  	_ =	swait.ge @!p0 [sflag:s0], s1  }
0x5c: {  	s1 =	ssub.s32 @!p0 $0x0, s1;
	[sflag:s0] =	ssyncset.done @!p0 $0x0  }
0x5d: {  	[sflag:s0] =	ssyncadd.s32 @!p0 s1  }
0x5e: {  	[bflag:$0x3] =	sbarrier.arrive $0xFFFF  }
0x5f: {  	_ =	shalt  }

// kernel: kernel.16.cloned.1.call-start
scs
__scs_entry_jumppad:
0x0: {  	(pc) =	sbr.rel $0x88, $3  }
0x1: {  	(tag) =	ssettag $0x0;
	lr =	simm.s32 $0x1  }
0x2: {  	[smem:$0x3F9D] =	sst lr;
	_ =	strace $0xD0000000  }
0x3: {  	_ = 	snop  }
0x4: {  	_ = 	snop  }
0x5: {  	_ = 	snop  }
0x6: {  	_ = 	snop  }
0x7: {  	_ = 	snop  }
__scs_overlays_trampoline_lowered:
0x8: {  	[smem:$0x3FAC] =	sst s0  }
0x9: {  	[smem:$0x3FAD] =	sst s1  }
0xa: {  	[smem:$0x3FAE] =	sst s2  }
0xb: {  	[smem:$0x3FAF] =	sst s3  }
0xc: {  	[smem:$0x3FB0] =	sst s4  }
0xd: {  	[smem:$0x3FB1] =	sst s5  }
0xe: {  	[smem:$0x3FB2] =	sst s6  }
0xf: {  	[smem:$0x3FB3] =	sst s7  }
0x10: {  	[smem:$0x3FB4] =	sst s8  }
0x11: {  	[smem:$0x3FB5] =	sst s9;
	s0 =	simm.s32 @!p0 $0x0  }
0x12: {  	s1 =	sld [smem:$0x3F9B];
	s0 =	simm.s32 @p0 $0x1  }
0x13: {  	[smem:$0x3FB6] =	sst s0;
	s0 =	simm.s32 @!p1 $0x0  }
0x14: {  	s2 =	sld [smem:$0x3F9A];
	s0 =	simm.s32 @p1 $0x1  }
0x15: {  	[smem:$0x3FB7] =	sst s0;
	s0 =	simm.s32 @!p2 $0x0  }
0x16: {  	s3 =	sld [smem:$0x3FDB];
	s0 =	simm.s32 @p2 $0x1  }
0x17: {  	s4 =	simm.s32 $0x1BF5;
	[smem:$0x3FB9] =	sst s0  }
0x18: {  	s0 =	sld [smem:$0x3F9C];
	_ =	swait.ge [sflag:s4], $0x0  }
0x19: {  	s7 =	sld [smem:$0x3F9D]  }
0x1a: {  	s8 =	sadd.s32 $0xFFFFE003, lr  }
0x1b: {  	s9 =	sadd.s32 $0xFFFFFEF7, lr;
	s5 =	simm.s32 $0xFFFFFFFF;
	p2 =	slt.u32 s8, $0xFFFFF086  }
0x1c: {  	p1 =	slt.u32 s9, $0xF7A;
	s5 =	simm.s32 @!p2 $0x0  }
0x1d: {  	s5 =	simm.s32 @p1 $0x1;
	p0 =	seq.s32 s7, s2  }
0x1e: {  	s7 =	smul.u32 @!p0 $0xF7A, s2;
	p2 =	seq.s32 @!p0 s5, $0x0  }
0x1f: {  	s9 =	smul.u32 $0xF7A, s1;
	s8 =	simm.s32 @!p0 $0x1BF5;
	p2 =	por !p2, p0  }
0x20: {  	[sflag:s8] =	ssyncset.s32 @!p0 $0xFFFFF086;
	s6 =	sadd.s32 @!p0 s3, s7;
	s7 =	simm.s32 @!p0 $0x108  }
0x21: {  	s3 =	sadd.s32 s3, s9;
	s6 =	sadd.s32 @!p0 $0x88, s6;
	s7 =	simm.s32 @p2 $0x1082  }
0x22: {  	[simem:s7], [sflag:s8] =	dma.local @!p0 [hbm:s6], $0xF7A  }
0x23: {  	s9 =	sor.u32 $0xD0000000, s2;
	s6 =	simm.s32 $0x108;
	_ =	swait.ge @!p0 [sflag:s8], $0x0  }
0x24: {  	s3 =	sadd.s32 $0x88, s3;
	s6 =	simm.s32 @!p1 $0x1082;
	[sflag:s4] =	ssyncset.s32 $0xFFFFF086  }
0x25: {  	[simem:s6], [sflag:s4] =	dma.local [hbm:s3], $0xF7A  }
0x26: {  	[smem:$0x3F9D] =	sst s1;
	(tag) =	ssettag s2;
	_ =	strace s9  }
0x27: {  	s1 =	sld [smem:$0x3FAD]  }
0x28: {  	s2 =	sld [smem:$0x3FAE]  }
0x29: {  	s4 =	sld [smem:$0x3FB0]  }
0x2a: {  	p0 =	seq.s32 s5, $0x0;
	s5 =	sld [smem:$0x3FB1]  }
0x2b: {  	s6 =	sld [smem:$0x3FB2]  }
0x2c: {  	s7 =	sld [smem:$0x3FB3]  }
0x2d: {  	s3 =	simm.s32 $0x108;
	s8 =	sld [smem:$0x3FB4]  }
0x2e: {  	s3 =	simm.s32 @!p0 $0x1082;
	s9 =	sld [smem:$0x3FB5]  }
0x2f: {  	lr =	sadd.s32 s0, s3;
	s0 =	sld [smem:$0x3FAC]  }
0x30: {  	s3 =	sld [smem:$0x3FAF]  }
0x31: {  	[smem:$0x3FB8] =	sst s10  }
0x32: {  	s10 =	sld [smem:$0x3FB6];
	_ =	sdelay $0x3  }
0x33: {  	p0 =	seq.s32 s10, $0x1;
	s10 =	sld [smem:$0x3FB8];
	_ =	sdelay $0x3  }
0x34: {  	[smem:$0x3FB8] =	sst s10  }
0x35: {  	s10 =	sld [smem:$0x3FB7];
	_ =	sdelay $0x3  }
0x36: {  	p1 =	seq.s32 s10, $0x1;
	s10 =	sld [smem:$0x3FB8];
	_ =	sdelay $0x3  }
0x37: {  	[smem:$0x3FB8] =	sst s10  }
0x38: {  	s10 =	sld [smem:$0x3FB9]  }
0x39: {  	_ = 	snop;
	(pc) =	sbr.ind lr, $3  }
0x3a: {  	_ = 	snop  }
0x3b: {  	_ = 	snop  }
0x3c: {  	p2 =	seq.s32 s10, $0x1;
	s10 =	sld [smem:$0x3FB8]  }
0x3d: {  	_ =	shalt  }
0x3e: {  	_ =	shalt  }
0x3f: {  	_ =	shalt  }
0x40: {  	_ =	shalt  }
0x41: {  	_ =	shalt  }
0x42: {  	_ =	shalt  }
0x43: {  	_ =	shalt  }
0x44: {  	_ =	shalt  }
0x45: {  	_ =	shalt  }
0x46: {  	_ =	shalt  }
0x47: {  	_ =	shalt  }
0x48: {  	_ =	shalt  }
0x49: {  	_ =	shalt  }
0x4a: {  	_ =	shalt  }
0x4b: {  	_ =	shalt  }
0x4c: {  	_ =	shalt  }
0x4d: {  	_ =	shalt  }
0x4e: {  	_ =	shalt  }
0x4f: {  	_ =	shalt  }
0x50: {  	_ =	shalt  }
0x51: {  	_ =	shalt  }
0x52: {  	_ =	shalt  }
0x53: {  	_ =	shalt  }
0x54: {  	_ =	shalt  }
0x55: {  	_ =	shalt  }
0x56: {  	_ =	shalt  }
0x57: {  	_ =	shalt  }
0x58: {  	_ =	shalt  }
0x59: {  	_ =	shalt  }
0x5a: {  	_ =	shalt  }
0x5b: {  	_ =	shalt  }
0x5c: {  	_ =	shalt  }
0x5d: {  	_ =	shalt  }
0x5e: {  	_ =	shalt  }
0x5f: {  	_ =	shalt  }
0x60: {  	_ =	shalt  }
0x61: {  	_ =	shalt  }
0x62: {  	_ =	shalt  }
0x63: {  	_ =	shalt  }
0x64: {  	_ =	shalt  }
0x65: {  	_ =	shalt  }
0x66: {  	_ =	shalt  }
0x67: {  	_ =	shalt  }
0x68: {  	_ =	shalt  }
0x69: {  	_ =	shalt  }
0x6a: {  	_ =	shalt  }
0x6b: {  	_ =	shalt  }
0x6c: {  	_ =	shalt  }
0x6d: {  	_ =	shalt  }
0x6e: {  	_ =	shalt  }
0x6f: {  	_ =	shalt  }
0x70: {  	_ =	shalt  }
0x71: {  	_ =	shalt  }
0x72: {  	_ =	shalt  }
0x73: {  	_ =	shalt  }
0x74: {  	_ =	shalt  }
0x75: {  	_ =	shalt  }
0x76: {  	_ =	shalt  }
0x77: {  	_ =	shalt  }
0x78: {  	_ =	shalt  }
0x79: {  	_ =	shalt  }
0x7a: {  	_ =	shalt  }
0x7b: {  	_ =	shalt  }
0x7c: {  	_ =	shalt  }
0x7d: {  	_ =	shalt  }
0x7e: {  	_ =	shalt  }
0x7f: {  	_ =	shalt  }
0x80: {  	_ =	shalt  }
0x81: {  	_ =	shalt  }
0x82: {  	_ =	shalt  }
0x83: {  	_ =	shalt  }
0x84: {  	_ =	shalt  }
0x85: {  	_ =	shalt  }
0x86: {  	_ =	shalt  }
0x87: {  	_ =	shalt  }
.Lfunc_end0:
.L_simem_size_0:
called_computation.2_lowered:
.L_overlay_start_0:
0x88: {  	s2 =	sld [smem:$0x3FD9]  }
0x89: {  	s3 =	sld [smem:$0x3FFE];
	_ =	sdelay $0x1  }
0x8a: {  	s1 =	srdreg.scid  }
0x8b: {  	s0 =	sand.u32 $0x1, s1  }
0x8c: {  	s17 =	sshll.u32 s0, $0xA;
	s2 =	sadd.s32 s3, s2  }
0x8d: {  	s2 =	sadd.s32 s2, s17  }
0x8e: {  	[smem:$0x3FC4] =	sst s2  }
0x8f: {  	_ = 	snop  }
0x90: {  	(tm) =	ssettm $0x1  }
0x91: {  	s18 =	sld [smem:$0x3FFB];
	_ =	sdelay $0x3  }
0x92: {  	_ =	strace s18  }
0x93: {  	s2 =	sld [smem:$0x3FFC];
	_ =	sdelay $0x3  }
0x94: {  	_ =	strace s2  }
0x95: {  	s2 =	sld [smem:$0x3FFD];
	_ =	sdelay $0x3  }
0x96: {  	_ =	strace s2  }
0x97: {  	_ =	strace $0x8FFFFFFF  }
0x98: {  	s19 =	sld [smem:$0x3FDB];
	_ =	sdelay $0x1  }
0x99: {  	s20 =	simm.s32 $_scs_section_size  }
0x9a: {  	s4 =	simm.s32 $_size__tile_overlayer_lowered;
	s5 =	simm.s32 $_tile_overlayer_lowered  }
0x9b: {  	s6 =	simm.s32 $0x1BFF;
	s21 =	sshll.u32 s5, $0x1;
	s3 =	sadd.s32 s20, s19  }
0x9c: {  	s22 =	simm.s32 $0x0;
	s4 =	sshll.u32 s4, $0x1;
	s5 =	sadd.s32 s21, s3  }
0x9d: {  	[timem:s22], [sflag:s6] =	dma.local [hbm:s5], s4  }
0x9e: {  	_ =	swait.ge [sflag:s6], s4  }
0x9f: {  	s4 =	ssub.s32 $0x0, s4;
	[sflag:s6] =	ssyncset.done $0x0  }
0xa0: {  	[sflag:s6] =	ssyncadd.s32 s4;
	_ =	sdelay $0x1  }
0xa1: {  	s23 =	simm.s32 $0x1B8B  }
0xa2: {  	_ =	swait.ge [sflag:s23], $0x1  }
0xa3: {  	[sflag:s23] =	ssyncset.done $0x0  }
0xa4: {  	[sflag:s23] =	ssyncadd.s32 $0xFFFFFFFF  }
0xa5: {  	s4 =	sld [smem:$0x0]  }
0xa6: {  	s5 =	sand.u32 $0xFFFFFFFE, s1  }
0xa7: {  	p0 =	sne.s32 s1, s5  }
0xa8: {  	s5 =	sshll.u32 @p0 s5, $0xE  }
0xa9: {  	s5 =	sadd.s32 @p0 $0x11B8D, s5;
	s6 =	sshll.u32 @p0 s4, $0x11  }
0xaa: {  	s5 =	sor.u32 @p0 s6, s5  }
0xab: {  	[sflag:s5] =	ssyncadd.remote.s32 @p0 $0x1;
	_ =	sdelay $0x1  }
0xac: {  	s5 =	simm.s32 @p0 $0x1B8D  }
0xad: {  	_ =	swait.eq @p0 [sflag:s5], $0x1  }
0xae: {  	[sflag:s5] =	ssyncadd.s32 @p0 $0xFFFFFFFF  }
0xaf: {  	s6 =	sshll.u32 @!p0 s1, $0xE  }
0xb0: {  	s6 =	sor.u32 @!p0 $0x4000, s6;
	s5 =	simm.s32 @!p0 $0x1B8D  }
0xb1: {  	s4 =	sshll.u32 @!p0 s4, $0x11;
	s6 =	sadd.s32 @!p0 $0x11B8D, s6;
	_ =	swait.eq @!p0 [sflag:s5], $0x1  }
0xb2: {  	s4 =	sor.u32 @!p0 s4, s6;
	[sflag:s5] =	ssyncadd.s32 @!p0 $0xFFFFFFFF  }
0xb3: {  	s25 =	simm.s32 $0x1B8E;
	s24 =	sld [smem:$0x3FFE];
	[sflag:s4] =	ssyncadd.remote.s32 @!p0 $0x1  }
0xb4: {  	s26 =	simm.s32 $execute0_lowered;
	[smem:$0x3FD2] =	sst s25  }
0xb5: {  	s5 =	sshll.u32 s26, $0x1;
	_ =	strace $0x80000049;
	[dreg:$0x1] =	wrdreg $0xFFFFFFFF  }
0xb6: {  	s28 =	simm.s32 $_size_execute0_lowered;
	s3 =	sadd.s32 s3, s5;
	[dreg:$0x0] =	wrdreg $0x0  }
0xb7: {  	s5 =	sshll.u32 s28, $0x1;
	[dreg:$0x2] =	wrdreg s3  }
0xb8: {  	[dreg:$0x3] =	wrdreg s5  }
0xb9: {  	[dreg:$0x4] =	wrdreg $0xC0  }
0xba: {  	_ =	task [dreg:s22], $0x5FFFF  }
0xbb: {  	[dreg:$0x1] =	wrdreg $0xFFFFFFFF  }
0xbc: {  	[dreg:$0x0] =	wrdreg $0x60  }
0xbd: {  	[dreg:$0x2] =	wrdreg s24  }
0xbe: {  	[dreg:$0x3] =	wrdreg $0xB  }
0xbf: {  	_ =	task.clear_ibuf [dreg:s22], $0x4FFFF;
	_ =	strace $0x90000049  }
0xc0: {  	s29 =	simm.s32 $0xB;
	_ =	strace $0x8000004B  }
0xc1: {  	_ =	swait.ge [sflag:s29], $0x1  }
0xc2: {  	[sflag:s29] =	ssyncadd.s32 $0xFFFFFFFF  }
0xc3: {  	_ =	strace $0x9000004B  }
0xc4: {  	_ =	sfence  }
0xc5: {  	s30 =	sld [smem:$0x0];
	_ =	sdelay $0x2  }
0xc6: {  	s31 =	sshll.u32 s1, $0xD;
	s1 =	sshrl.u32 s1, $0x2  }
0xc7: {  	s4 =	sand.u32 $0x4000, s31;
	s1 =	sadd.s32 s1, s30  }
0xc8: {  	s0 =	sor.u32 s4, s0;
	s1 =	sshll.u32 s1, $0x11  }
0xc9: {  	s0 =	sor.u32 s1, s0  }
0xca: {  	s0 =	sadd.s32 $0x8F2B, s0  }
0xcb: {  	[sflag:s0] =	ssyncadd.remote.s32 $0x1  }
0xcc: {  	_ =	sfence.sel $0xFFFF  }
0xcd: {  	[dreg:$0x0] =	wrdreg $0xFFFFFFFF;
	(pc) =	sbr.abs _section_cstart, $3  }
0xce: {  	[dreg:$0x1] =	wrdreg $0xFFFFFFFF  }
0xcf: {  	_ =	task.clear_ibuf [dreg:s22], $0x2FFFF;
	_ =	strace $0x9FFFFFFF  }
0xd0: {  	(tm) =	ssettm $0x7FFFFFFF  }
0xd1: {  	_ =	shalt  }
tec
execute0_lowered:
.L_overlay_start_1:
0x0: {  	(tag) =	ssettag $0x1  }
0x1: {  	s1 =	srdreg.scid  }
0x2: {  	s0 =	stileid.u32;
	s4 =	rddreg [dreg:$0x0]  }
0x3: {  	s2 =	simm.s32 $0x0;
	s12 =	simm.s32 $0x1900;
	s13 =	simm.s32 $0x3900  }
0x4: {  	s15 =	simm.s32 $0x5900;
	s17 =	simm.s32 $0x7900;
	s18 =	simm.s32 $0x200  }
0x5: {  	s19 =	simm.s32 $0x9900;
	s20 =	simm.s32 $0x1;
	s21 =	simm.s32 $0x2  }
0x6: {  	s22 =	simm.s32 $0x3;
	s23 =	simm.s32 $0x4;
	s24 =	simm.s32 $0x5  }
0x7: {  	s25 =	simm.s32 $0x0;
	s6 =	sand.u32 $0x1, s1;
	s5 =	smul.u32 $0x64, s0  }
0x8: {  	s29 =	sshll.u32 s0, $0x1;
	[smem:$0x7FF] =	sst s2;
	s30 =	smul.u32 $0x19000, s0  }
0x9: {  	s11 =	sadd.s32 $0x19E400, s4;
	s7 =	ssub.s32 $0x2, s6;
	s8 =	smul.u32 $0x32, s6  }
0xa: {  	s3 =	sor.u32 s6, s29;
	s31 =	smul.u32 $0xC800, s6;
	s10 =	sshrl.u32 s7, $0x1  }
0xb: {  	_ =	strace $0x8000004A;
	s3 =	smul.u32 $0x320, s3;
	s7 =	ssub.s32 s7, s10  }
.Ltmp0:
0xc: {  	s5 =	sadd.s32 s8, s5;
	s10 =	simm.s32 $0x6;
	(pc) =	sbr.rel .LBB2_1-.Ltmp0, $4  }
0xd: {  	s9 =	sadd.s32 s3, s4;
	s3 =	sadd.s32 $0xF44000, s4;
	s8 =	sshll.u32 s5, $0xA  }
0xe: {  	s5 =	smax.u32 s7, $0x1;
	s4 =	sadd.s32 $0x1C00, s9;
	s8 =	sadd.s32 s8, s11  }
0xf: {  	s9 =	sadd.s32 s30, s11;
	s11 =	simm.s32 $0x80;
	s6 =	sadd.s32 $0x1000, s8  }
0x10: {  	s7 =	sadd.s32 $0xC00, s8;
	s8 =	sadd.s32 $0x400, s8;
	s9 =	sadd.s32 s31, s9  }
.LBB2_4:
0x11: {  	s25 =	sadd.s32 $0x1, s25  }
0x12: {  	p0 =	sne.s32 s25, s5  }
.Ltmp1:
0x13: {  	_ = 	snop;
	(pc) =	sbr.rel @!p0 .LBB2_5-.Ltmp1, $1  }
0x14: {  	_ =	sdelay $0x3  }
.LBB2_1:
0x15: {  	[tilespmem:s2], [sflag:$0x6] =	stream.linear.gather [hbm4b:s4+s2], $0x1900, $0x38;
	[tilespmem:$0xB900] =	vst v63  }
0x16: {  	_ =	swait.ge [sflag:s10], $0x1900  }
0x17: {  	[sflag:s10] =	ssyncset.done $0x0  }
0x18: {  	[sflag:s10] =	ssyncadd.s32 $0xFFFFE700  }
0x19: {  	[tilespmem:s12], [sflag:$0x1] =	stream.indirect.gather [hbm4b:s3+s11], $0x40, s2, s11, $0xb8;
	[tilespmem:$0xB900] =	vst v63  }
0x1a: {  	_ = 	snop  }
0x1b: {  	[tilespmem:s13], [sflag:$0x2] =	stream.indirect.gather [hbm4b:s3+s11], $0x40, s11, s11, $0xb8;
	[tilespmem:$0xB900] =	vst v63  }
0x1c: {  	s0 =	simm.s32 $0x100  }
0x1d: {  	[tilespmem:s15], [sflag:$0x3] =	stream.indirect.gather [hbm4b:s3+s11], $0x40, s0, s11, $0xb8;
	[tilespmem:$0xB900] =	vst v63  }
0x1e: {  	s26 =	simm.s32 $0x180;
	s28 =	smov.u32 s8;
	s29 =	smov.u32 s7  }
0x1f: {  	[tilespmem:s17], [sflag:$0x4] =	stream.indirect.gather [hbm4b:s3+s11], $0x40, s26, s11, $0xb8;
	[tilespmem:$0xB900] =	vst v63  }
0x20: {  	s30 =	smov.u32 s6;
	s31 =	simm.s32 $0x0;
	s26 =	smov.u32 s9  }
0x21: {  	[tilespmem:s19], [sflag:$0x5] =	stream.indirect.gather [hbm4b:s3+s11], $0x40, s18, s11, $0xb8;
	[tilespmem:$0xB900] =	vst v63  }
.LBB2_2:
0x22: {  	_ =	swait.ge [sflag:s20], $0x2000  }
0x23: {  	[sflag:s20] =	ssyncset.done $0x0  }
0x24: {  	[sflag:s20] =	ssyncadd.s32 $0xFFFFE000  }
0x25: {  	[hbm4b:s26+s2] =	stream.linear.scatter [tilespmem:s12], [sflag:$0x6], $0x2000, $0x38;
	[tilespmem:$0xB900] =	vst v63  }
0x26: {  	p0 =	seq.s32 s31, $0x5A00;
	_ =	swait.ge [sflag:s10], $0x2000  }
0x27: {  	s1 =	sshra.s32 @!p0 s31, $0x2;
	s14 =	simm.s32 @!p0 $0x80;
	[sflag:s10] =	ssyncset.done $0x0  }
0x28: {  	s16 =	simm.s32 @!p0 $0x1900;
	s0 =	sadd.s32 @!p0 $0x280, s1;
	[sflag:s10] =	ssyncadd.s32 $0xFFFFE000  }
0x29: {  	[tilespmem:s16], [sflag:$0x1] =	stream.indirect.gather @!p0 [hbm4b:s3+s14], $0x40, s0, s14, $0xb8;
	[tilespmem:$0xB900] =	vst v63  }
0x2a: {  	_ =	swait.ge [sflag:s21], $0x2000  }
0x2b: {  	[sflag:s21] =	ssyncset.done $0x0  }
0x2c: {  	[sflag:s21] =	ssyncadd.s32 $0xFFFFE000  }
0x2d: {  	[hbm4b:s28+s2] =	stream.linear.scatter [tilespmem:s13], [sflag:$0x6], $0x2000, $0x38;
	[tilespmem:$0xB900] =	vst v63  }
0x2e: {  	_ =	swait.ge [sflag:s10], $0x2000  }
0x2f: {  	[sflag:s10] =	ssyncset.done $0x0  }
0x30: {  	s0 =	sadd.s32 @!p0 $0x300, s1;
	s16 =	simm.s32 @!p0 $0x3900;
	[sflag:s10] =	ssyncadd.s32 $0xFFFFE000  }
0x31: {  	[tilespmem:s16], [sflag:$0x2] =	stream.indirect.gather @!p0 [hbm4b:s3+s14], $0x40, s0, s14, $0xb8;
	[tilespmem:$0xB900] =	vst v63  }
0x32: {  	_ =	swait.ge [sflag:s22], $0x2000  }
0x33: {  	[sflag:s22] =	ssyncset.done $0x0  }
0x34: {  	s16 =	sadd.s32 $0xFFFFFC00, s29;
	[sflag:s22] =	ssyncadd.s32 $0xFFFFE000  }
0x35: {  	[hbm4b:s16+s2] =	stream.linear.scatter [tilespmem:s15], [sflag:$0x6], $0x2000, $0x38;
	[tilespmem:$0xB900] =	vst v63  }
0x36: {  	_ =	swait.ge [sflag:s10], $0x2000  }
0x37: {  	[sflag:s10] =	ssyncset.done $0x0  }
0x38: {  	s0 =	sadd.s32 @!p0 $0x380, s1;
	s16 =	simm.s32 @!p0 $0x5900;
	[sflag:s10] =	ssyncadd.s32 $0xFFFFE000  }
0x39: {  	[tilespmem:s16], [sflag:$0x3] =	stream.indirect.gather @!p0 [hbm4b:s3+s14], $0x40, s0, s14, $0xb8;
	[tilespmem:$0xB900] =	vst v63  }
0x3a: {  	_ =	swait.ge [sflag:s23], $0x2000  }
0x3b: {  	[sflag:s23] =	ssyncset.done $0x0  }
0x3c: {  	[sflag:s23] =	ssyncadd.s32 $0xFFFFE000  }
0x3d: {  	[hbm4b:s29+s2] =	stream.linear.scatter [tilespmem:s17], [sflag:$0x6], $0x2000, $0x38;
	[tilespmem:$0xB900] =	vst v63  }
0x3e: {  	_ =	swait.ge [sflag:s10], $0x2000  }
0x3f: {  	[sflag:s10] =	ssyncset.done $0x0  }
0x40: {  	s0 =	sadd.s32 @!p0 $0x400, s1;
	s1 =	simm.s32 @!p0 $0x7900;
	[sflag:s10] =	ssyncadd.s32 $0xFFFFE000  }
0x41: {  	[tilespmem:s1], [sflag:$0x4] =	stream.indirect.gather @!p0 [hbm4b:s3+s14], $0x40, s0, s14, $0xb8;
	[tilespmem:$0xB900] =	vst v63  }
0x42: {  	_ =	swait.ge [sflag:s24], $0x2000  }
0x43: {  	[sflag:s24] =	ssyncset.done $0x0  }
.Ltmp2:
0x44: {  	[sflag:s24] =	ssyncadd.s32 $0xFFFFE000;
	(pc) =	sbr.rel @p0 .LBB2_4-.Ltmp2, $4  }
0x45: {  	[hbm4b:s30+s2] =	stream.linear.scatter [tilespmem:s19], [sflag:$0x6], $0x2000, $0x38;
	[tilespmem:$0xB900] =	vst v63  }
0x46: {  	_ =	swait.ge [sflag:s10], $0x2000  }
0x47: {  	[sflag:s10] =	ssyncset.done $0x0  }
0x48: {  	[sflag:s10] =	ssyncadd.s32 $0xFFFFE000  }
.Ltmp3:
0x49: {  	(pc) =	sbr.rel .LBB2_2-.Ltmp3, $4  }
0x4a: {  	s0 =	sshra.s32 s31, $0x2  }
0x4b: {  	s31 =	sadd.s32 $0xA00, s31;
	s30 =	sadd.s32 $0x1400, s30;
	s29 =	sadd.s32 $0x1400, s29  }
0x4c: {  	s28 =	sadd.s32 $0x1400, s28;
	s26 =	sadd.s32 $0x1400, s26;
	s0 =	sadd.s32 $0x480, s0  }
0x4d: {  	[tilespmem:s19], [sflag:$0x5] =	stream.indirect.gather [hbm4b:s3+s11], $0x40, s0, s11, $0xb8;
	[tilespmem:$0xB900] =	vst v63  }
.LBB2_5:
0x4e: {  	_ =	sfence.sel $0x180000  }
0x4f: {  	[bflag:$0x0] =	sbarrier.arrive $0xFFFF  }
0x50: {  	_ =	strace $0x9000004A  }
0x51: {  	s0 =	stileid.u32;
	[bflag:$0x2] =	sbarrier.arrive $0xFFFF  }
0x52: {  	p0 =	sne.s32 s0, $0x0;
	s0 =	rddreg [dreg:$0x1]  }
0x53: {  	s0 =	sadd.s32 @!p0 $0x100000, s0  }
0x54: {  	[sflag:s0] =	ssyncadd.tile.s32 @!p0 $0x1;
	_ =	shalt  }
.Lfunc_end2:
_tile_overlayer_lowered:
.L_overlay_start_2:
0x55: {  	(tag) =	ssettag $0x2  }
0x56: {  	s0 =	rddreg [dreg:$0x0];
	s2 =	stileid.u32  }
0x57: {  	s1 =	rddreg [dreg:$0x1];
	p0 =	sne.s32 s2, $0x0  }
0x58: {  	s3 =	rddreg [dreg:$0x2];
	[bflag:$0x3] =	sbarrier.arrive $0xFFFF;
	s2 =	simm.s32 @!p0 $0x1C06  }
0x59: {  	[timem:s3], [sflag:s2] =	dma.local @!p0 [hbm:s0], s1  }
0x5a: {  	s0 =	simm.s32 @!p0 $0x6  }
0x5b: {  	_ =	swait.ge @!p0 [sflag:s0], s1  }
0x5c: {  	s1 =	ssub.s32 @!p0 $0x0, s1;
	[sflag:s0] =	ssyncset.done @!p0 $0x0  }
0x5d: {  	[sflag:s0] =	ssyncadd.s32 @!p0 s1  }
0x5e: {  	[bflag:$0x3] =	sbarrier.arrive $0xFFFF  }
0x5f: {  	_ =	shalt  }

// kernel: kernel.19.cloned.1.call-start
scs
__scs_entry_jumppad:
0x0: {  	(pc) =	sbr.rel $0x88, $3  }
0x1: {  	(tag) =	ssettag $0x0;
	lr =	simm.s32 $0x1  }
0x2: {  	[smem:$0x3F9D] =	sst lr;
	_ =	strace $0xD0000000  }
0x3: {  	_ = 	snop  }
0x4: {  	_ = 	snop  }
0x5: {  	_ = 	snop  }
0x6: {  	_ = 	snop  }
0x7: {  	_ = 	snop  }
__scs_overlays_trampoline_lowered:
0x8: {  	[smem:$0x3FAC] =	sst s0  }
0x9: {  	[smem:$0x3FAD] =	sst s1  }
0xa: {  	[smem:$0x3FAE] =	sst s2  }
0xb: {  	[smem:$0x3FAF] =	sst s3  }
0xc: {  	[smem:$0x3FB0] =	sst s4  }
0xd: {  	[smem:$0x3FB1] =	sst s5  }
0xe: {  	[smem:$0x3FB2] =	sst s6  }
0xf: {  	[smem:$0x3FB3] =	sst s7  }
0x10: {  	[smem:$0x3FB4] =	sst s8  }
0x11: {  	[smem:$0x3FB5] =	sst s9;
	s0 =	simm.s32 @!p0 $0x0  }
0x12: {  	s1 =	sld [smem:$0x3F9B];
	s0 =	simm.s32 @p0 $0x1  }
0x13: {  	[smem:$0x3FB6] =	sst s0;
	s0 =	simm.s32 @!p1 $0x0  }
0x14: {  	s2 =	sld [smem:$0x3F9A];
	s0 =	simm.s32 @p1 $0x1  }
0x15: {  	[smem:$0x3FB7] =	sst s0;
	s0 =	simm.s32 @!p2 $0x0  }
0x16: {  	s3 =	sld [smem:$0x3FDB];
	s0 =	simm.s32 @p2 $0x1  }
0x17: {  	s4 =	simm.s32 $0x1BF5;
	[smem:$0x3FB9] =	sst s0  }
0x18: {  	s0 =	sld [smem:$0x3F9C];
	_ =	swait.ge [sflag:s4], $0x0  }
0x19: {  	s7 =	sld [smem:$0x3F9D]  }
0x1a: {  	s8 =	sadd.s32 $0xFFFFE003, lr  }
0x1b: {  	s9 =	sadd.s32 $0xFFFFFEF7, lr;
	s5 =	simm.s32 $0xFFFFFFFF;
	p2 =	slt.u32 s8, $0xFFFFF086  }
0x1c: {  	p1 =	slt.u32 s9, $0xF7A;
	s5 =	simm.s32 @!p2 $0x0  }
0x1d: {  	s5 =	simm.s32 @p1 $0x1;
	p0 =	seq.s32 s7, s2  }
0x1e: {  	s7 =	smul.u32 @!p0 $0xF7A, s2;
	p2 =	seq.s32 @!p0 s5, $0x0  }
0x1f: {  	s9 =	smul.u32 $0xF7A, s1;
	s8 =	simm.s32 @!p0 $0x1BF5;
	p2 =	por !p2, p0  }
0x20: {  	[sflag:s8] =	ssyncset.s32 @!p0 $0xFFFFF086;
	s6 =	sadd.s32 @!p0 s3, s7;
	s7 =	simm.s32 @!p0 $0x108  }
0x21: {  	s3 =	sadd.s32 s3, s9;
	s6 =	sadd.s32 @!p0 $0x88, s6;
	s7 =	simm.s32 @p2 $0x1082  }
0x22: {  	[simem:s7], [sflag:s8] =	dma.local @!p0 [hbm:s6], $0xF7A  }
0x23: {  	s9 =	sor.u32 $0xD0000000, s2;
	s6 =	simm.s32 $0x108;
	_ =	swait.ge @!p0 [sflag:s8], $0x0  }
0x24: {  	s3 =	sadd.s32 $0x88, s3;
	s6 =	simm.s32 @!p1 $0x1082;
	[sflag:s4] =	ssyncset.s32 $0xFFFFF086  }
0x25: {  	[simem:s6], [sflag:s4] =	dma.local [hbm:s3], $0xF7A  }
0x26: {  	[smem:$0x3F9D] =	sst s1;
	(tag) =	ssettag s2;
	_ =	strace s9  }
0x27: {  	s1 =	sld [smem:$0x3FAD]  }
0x28: {  	s2 =	sld [smem:$0x3FAE]  }
0x29: {  	s4 =	sld [smem:$0x3FB0]  }
0x2a: {  	p0 =	seq.s32 s5, $0x0;
	s5 =	sld [smem:$0x3FB1]  }
0x2b: {  	s6 =	sld [smem:$0x3FB2]  }
0x2c: {  	s7 =	sld [smem:$0x3FB3]  }
0x2d: {  	s3 =	simm.s32 $0x108;
	s8 =	sld [smem:$0x3FB4]  }
0x2e: {  	s3 =	simm.s32 @!p0 $0x1082;
	s9 =	sld [smem:$0x3FB5]  }
0x2f: {  	lr =	sadd.s32 s0, s3;
	s0 =	sld [smem:$0x3FAC]  }
0x30: {  	s3 =	sld [smem:$0x3FAF]  }
0x31: {  	[smem:$0x3FB8] =	sst s10  }
0x32: {  	s10 =	sld [smem:$0x3FB6];
	_ =	sdelay $0x3  }
0x33: {  	p0 =	seq.s32 s10, $0x1;
	s10 =	sld [smem:$0x3FB8];
	_ =	sdelay $0x3  }
0x34: {  	[smem:$0x3FB8] =	sst s10  }
0x35: {  	s10 =	sld [smem:$0x3FB7];
	_ =	sdelay $0x3  }
0x36: {  	p1 =	seq.s32 s10, $0x1;
	s10 =	sld [smem:$0x3FB8];
	_ =	sdelay $0x3  }
0x37: {  	[smem:$0x3FB8] =	sst s10  }
0x38: {  	s10 =	sld [smem:$0x3FB9]  }
0x39: {  	_ = 	snop;
	(pc) =	sbr.ind lr, $3  }
0x3a: {  	_ = 	snop  }
0x3b: {  	_ = 	snop  }
0x3c: {  	p2 =	seq.s32 s10, $0x1;
	s10 =	sld [smem:$0x3FB8]  }
0x3d: {  	_ =	shalt  }
0x3e: {  	_ =	shalt  }
0x3f: {  	_ =	shalt  }
0x40: {  	_ =	shalt  }
0x41: {  	_ =	shalt  }
0x42: {  	_ =	shalt  }
0x43: {  	_ =	shalt  }
0x44: {  	_ =	shalt  }
0x45: {  	_ =	shalt  }
0x46: {  	_ =	shalt  }
0x47: {  	_ =	shalt  }
0x48: {  	_ =	shalt  }
0x49: {  	_ =	shalt  }
0x4a: {  	_ =	shalt  }
0x4b: {  	_ =	shalt  }
0x4c: {  	_ =	shalt  }
0x4d: {  	_ =	shalt  }
0x4e: {  	_ =	shalt  }
0x4f: {  	_ =	shalt  }
0x50: {  	_ =	shalt  }
0x51: {  	_ =	shalt  }
0x52: {  	_ =	shalt  }
0x53: {  	_ =	shalt  }
0x54: {  	_ =	shalt  }
0x55: {  	_ =	shalt  }
0x56: {  	_ =	shalt  }
0x57: {  	_ =	shalt  }
0x58: {  	_ =	shalt  }
0x59: {  	_ =	shalt  }
0x5a: {  	_ =	shalt  }
0x5b: {  	_ =	shalt  }
0x5c: {  	_ =	shalt  }
0x5d: {  	_ =	shalt  }
0x5e: {  	_ =	shalt  }
0x5f: {  	_ =	shalt  }
0x60: {  	_ =	shalt  }
0x61: {  	_ =	shalt  }
0x62: {  	_ =	shalt  }
0x63: {  	_ =	shalt  }
0x64: {  	_ =	shalt  }
0x65: {  	_ =	shalt  }
0x66: {  	_ =	shalt  }
0x67: {  	_ =	shalt  }
0x68: {  	_ =	shalt  }
0x69: {  	_ =	shalt  }
0x6a: {  	_ =	shalt  }
0x6b: {  	_ =	shalt  }
0x6c: {  	_ =	shalt  }
0x6d: {  	_ =	shalt  }
0x6e: {  	_ =	shalt  }
0x6f: {  	_ =	shalt  }
0x70: {  	_ =	shalt  }
0x71: {  	_ =	shalt  }
0x72: {  	_ =	shalt  }
0x73: {  	_ =	shalt  }
0x74: {  	_ =	shalt  }
0x75: {  	_ =	shalt  }
0x76: {  	_ =	shalt  }
0x77: {  	_ =	shalt  }
0x78: {  	_ =	shalt  }
0x79: {  	_ =	shalt  }
0x7a: {  	_ =	shalt  }
0x7b: {  	_ =	shalt  }
0x7c: {  	_ =	shalt  }
0x7d: {  	_ =	shalt  }
0x7e: {  	_ =	shalt  }
0x7f: {  	_ =	shalt  }
0x80: {  	_ =	shalt  }
0x81: {  	_ =	shalt  }
0x82: {  	_ =	shalt  }
0x83: {  	_ =	shalt  }
0x84: {  	_ =	shalt  }
0x85: {  	_ =	shalt  }
0x86: {  	_ =	shalt  }
0x87: {  	_ =	shalt  }
.Lfunc_end0:
.L_simem_size_0:
called_computation.3_lowered:
.L_overlay_start_0:
0x88: {  	s2 =	sld [smem:$0x3FD9]  }
0x89: {  	s3 =	sld [smem:$0x3FFE];
	_ =	sdelay $0x1  }
0x8a: {  	s1 =	srdreg.scid  }
0x8b: {  	s0 =	sand.u32 $0x1, s1  }
0x8c: {  	s17 =	sshll.u32 s0, $0xA;
	s2 =	sadd.s32 s3, s2  }
0x8d: {  	s2 =	sadd.s32 s2, s17  }
0x8e: {  	[smem:$0x3FC4] =	sst s2  }
0x8f: {  	_ = 	snop  }
0x90: {  	(tm) =	ssettm $0x1  }
0x91: {  	s18 =	sld [smem:$0x3FFB];
	_ =	sdelay $0x3  }
0x92: {  	_ =	strace s18  }
0x93: {  	s2 =	sld [smem:$0x3FFC];
	_ =	sdelay $0x3  }
0x94: {  	_ =	strace s2  }
0x95: {  	s2 =	sld [smem:$0x3FFD];
	_ =	sdelay $0x3  }
0x96: {  	_ =	strace s2  }
0x97: {  	_ =	strace $0x8FFFFFFF  }
0x98: {  	s19 =	sld [smem:$0x3FDB];
	_ =	sdelay $0x1  }
0x99: {  	s20 =	simm.s32 $_scs_section_size  }
0x9a: {  	s4 =	simm.s32 $_size__tile_overlayer_lowered;
	s5 =	simm.s32 $_tile_overlayer_lowered  }
0x9b: {  	s6 =	simm.s32 $0x1BFF;
	s21 =	sshll.u32 s5, $0x1;
	s3 =	sadd.s32 s20, s19  }
0x9c: {  	s22 =	simm.s32 $0x0;
	s4 =	sshll.u32 s4, $0x1;
	s5 =	sadd.s32 s21, s3  }
0x9d: {  	[timem:s22], [sflag:s6] =	dma.local [hbm:s5], s4  }
0x9e: {  	_ =	swait.ge [sflag:s6], s4  }
0x9f: {  	s4 =	ssub.s32 $0x0, s4;
	[sflag:s6] =	ssyncset.done $0x0  }
0xa0: {  	[sflag:s6] =	ssyncadd.s32 s4;
	_ =	sdelay $0x1  }
0xa1: {  	s23 =	simm.s32 $0x1B8B  }
0xa2: {  	_ =	swait.ge [sflag:s23], $0x1  }
0xa3: {  	[sflag:s23] =	ssyncset.done $0x0  }
0xa4: {  	[sflag:s23] =	ssyncadd.s32 $0xFFFFFFFF  }
0xa5: {  	s4 =	sld [smem:$0x0]  }
0xa6: {  	s5 =	sand.u32 $0xFFFFFFFE, s1  }
0xa7: {  	p0 =	sne.s32 s1, s5  }
0xa8: {  	s5 =	sshll.u32 @p0 s5, $0xE  }
0xa9: {  	s5 =	sadd.s32 @p0 $0x11B8D, s5;
	s6 =	sshll.u32 @p0 s4, $0x11  }
0xaa: {  	s5 =	sor.u32 @p0 s6, s5  }
0xab: {  	[sflag:s5] =	ssyncadd.remote.s32 @p0 $0x1;
	_ =	sdelay $0x1  }
0xac: {  	s5 =	simm.s32 @p0 $0x1B8D  }
0xad: {  	_ =	swait.eq @p0 [sflag:s5], $0x1  }
0xae: {  	[sflag:s5] =	ssyncadd.s32 @p0 $0xFFFFFFFF  }
0xaf: {  	s6 =	sshll.u32 @!p0 s1, $0xE  }
0xb0: {  	s6 =	sor.u32 @!p0 $0x4000, s6;
	s5 =	simm.s32 @!p0 $0x1B8D  }
0xb1: {  	s4 =	sshll.u32 @!p0 s4, $0x11;
	s6 =	sadd.s32 @!p0 $0x11B8D, s6;
	_ =	swait.eq @!p0 [sflag:s5], $0x1  }
0xb2: {  	s4 =	sor.u32 @!p0 s4, s6;
	[sflag:s5] =	ssyncadd.s32 @!p0 $0xFFFFFFFF  }
0xb3: {  	s25 =	simm.s32 $0x1B8E;
	s24 =	sld [smem:$0x3FFE];
	[sflag:s4] =	ssyncadd.remote.s32 @!p0 $0x1  }
0xb4: {  	s26 =	simm.s32 $execute0_lowered;
	[smem:$0x3FD2] =	sst s25  }
0xb5: {  	s5 =	sshll.u32 s26, $0x1;
	_ =	strace $0x8000004C;
	[dreg:$0x1] =	wrdreg $0xFFFFFFFF  }
0xb6: {  	s28 =	simm.s32 $_size_execute0_lowered;
	s3 =	sadd.s32 s3, s5;
	[dreg:$0x0] =	wrdreg $0x0  }
0xb7: {  	s5 =	sshll.u32 s28, $0x1;
	[dreg:$0x2] =	wrdreg s3  }
0xb8: {  	[dreg:$0x3] =	wrdreg s5  }
0xb9: {  	[dreg:$0x4] =	wrdreg $0xC0  }
0xba: {  	_ =	task [dreg:s22], $0x5FFFF  }
0xbb: {  	[dreg:$0x1] =	wrdreg $0xFFFFFFFF  }
0xbc: {  	[dreg:$0x0] =	wrdreg $0x60  }
0xbd: {  	[dreg:$0x2] =	wrdreg s24  }
0xbe: {  	[dreg:$0x3] =	wrdreg $0xC  }
0xbf: {  	_ =	task.clear_ibuf [dreg:s22], $0x4FFFF;
	_ =	strace $0x9000004C  }
0xc0: {  	s29 =	simm.s32 $0xC;
	_ =	strace $0x8000004E  }
0xc1: {  	_ =	swait.ge [sflag:s29], $0x1  }
0xc2: {  	[sflag:s29] =	ssyncadd.s32 $0xFFFFFFFF  }
0xc3: {  	_ =	strace $0x9000004E  }
0xc4: {  	_ =	sfence  }
0xc5: {  	s30 =	sld [smem:$0x0];
	_ =	sdelay $0x2  }
0xc6: {  	s31 =	sshll.u32 s1, $0xD;
	s1 =	sshrl.u32 s1, $0x2  }
0xc7: {  	s4 =	sand.u32 $0x4000, s31;
	s1 =	sadd.s32 s1, s30  }
0xc8: {  	s0 =	sor.u32 s4, s0;
	s1 =	sshll.u32 s1, $0x11  }
0xc9: {  	s0 =	sor.u32 s1, s0  }
0xca: {  	s0 =	sadd.s32 $0x8F2B, s0  }
0xcb: {  	[sflag:s0] =	ssyncadd.remote.s32 $0x1  }
0xcc: {  	_ =	sfence.sel $0xFFFF  }
0xcd: {  	[dreg:$0x0] =	wrdreg $0xFFFFFFFF;
	(pc) =	sbr.abs _section_cstart, $3  }
0xce: {  	[dreg:$0x1] =	wrdreg $0xFFFFFFFF  }
0xcf: {  	_ =	task.clear_ibuf [dreg:s22], $0x2FFFF;
	_ =	strace $0x9FFFFFFF  }
0xd0: {  	(tm) =	ssettm $0x7FFFFFFF  }
0xd1: {  	_ =	shalt  }
tec
execute0_lowered:
.L_overlay_start_1:
0x0: {  	(tag) =	ssettag $0x1  }
0x1: {  	s1 =	srdreg.scid  }
0x2: {  	s0 =	stileid.u32;
	s4 =	rddreg [dreg:$0x0]  }
0x3: {  	s2 =	simm.s32 $0x0;
	s12 =	simm.s32 $0x1900;
	s13 =	simm.s32 $0x3900  }
0x4: {  	s15 =	simm.s32 $0x5900;
	s17 =	simm.s32 $0x7900;
	s18 =	simm.s32 $0x200  }
0x5: {  	s19 =	simm.s32 $0x9900;
	s20 =	simm.s32 $0x1;
	s21 =	simm.s32 $0x2  }
0x6: {  	s22 =	simm.s32 $0x3;
	s23 =	simm.s32 $0x4;
	s24 =	simm.s32 $0x5  }
0x7: {  	s25 =	simm.s32 $0x0;
	s6 =	sand.u32 $0x1, s1;
	s5 =	smul.u32 $0x64, s0  }
0x8: {  	s29 =	sshll.u32 s0, $0x1;
	[smem:$0x7FF] =	sst s2;
	s30 =	smul.u32 $0x19000, s0  }
0x9: {  	s11 =	sadd.s32 $0x32E400, s4;
	s7 =	ssub.s32 $0x2, s6;
	s8 =	smul.u32 $0x32, s6  }
0xa: {  	s3 =	sor.u32 s6, s29;
	s31 =	smul.u32 $0xC800, s6;
	s10 =	sshrl.u32 s7, $0x1  }
0xb: {  	_ =	strace $0x8000004D;
	s3 =	smul.u32 $0x320, s3;
	s7 =	ssub.s32 s7, s10  }
.Ltmp0:
0xc: {  	s5 =	sadd.s32 s8, s5;
	s10 =	simm.s32 $0x6;
	(pc) =	sbr.rel .LBB2_1-.Ltmp0, $4  }
0xd: {  	s9 =	sadd.s32 s3, s4;
	s3 =	sadd.s32 $0xF44000, s4;
	s8 =	sshll.u32 s5, $0xA  }
0xe: {  	s5 =	smax.u32 s7, $0x1;
	s4 =	sadd.s32 $0x8000, s9;
	s8 =	sadd.s32 s8, s11  }
0xf: {  	s9 =	sadd.s32 s30, s11;
	s11 =	simm.s32 $0x80;
	s6 =	sadd.s32 $0x1000, s8  }
0x10: {  	s7 =	sadd.s32 $0xC00, s8;
	s8 =	sadd.s32 $0x400, s8;
	s9 =	sadd.s32 s31, s9  }
.LBB2_4:
0x11: {  	s25 =	sadd.s32 $0x1, s25  }
0x12: {  	p0 =	sne.s32 s25, s5  }
.Ltmp1:
0x13: {  	_ = 	snop;
	(pc) =	sbr.rel @!p0 .LBB2_5-.Ltmp1, $1  }
0x14: {  	_ =	sdelay $0x3  }
.LBB2_1:
0x15: {  	[tilespmem:s2], [sflag:$0x6] =	stream.linear.gather [hbm4b:s4+s2], $0x1900, $0x38;
	[tilespmem:$0xB900] =	vst v63  }
0x16: {  	_ =	swait.ge [sflag:s10], $0x1900  }
0x17: {  	[sflag:s10] =	ssyncset.done $0x0  }
0x18: {  	[sflag:s10] =	ssyncadd.s32 $0xFFFFE700  }
0x19: {  	[tilespmem:s12], [sflag:$0x1] =	stream.indirect.gather [hbm4b:s3+s11], $0x40, s2, s11, $0xb8;
	[tilespmem:$0xB900] =	vst v63  }
0x1a: {  	_ = 	snop  }
0x1b: {  	[tilespmem:s13], [sflag:$0x2] =	stream.indirect.gather [hbm4b:s3+s11], $0x40, s11, s11, $0xb8;
	[tilespmem:$0xB900] =	vst v63  }
0x1c: {  	s0 =	simm.s32 $0x100  }
0x1d: {  	[tilespmem:s15], [sflag:$0x3] =	stream.indirect.gather [hbm4b:s3+s11], $0x40, s0, s11, $0xb8;
	[tilespmem:$0xB900] =	vst v63  }
0x1e: {  	s26 =	simm.s32 $0x180;
	s28 =	smov.u32 s8;
	s29 =	smov.u32 s7  }
0x1f: {  	[tilespmem:s17], [sflag:$0x4] =	stream.indirect.gather [hbm4b:s3+s11], $0x40, s26, s11, $0xb8;
	[tilespmem:$0xB900] =	vst v63  }
0x20: {  	s30 =	smov.u32 s6;
	s31 =	simm.s32 $0x0;
	s26 =	smov.u32 s9  }
0x21: {  	[tilespmem:s19], [sflag:$0x5] =	stream.indirect.gather [hbm4b:s3+s11], $0x40, s18, s11, $0xb8;
	[tilespmem:$0xB900] =	vst v63  }
.LBB2_2:
0x22: {  	_ =	swait.ge [sflag:s20], $0x2000  }
0x23: {  	[sflag:s20] =	ssyncset.done $0x0  }
0x24: {  	[sflag:s20] =	ssyncadd.s32 $0xFFFFE000  }
0x25: {  	[hbm4b:s26+s2] =	stream.linear.scatter [tilespmem:s12], [sflag:$0x6], $0x2000, $0x38;
	[tilespmem:$0xB900] =	vst v63  }
0x26: {  	p0 =	seq.s32 s31, $0x5A00;
	_ =	swait.ge [sflag:s10], $0x2000  }
0x27: {  	s1 =	sshra.s32 @!p0 s31, $0x2;
	s14 =	simm.s32 @!p0 $0x80;
	[sflag:s10] =	ssyncset.done $0x0  }
0x28: {  	s16 =	simm.s32 @!p0 $0x1900;
	s0 =	sadd.s32 @!p0 $0x280, s1;
	[sflag:s10] =	ssyncadd.s32 $0xFFFFE000  }
0x29: {  	[tilespmem:s16], [sflag:$0x1] =	stream.indirect.gather @!p0 [hbm4b:s3+s14], $0x40, s0, s14, $0xb8;
	[tilespmem:$0xB900] =	vst v63  }
0x2a: {  	_ =	swait.ge [sflag:s21], $0x2000  }
0x2b: {  	[sflag:s21] =	ssyncset.done $0x0  }
0x2c: {  	[sflag:s21] =	ssyncadd.s32 $0xFFFFE000  }
0x2d: {  	[hbm4b:s28+s2] =	stream.linear.scatter [tilespmem:s13], [sflag:$0x6], $0x2000, $0x38;
	[tilespmem:$0xB900] =	vst v63  }
0x2e: {  	_ =	swait.ge [sflag:s10], $0x2000  }
0x2f: {  	[sflag:s10] =	ssyncset.done $0x0  }
0x30: {  	s0 =	sadd.s32 @!p0 $0x300, s1;
	s16 =	simm.s32 @!p0 $0x3900;
	[sflag:s10] =	ssyncadd.s32 $0xFFFFE000  }
0x31: {  	[tilespmem:s16], [sflag:$0x2] =	stream.indirect.gather @!p0 [hbm4b:s3+s14], $0x40, s0, s14, $0xb8;
	[tilespmem:$0xB900] =	vst v63  }
0x32: {  	_ =	swait.ge [sflag:s22], $0x2000  }
0x33: {  	[sflag:s22] =	ssyncset.done $0x0  }
0x34: {  	s16 =	sadd.s32 $0xFFFFFC00, s29;
	[sflag:s22] =	ssyncadd.s32 $0xFFFFE000  }
0x35: {  	[hbm4b:s16+s2] =	stream.linear.scatter [tilespmem:s15], [sflag:$0x6], $0x2000, $0x38;
	[tilespmem:$0xB900] =	vst v63  }
0x36: {  	_ =	swait.ge [sflag:s10], $0x2000  }
0x37: {  	[sflag:s10] =	ssyncset.done $0x0  }
0x38: {  	s0 =	sadd.s32 @!p0 $0x380, s1;
	s16 =	simm.s32 @!p0 $0x5900;
	[sflag:s10] =	ssyncadd.s32 $0xFFFFE000  }
0x39: {  	[tilespmem:s16], [sflag:$0x3] =	stream.indirect.gather @!p0 [hbm4b:s3+s14], $0x40, s0, s14, $0xb8;
	[tilespmem:$0xB900] =	vst v63  }
0x3a: {  	_ =	swait.ge [sflag:s23], $0x2000  }
0x3b: {  	[sflag:s23] =	ssyncset.done $0x0  }
0x3c: {  	[sflag:s23] =	ssyncadd.s32 $0xFFFFE000  }
0x3d: {  	[hbm4b:s29+s2] =	stream.linear.scatter [tilespmem:s17], [sflag:$0x6], $0x2000, $0x38;
	[tilespmem:$0xB900] =	vst v63  }
0x3e: {  	_ =	swait.ge [sflag:s10], $0x2000  }
0x3f: {  	[sflag:s10] =	ssyncset.done $0x0  }
0x40: {  	s0 =	sadd.s32 @!p0 $0x400, s1;
	s1 =	simm.s32 @!p0 $0x7900;
	[sflag:s10] =	ssyncadd.s32 $0xFFFFE000  }
0x41: {  	[tilespmem:s1], [sflag:$0x4] =	stream.indirect.gather @!p0 [hbm4b:s3+s14], $0x40, s0, s14, $0xb8;
	[tilespmem:$0xB900] =	vst v63  }
0x42: {  	_ =	swait.ge [sflag:s24], $0x2000  }
0x43: {  	[sflag:s24] =	ssyncset.done $0x0  }
.Ltmp2:
0x44: {  	[sflag:s24] =	ssyncadd.s32 $0xFFFFE000;
	(pc) =	sbr.rel @p0 .LBB2_4-.Ltmp2, $4  }
0x45: {  	[hbm4b:s30+s2] =	stream.linear.scatter [tilespmem:s19], [sflag:$0x6], $0x2000, $0x38;
	[tilespmem:$0xB900] =	vst v63  }
0x46: {  	_ =	swait.ge [sflag:s10], $0x2000  }
0x47: {  	[sflag:s10] =	ssyncset.done $0x0  }
0x48: {  	[sflag:s10] =	ssyncadd.s32 $0xFFFFE000  }
.Ltmp3:
0x49: {  	(pc) =	sbr.rel .LBB2_2-.Ltmp3, $4  }
0x4a: {  	s0 =	sshra.s32 s31, $0x2  }
0x4b: {  	s31 =	sadd.s32 $0xA00, s31;
	s30 =	sadd.s32 $0x1400, s30;
	s29 =	sadd.s32 $0x1400, s29  }
0x4c: {  	s28 =	sadd.s32 $0x1400, s28;
	s26 =	sadd.s32 $0x1400, s26;
	s0 =	sadd.s32 $0x480, s0  }
0x4d: {  	[tilespmem:s19], [sflag:$0x5] =	stream.indirect.gather [hbm4b:s3+s11], $0x40, s0, s11, $0xb8;
	[tilespmem:$0xB900] =	vst v63  }
.LBB2_5:
0x4e: {  	_ =	sfence.sel $0x180000  }
0x4f: {  	[bflag:$0x0] =	sbarrier.arrive $0xFFFF  }
0x50: {  	_ =	strace $0x9000004D  }
0x51: {  	s0 =	stileid.u32;
	[bflag:$0x2] =	sbarrier.arrive $0xFFFF  }
0x52: {  	p0 =	sne.s32 s0, $0x0;
	s0 =	rddreg [dreg:$0x1]  }
0x53: {  	s0 =	sadd.s32 @!p0 $0x100000, s0  }
0x54: {  	[sflag:s0] =	ssyncadd.tile.s32 @!p0 $0x1;
	_ =	shalt  }
.Lfunc_end2:
_tile_overlayer_lowered:
.L_overlay_start_2:
0x55: {  	(tag) =	ssettag $0x2  }
0x56: {  	s0 =	rddreg [dreg:$0x0];
	s2 =	stileid.u32  }
0x57: {  	s1 =	rddreg [dreg:$0x1];
	p0 =	sne.s32 s2, $0x0  }
0x58: {  	s3 =	rddreg [dreg:$0x2];
	[bflag:$0x3] =	sbarrier.arrive $0xFFFF;
	s2 =	simm.s32 @!p0 $0x1C06  }
0x59: {  	[timem:s3], [sflag:s2] =	dma.local @!p0 [hbm:s0], s1  }
0x5a: {  	s0 =	simm.s32 @!p0 $0x6  }
0x5b: {  	_ =	swait.ge @!p0 [sflag:s0], s1  }
0x5c: {  	s1 =	ssub.s32 @!p0 $0x0, s1;
	[sflag:s0] =	ssyncset.done @!p0 $0x0  }
0x5d: {  	[sflag:s0] =	ssyncadd.s32 @!p0 s1  }
0x5e: {  	[bflag:$0x3] =	sbarrier.arrive $0xFFFF  }
0x5f: {  	_ =	shalt  }

</sc_bundles>
